<compile_context>
chip_gen: v7x
topology: tpu7x:2x2x1
jax: 0.10.2.dev20260603
libtpu: 0.0.44.dev20260713+nightly
codegen_flags: <defaults>
</compile_context>

<pallas_src>
import functools

import jax
import jax.numpy as jnp
from jax import lax
from jax.experimental import pallas as pl
from jax.experimental.pallas import tpu as pltpu
from jax.experimental.pallas import tpu_sc as plsc

N = 50000
E = 800000
G = 64
NC = 2
NS = 16
NP = 51200
SL = NP // NS
EP = 819200
MT = EP // (NC * NS)
ET = EP // NS
DCH = 3200
R = 2048
NB = NP // R

_MESH = dict(core_axis_name="c", subcore_axis_name="s", num_cores=NC,
             num_subcores=NS)
_SC_PARAMS = pltpu.CompilerParams(use_tc_tiling_on_sc=False)


def _fill1d(ref, n, val):
    v = jnp.full((16,), val, dtype=ref.dtype)

    def body(i, carry):
        ref[pl.ds(i * 16, 16)] = v
        return carry

    lax.fori_loop(0, n // 16, body, 0)


def _zero2d(ref, rows, cols):
    z = jnp.zeros((16,), dtype=ref.dtype)

    def body(i, carry):
        for j in range(cols // 16):
            ref[i, pl.ds(j * 16, 16)] = z
        return carry

    lax.fori_loop(0, rows, body, 0)




@functools.partial(
    pl.kernel,
    out_type=jax.ShapeDtypeStruct((NC, NP), jnp.float32),
    mesh=plsc.VectorSubcoreMesh(**_MESH),
    scratch_types=[
        pltpu.VMEM((SL,), jnp.float32),
        pltpu.VMEM((DCH,), jnp.float32),
        pltpu.VMEM((DCH,), jnp.int32),
        pltpu.VMEM_SHARED((NP,), jnp.float32),
    ],
    compiler_params=_SC_PARAMS,
)
def _deg_sc(dst_hbm, out_hbm, zb, oneb, idxb, acc):
    c = lax.axis_index("c")
    s = lax.axis_index("s")
    _fill1d(zb, SL, 0.0)
    _fill1d(oneb, DCH, 1.0)
    off = pl.multiple_of(s * SL, 8)
    pltpu.sync_copy(zb, acc.at[pl.ds(off, SL)])
    plsc.subcore_barrier()
    wid = s * NC + c

    def chunk(i, carry):
        base = pl.multiple_of(wid * MT + i * DCH, 8)
        pltpu.sync_copy(dst_hbm.at[pl.ds(base, DCH)], idxb)
        pltpu.sync_copy(oneb, acc.at[idxb], add=True)
        return carry

    lax.fori_loop(0, MT // DCH, chunk, 0)
    plsc.subcore_barrier()
    pltpu.sync_copy(acc.at[pl.ds(off, SL)], zb)
    pltpu.sync_copy(zb, out_hbm.at[c, pl.ds(off, SL)])




def _make_agg(fh, ch, tabmult):
    wr = SL // ch
    nch = ET // ch

    @functools.partial(
        pl.kernel,
        out_type=jax.ShapeDtypeStruct((NC, NP, fh), jnp.float32),
        mesh=plsc.VectorSubcoreMesh(**_MESH),
        scratch_types=[
            pltpu.VMEM((ch, fh), jnp.float32),
            pltpu.VMEM((ch, fh), jnp.float32),
            pltpu.VMEM((ch,), jnp.int32),
            pltpu.VMEM((ch,), jnp.int32),
            pltpu.VMEM((ch,), jnp.int32),
            pltpu.VMEM((ch,), jnp.int32),
            pltpu.VMEM_SHARED((NP, fh), jnp.float32),
            pltpu.SemaphoreType.DMA,
            pltpu.SemaphoreType.DMA,
        ],
        compiler_params=_SC_PARAMS,
    )
    def agg(tab_hbm, srcoff_hbm, dst_hbm, out_hbm, rows0, rows1, sidx0,
            sidx1, didx0, didx1, acc, sem0, sem1):
        c = lax.axis_index("c")
        s = lax.axis_index("s")
        _zero2d(rows0, ch, fh)
        for r in range(wr):
            off = pl.multiple_of(s * SL + r * ch, 8)
            pltpu.sync_copy(rows0, acc.at[pl.ds(off, ch)])
        plsc.subcore_barrier()
        tb = s * ET

        def fetch(i, sidx, didx, rows, sem):
            base = pl.multiple_of(tb + i * ch, 8)
            pltpu.sync_copy(srcoff_hbm.at[c, pl.ds(base, ch)], sidx)
            pltpu.sync_copy(dst_hbm.at[pl.ds(base, ch)], didx)
            return pltpu.async_copy(tab_hbm.at[sidx], rows, sem)

        def body(j, carry):
            d0 = fetch(2 * j, sidx0, didx0, rows0, sem0)
            d1 = fetch(2 * j + 1, sidx1, didx1, rows1, sem1)
            d0.wait()
            pltpu.sync_copy(rows0, acc.at[didx0], add=True)
            d1.wait()
            pltpu.sync_copy(rows1, acc.at[didx1], add=True)
            return carry

        lax.fori_loop(0, nch // 2, body, 0)
        plsc.subcore_barrier()
        for r in range(wr):
            off = pl.multiple_of(s * SL + r * ch, 8)
            pltpu.sync_copy(acc.at[pl.ds(off, ch)], rows0)
            pltpu.sync_copy(rows0, out_hbm.at[c, pl.ds(off, ch)])

    return agg


_agg16 = _make_agg(16, 1600, 4)




def _tc_a_body(deg_ref, x_ref, w_ref, b_ref, dis_ref, h1_ref, hp_ref):
    deg = deg_ref[...]
    d = deg[:, 0:1] + deg[:, 1:2] + 1.0
    dis = lax.rsqrt(d)
    h = jnp.dot(x_ref[...], w_ref[...], preferred_element_type=jnp.float32)
    h = jnp.maximum(h + b_ref[...], 0.0)
    hp = h * dis
    dis_ref[...] = dis
    h1_ref[...] = h
    hp_ref[...] = jnp.concatenate([hp, jnp.zeros((R, 96), jnp.float32)],
                                  axis=1)


_tc_a = pl.pallas_call(
    _tc_a_body,
    grid=(NB,),
    in_specs=[
        pl.BlockSpec((R, 2), lambda i: (i, 0)),
        pl.BlockSpec((R, 2), lambda i: (i, 0)),
        pl.BlockSpec((2, 32), lambda i: (0, 0)),
        pl.BlockSpec((1, 32), lambda i: (0, 0)),
    ],
    out_specs=[
        pl.BlockSpec((R, 1), lambda i: (i, 0)),
        pl.BlockSpec((R, 32), lambda i: (i, 0)),
        pl.BlockSpec((R, 128), lambda i: (i, 0)),
    ],
    out_shape=[
        jax.ShapeDtypeStruct((NP, 1), jnp.float32),
        jax.ShapeDtypeStruct((NP, 32), jnp.float32),
        jax.ShapeDtypeStruct((NP, 128), jnp.float32),
    ],
)


def _tc_b_body(a_ref, h1_ref, dis_ref, w1_ref, b1_ref, g1_ref, hp2_ref):
    agg = jnp.concatenate([a_ref[0], a_ref[1]], axis=1)
    dis = dis_ref[...]
    pre = dis * agg + dis * dis * h1_ref[...]
    g1 = jnp.dot(pre, w1_ref[...], preferred_element_type=jnp.float32)
    g1 = jnp.maximum(g1 + b1_ref[...], 0.0)
    g1_ref[...] = g1
    hp2 = g1 * dis
    hp2_ref[...] = jnp.concatenate([hp2, jnp.zeros((R, 64), jnp.float32)],
                                   axis=1)


_tc_b = pl.pallas_call(
    _tc_b_body,
    grid=(NB,),
    in_specs=[
        pl.BlockSpec((2, R, 16), lambda i: (0, i, 0)),
        pl.BlockSpec((R, 32), lambda i: (i, 0)),
        pl.BlockSpec((R, 1), lambda i: (i, 0)),
        pl.BlockSpec((32, 64), lambda i: (0, 0)),
        pl.BlockSpec((1, 64), lambda i: (0, 0)),
    ],
    out_specs=[
        pl.BlockSpec((R, 64), lambda i: (i, 0)),
        pl.BlockSpec((R, 128), lambda i: (i, 0)),
    ],
    out_shape=[
        jax.ShapeDtypeStruct((NP, 64), jnp.float32),
        jax.ShapeDtypeStruct((NP, 128), jnp.float32),
    ],
)


def _tc_c_body(aa_ref, ab_ref, g1_ref, dis_ref, batch_ref, w2_ref, b2_ref,
               fw1_ref, fb1_ref, fw2_ref, fb2_ref, out_ref, sums_ref,
               cnt_ref):
    i = pl.program_id(0)

    @pl.when(i == 0)
    def _init():
        sums_ref[...] = jnp.zeros_like(sums_ref)
        cnt_ref[...] = jnp.zeros_like(cnt_ref)

    agg = jnp.concatenate([aa_ref[0], aa_ref[1], ab_ref[0], ab_ref[1]],
                          axis=1)
    dis = dis_ref[...]
    pre = dis * agg + dis * dis * g1_ref[...]
    g2 = jnp.dot(pre, w2_ref[...], preferred_element_type=jnp.float32)
    g2 = jnp.maximum(g2 + b2_ref[...], 0.0)
    b = batch_ref[...]
    gid = lax.broadcasted_iota(jnp.int32, (1, G), 1)
    m = (b == gid).astype(jnp.float32)
    dn = (((0,), (0,)), ((), ()))
    sums_ref[...] += lax.dot_general(m, g2, dn,
                                     preferred_element_type=jnp.float32)
    ones = jnp.ones((R, 1), jnp.float32)
    cnt_ref[...] += lax.dot_general(m, ones, dn,
                                    preferred_element_type=jnp.float32)

    @pl.when(i == NB - 1)
    def _final():
        pooled = sums_ref[...] / jnp.maximum(cnt_ref[...], 1.0)
        o = jnp.dot(pooled, fw1_ref[...], preferred_element_type=jnp.float32)
        o = jnp.maximum(o + fb1_ref[...], 0.0)
        o = jnp.dot(o, fw2_ref[...], preferred_element_type=jnp.float32)
        out_ref[...] = o + fb2_ref[...]


_tc_c = pl.pallas_call(
    _tc_c_body,
    grid=(NB,),
    in_specs=[
        pl.BlockSpec((2, R, 16), lambda i: (0, i, 0)),
        pl.BlockSpec((2, R, 16), lambda i: (0, i, 0)),
        pl.BlockSpec((R, 64), lambda i: (i, 0)),
        pl.BlockSpec((R, 1), lambda i: (i, 0)),
        pl.BlockSpec((R, 1), lambda i: (i, 0)),
        pl.BlockSpec((64, 64), lambda i: (0, 0)),
        pl.BlockSpec((1, 64), lambda i: (0, 0)),
        pl.BlockSpec((64, 32), lambda i: (0, 0)),
        pl.BlockSpec((1, 32), lambda i: (0, 0)),
        pl.BlockSpec((32, 1), lambda i: (0, 0)),
        pl.BlockSpec((1, 1), lambda i: (0, 0)),
    ],
    out_specs=pl.BlockSpec((G, 1), lambda i: (0, 0)),
    out_shape=jax.ShapeDtypeStruct((G, 1), jnp.float32),
    scratch_shapes=[
        pltpu.VMEM((G, 64), jnp.float32),
        pltpu.VMEM((G, 1), jnp.float32),
    ],
)


def kernel(x, edge_index, edge_attr, batch, node_W, node_b, edge_W, edge_b,
           W1, B1, W2, B2, FW1, FB1, FW2, FB2):
    del edge_attr, edge_W, edge_b
    src = edge_index[0]
    dst = edge_index[1]
    pad_idx = (N + (jnp.arange(EP - E, dtype=jnp.int32) % (NP - N))
               ).astype(jnp.int32)
    srcp = jnp.concatenate([src, pad_idx])
    dstp = jnp.concatenate([dst, pad_idx])
    srcp8 = srcp * 8
    src_a = jnp.stack([srcp8, srcp8 + 1])
    src_b = jnp.stack([srcp8 + 2, srcp8 + 3])
    xp = jnp.pad(x, ((0, NP - N), (0, 0)))
    batch_p = jnp.pad(batch, (0, NP - N), constant_values=G).reshape(NP, 1)

    deg2 = _deg_sc(dstp)
    dis, h1, hp1 = _tc_a(deg2.T, xp, node_W, node_b.reshape(1, 32))
    agg1 = _agg16(hp1.reshape(8 * NP, 16), src_a, dstp)
    g1, hp2 = _tc_b(agg1, h1, dis, W1, B1.reshape(1, 64))
    tab2 = hp2.reshape(8 * NP, 16)
    agg2a = _agg16(tab2, src_a, dstp)
    agg2b = _agg16(tab2, src_b, dstp)
    out = _tc_c(agg2a, agg2b, g1, dis, batch_p, W2, B2.reshape(1, 64), FW1,
                FB1.reshape(1, 32), FW2, FB2.reshape(1, 1))
    return out

# --- scband reference (transcript-rebuilt; emitter-appended) ---
"""Pipeline reference for scband-gnn-20237885899323 (READ-ONLY COPY).

The authoritative reference and input builder live on the scoring server;
editing this copy changes nothing except your own understanding.
"""

import jax, jax.numpy as jnp
import numpy as np

N = 50000
E = 800000
NUM_GRAPHS = 64


def setup_inputs(seed: int = 0) -> dict:
    key = jax.random.key(seed)
    ks = jax.random.split(key, 20)
    inp = {}
    inp["x"] = jax.random.normal(ks[0], (N, 2), dtype=jnp.float32)
    inp["edge_index"] = jax.random.randint(ks[1], (2, E), 0, N, dtype=jnp.int32)
    inp["edge_attr"] = jax.random.normal(ks[2], (E, 1), dtype=jnp.float32)
    inp["batch"] = jnp.sort(jax.random.randint(ks[3], (N,), 0, NUM_GRAPHS, dtype=jnp.int32))
    # learned parameters
    inp["node_W"] = jax.random.normal(ks[4], (2, 32), dtype=jnp.float32) * 0.5
    inp["node_b"] = jnp.zeros((32,), dtype=jnp.float32)
    inp["edge_W"] = jax.random.normal(ks[5], (1, 32), dtype=jnp.float32) * 0.5
    inp["edge_b"] = jnp.zeros((32,), dtype=jnp.float32)
    inp["W1"] = jax.random.normal(ks[6], (32, 64), dtype=jnp.float32) * 0.1
    inp["B1"] = jnp.zeros((64,), dtype=jnp.float32)
    inp["W2"] = jax.random.normal(ks[7], (64, 64), dtype=jnp.float32) * 0.1
    inp["B2"] = jnp.zeros((64,), dtype=jnp.float32)
    inp["FW1"] = jax.random.normal(ks[8], (64, 32), dtype=jnp.float32) * 0.1
    inp["FB1"] = jnp.zeros((32,), dtype=jnp.float32)
    inp["FW2"] = jax.random.normal(ks[9], (32, 1), dtype=jnp.float32) * 0.1
    inp["FB2"] = jnp.zeros((1,), dtype=jnp.float32)
    return inp


def gcn_conv(x, W, b, edge_index, num_nodes):
    # PyG GCNConv: linear transform, add self-loops, symmetric normalization, scatter-add
    h = x @ W
    src = edge_index[0]
    dst = edge_index[1]
    loop = jnp.arange(num_nodes, dtype=src.dtype)
    src = jnp.concatenate([src, loop])
    dst = jnp.concatenate([dst, loop])
    deg = jnp.zeros((num_nodes,), dtype=h.dtype).at[dst].add(1.0)
    deg_inv_sqrt = jnp.where(deg > 0, deg ** -0.5, 0.0)
    norm = deg_inv_sqrt[src] * deg_inv_sqrt[dst]
    msgs = h[src] * norm[:, None]
    out = jnp.zeros((num_nodes, h.shape[1]), dtype=h.dtype).at[dst].add(msgs)
    return out + b


def reference(x, edge_index, edge_attr, batch, node_W, node_b, edge_W, edge_b, W1, B1, W2, B2, FW1, FB1, FW2, FB2):
    h = jax.nn.relu(x @ node_W + node_b)
    ea = jax.nn.relu(edge_attr @ edge_W + edge_b)  # computed per original forward; GCNConv does not consume it
    h = jax.nn.relu(gcn_conv(h, W1, B1, edge_index, N))
    h = jax.nn.relu(gcn_conv(h, W2, B2, edge_index, N))
    sums = jax.ops.segment_sum(h, batch, num_segments=NUM_GRAPHS)
    cnt = jax.ops.segment_sum(jnp.ones((N, 1), dtype=h.dtype), batch, num_segments=NUM_GRAPHS)
    pooled = sums / jnp.clip(cnt, 1.0)
    out = jax.nn.relu(pooled @ FW1 + FB1)
    out = out @ FW2 + FB2
    return out

if __name__ == "__main__":
    import jax
    _d = setup_inputs()
    print(jax.jit(kernel)(*tuple(_d.values())))

</pallas_src>

<mosaic_0001>
#map = affine_map<(d0, d1) -> (0)>
#map1 = affine_map<(d0, d1) -> (0, 0)>
module attributes {stable_mosaic.version = 14 : i64} {
  func.func @_deg_sc(%arg0: i32, %arg1: i32, %arg2: memref<819200xi32, #tpu.memory_space<hbm>>, %arg3: memref<2x51200xf32, #tpu.memory_space<hbm>>, %arg4: memref<3200xf32, #tpu.memory_space<vmem>>, %arg5: memref<3200xf32, #tpu.memory_space<vmem>>, %arg6: memref<3200xi32, #tpu.memory_space<vmem>>, %arg7: memref<51200xf32, #tpu.memory_space<vmem_shared>>) attributes {dimension_semantics = [#tpu.dimension_semantics<core_parallel>, #tpu.dimension_semantics<subcore_parallel>], iteration_bounds = array<i64: 2, 16>, scalar_prefetch = 0 : i64, scratch_operands = 4 : i64, tpu.core_type = #tpu.core_type<sc_vector_subcore>, window_params = [{transform_indices = #map}, {transform_indices = #map1}]} {
    %broadcast_in_dim3A = arith.constant 0.000000e+00 : f32
    %broadcast_in_dim3A_0 = vector.broadcast %broadcast_in_dim3A : f32 to vector<16xf32>
    %scan3A = arith.constant 0 : i32
    %scan3A_1 = arith.constant 0 : i32
    %scan3A_2 = arith.constant 200 : i32
    %scan3A_3 = arith.addi %scan3A_1, %scan3A_2 : i32
    %scan3A_4 = arith.constant 1 : i32
    scf.for %scan3A_24 = %scan3A_1 to %scan3A_3 step %scan3A_4  : i32 {
      %mul3A_25 = arith.constant 16 : i32
      %mul3A_26 = arith.muli %scan3A_24, %mul3A_25 : i32
      %swap3A = arith.index_cast %mul3A_26 : i32 to index
      %swap3A_27 = tpu.vector_load %arg4[%swap3A] {strides = array<i32>} : memref<3200xf32, #tpu.memory_space<vmem>>, vector<16xf32>,
      %swap3A_28 = vector.shape_cast %swap3A_27 : vector<16xf32> to vector<16xf32>
      %swap3A_29 = vector.shape_cast %broadcast_in_dim3A_0 : vector<16xf32> to vector<16xf32>
      tpu.vector_store %arg4[%swap3A], %swap3A_29 {strides = array<i32>} : memref<3200xf32, #tpu.memory_space<vmem>>, vector<16xf32>,
    }
    %scan3A_5 = arith.constant 200 : i32
    %broadcast_in_dim3A_6 = arith.constant 1.000000e+00 : f32
    %broadcast_in_dim3A_7 = vector.broadcast %broadcast_in_dim3A_6 : f32 to vector<16xf32>
    %scan3A_8 = arith.constant 0 : i32
    %scan3A_9 = arith.constant 0 : i32
    %scan3A_10 = arith.constant 200 : i32
    %scan3A_11 = arith.addi %scan3A_9, %scan3A_10 : i32
    %scan3A_12 = arith.constant 1 : i32
    scf.for %scan3A_24 = %scan3A_9 to %scan3A_11 step %scan3A_12  : i32 {
      %mul3A_25 = arith.constant 16 : i32
      %mul3A_26 = arith.muli %scan3A_24, %mul3A_25 : i32
      %swap3A = arith.index_cast %mul3A_26 : i32 to index
      %swap3A_27 = tpu.vector_load %arg5[%swap3A] {strides = array<i32>} : memref<3200xf32, #tpu.memory_space<vmem>>, vector<16xf32>,
      %swap3A_28 = vector.shape_cast %swap3A_27 : vector<16xf32> to vector<16xf32>
      %swap3A_29 = vector.shape_cast %broadcast_in_dim3A_7 : vector<16xf32> to vector<16xf32>
      tpu.vector_store %arg5[%swap3A], %swap3A_29 {strides = array<i32>} : memref<3200xf32, #tpu.memory_space<vmem>>, vector<16xf32>,
    }
    %scan3A_13 = arith.constant 200 : i32
    %mul3A = arith.constant 3200 : i32
    %mul3A_14 = arith.muli %arg1, %mul3A : i32
    %multiple_of3A = tpu.assume_multiple %mul3A_14, 8 : i32
    "tpu.region"() ({
      %run_scoped3A = tpu.sem_alloc : memref<!tpu.dma_semaphore, #tpu.memory_space<semaphore_mem>>
      %dma_start3A = tpu.memref_slice %arg7[%multiple_of3A] : memref<51200xf32, #tpu.memory_space<vmem_shared>> -> memref<3200xf32, #tpu.memory_space<vmem_shared>>
      %dma_start3A_24 = tpu.memref_slice %arg7[%multiple_of3A] : memref<51200xf32, #tpu.memory_space<vmem_shared>> -> memref<3200xf32, #tpu.memory_space<vmem_shared>>
      tpu.enqueue_dma source(%arg4 : memref<3200xf32, #tpu.memory_space<vmem>>) target(%dma_start3A_24 : memref<3200xf32, #tpu.memory_space<vmem_shared>>) target_semaphore(%run_scoped3A : memref<!tpu.dma_semaphore, #tpu.memory_space<semaphore_mem>>)
      %dma_wait3A = tpu.memref_slice %arg7[%multiple_of3A] : memref<51200xf32, #tpu.memory_space<vmem_shared>> -> memref<3200xf32, #tpu.memory_space<vmem_shared>>
      %dma_wait3A_25 = tpu.memref_slice %arg7[%multiple_of3A] : memref<51200xf32, #tpu.memory_space<vmem_shared>> -> memref<3200xf32, #tpu.memory_space<vmem_shared>>
      tpu.wait_dma2 semaphore(%run_scoped3A : memref<!tpu.dma_semaphore, #tpu.memory_space<semaphore_mem>>) src(%arg4 : memref<3200xf32, #tpu.memory_space<vmem>>) dst(%dma_wait3A_25 : memref<3200xf32, #tpu.memory_space<vmem_shared>>)
      tpu.yield
    }) : () -> ()
    %barrier3A = arith.constant 0 : index
    tpu.barrier barrier_id(%barrier3A)
    %mul3A_15 = arith.constant 2 : i32
    %mul3A_16 = arith.muli %arg1, %mul3A_15 : i32
    %add3A = arith.addi %mul3A_16, %arg0 : i32
    %scan3A_17 = arith.constant 0 : i32
    %scan3A_18 = arith.constant 0 : i32
    %scan3A_19 = arith.constant 8 : i32
    %scan3A_20 = arith.addi %scan3A_18, %scan3A_19 : i32
    %scan3A_21 = arith.constant 1 : i32
    scf.for %scan3A_24 = %scan3A_18 to %scan3A_20 step %scan3A_21  : i32 {
      %mul3A_25 = arith.constant 25600 : i32
      %mul3A_26 = arith.muli %add3A, %mul3A_25 : i32
      %mul3A_27 = arith.constant 3200 : i32
      %mul3A_28 = arith.muli %scan3A_24, %mul3A_27 : i32
      %add3A_29 = arith.addi %mul3A_26, %mul3A_28 : i32
      %multiple_of3A_30 = tpu.assume_multiple %add3A_29, 8 : i32
      "tpu.region"() ({
        %run_scoped3A = tpu.sem_alloc : memref<!tpu.dma_semaphore, #tpu.memory_space<semaphore_mem>>
        %dma_start3A = tpu.memref_slice %arg2[%multiple_of3A_30] : memref<819200xi32, #tpu.memory_space<hbm>> -> memref<3200xi32, #tpu.memory_space<hbm>>
        %dma_start3A_31 = tpu.memref_slice %arg2[%multiple_of3A_30] : memref<819200xi32, #tpu.memory_space<hbm>> -> memref<3200xi32, #tpu.memory_space<hbm>>
        tpu.enqueue_dma source(%dma_start3A_31 : memref<3200xi32, #tpu.memory_space<hbm>>) target(%arg6 : memref<3200xi32, #tpu.memory_space<vmem>>) target_semaphore(%run_scoped3A : memref<!tpu.dma_semaphore, #tpu.memory_space<semaphore_mem>>)
        %dma_wait3A = tpu.memref_slice %arg2[%multiple_of3A_30] : memref<819200xi32, #tpu.memory_space<hbm>> -> memref<3200xi32, #tpu.memory_space<hbm>>
        %dma_wait3A_32 = tpu.memref_slice %arg2[%multiple_of3A_30] : memref<819200xi32, #tpu.memory_space<hbm>> -> memref<3200xi32, #tpu.memory_space<hbm>>
        tpu.wait_dma2 semaphore(%run_scoped3A : memref<!tpu.dma_semaphore, #tpu.memory_space<semaphore_mem>>) src(%dma_wait3A_32 : memref<3200xi32, #tpu.memory_space<hbm>>) dst(%arg6 : memref<3200xi32, #tpu.memory_space<vmem>>)
        tpu.yield
      }) : () -> ()
      "tpu.region"() ({
        %run_scoped3A = tpu.sem_alloc : memref<!tpu.dma_semaphore, #tpu.memory_space<semaphore_mem>>
        %dma_start3A = arith.constant 0 : i32
        %dma_start3A_31 = tpu.memref_slice %arg7[%dma_start3A] : memref<51200xf32, #tpu.memory_space<vmem_shared>> -> memref<51200xf32, #tpu.memory_space<vmem_shared>>
        tpu.enqueue_indirect_dma source(%arg5 : memref<3200xf32, #tpu.memory_space<vmem>>) target(%dma_start3A_31 : memref<51200xf32, #tpu.memory_space<vmem_shared>>) offsets(%arg6 : memref<3200xi32, #tpu.memory_space<vmem>>) semaphore(%run_scoped3A : memref<!tpu.dma_semaphore, #tpu.memory_space<semaphore_mem>>) {add = true}
        %dma_wait3A = arith.constant 0 : i32
        %dma_wait3A_32 = tpu.memref_slice %arg7[%dma_wait3A] : memref<51200xf32, #tpu.memory_space<vmem_shared>> -> memref<51200xf32, #tpu.memory_space<vmem_shared>>
        tpu.wait_indirect_dma semaphore(%run_scoped3A : memref<!tpu.dma_semaphore, #tpu.memory_space<semaphore_mem>>) src(%arg5 : memref<3200xf32, #tpu.memory_space<vmem>>) dst(%dma_wait3A_32 : memref<51200xf32, #tpu.memory_space<vmem_shared>>)
        tpu.yield
      }) : () -> ()
    }
    %scan3A_22 = arith.constant 8 : i32
    %barrier3A_23 = arith.constant 0 : index
    tpu.barrier barrier_id(%barrier3A_23)
    "tpu.region"() ({
      %run_scoped3A = tpu.sem_alloc : memref<!tpu.dma_semaphore, #tpu.memory_space<semaphore_mem>>
      %dma_start3A = tpu.memref_slice %arg7[%multiple_of3A] : memref<51200xf32, #tpu.memory_space<vmem_shared>> -> memref<3200xf32, #tpu.memory_space<vmem_shared>>
      %dma_start3A_24 = tpu.memref_slice %arg7[%multiple_of3A] : memref<51200xf32, #tpu.memory_space<vmem_shared>> -> memref<3200xf32, #tpu.memory_space<vmem_shared>>
      tpu.enqueue_dma source(%dma_start3A_24 : memref<3200xf32, #tpu.memory_space<vmem_shared>>) target(%arg4 : memref<3200xf32, #tpu.memory_space<vmem>>) target_semaphore(%run_scoped3A : memref<!tpu.dma_semaphore, #tpu.memory_space<semaphore_mem>>)
      %dma_wait3A = tpu.memref_slice %arg7[%multiple_of3A] : memref<51200xf32, #tpu.memory_space<vmem_shared>> -> memref<3200xf32, #tpu.memory_space<vmem_shared>>
      %dma_wait3A_25 = tpu.memref_slice %arg7[%multiple_of3A] : memref<51200xf32, #tpu.memory_space<vmem_shared>> -> memref<3200xf32, #tpu.memory_space<vmem_shared>>
      tpu.wait_dma2 semaphore(%run_scoped3A : memref<!tpu.dma_semaphore, #tpu.memory_space<semaphore_mem>>) src(%dma_wait3A_25 : memref<3200xf32, #tpu.memory_space<vmem_shared>>) dst(%arg4 : memref<3200xf32, #tpu.memory_space<vmem>>)
      tpu.yield
    }) : () -> ()
    "tpu.region"() ({
      %run_scoped3A = tpu.sem_alloc : memref<!tpu.dma_semaphore, #tpu.memory_space<semaphore_mem>>
      %dma_start3A = tpu.memref_slice %arg3[%arg0, %multiple_of3A] : memref<2x51200xf32, #tpu.memory_space<hbm>> -> memref<1x3200xf32, #tpu.memory_space<hbm>>
      %dma_start3A_24 = tpu.memref_squeeze %dma_start3A : memref<1x3200xf32, #tpu.memory_space<hbm>> -> memref<3200xf32, #tpu.memory_space<hbm>>
      %dma_start3A_25 = tpu.memref_slice %arg3[%arg0, %multiple_of3A] : memref<2x51200xf32, #tpu.memory_space<hbm>> -> memref<1x3200xf32, #tpu.memory_space<hbm>>
      %dma_start3A_26 = tpu.memref_squeeze %dma_start3A_25 : memref<1x3200xf32, #tpu.memory_space<hbm>> -> memref<3200xf32, #tpu.memory_space<hbm>>
      tpu.enqueue_dma source(%arg4 : memref<3200xf32, #tpu.memory_space<vmem>>) target(%dma_start3A_26 : memref<3200xf32, #tpu.memory_space<hbm>>) target_semaphore(%run_scoped3A : memref<!tpu.dma_semaphore, #tpu.memory_space<semaphore_mem>>)
      %dma_wait3A = tpu.memref_slice %arg3[%arg0, %multiple_of3A] : memref<2x51200xf32, #tpu.memory_space<hbm>> -> memref<1x3200xf32, #tpu.memory_space<hbm>>
      %dma_wait3A_27 = tpu.memref_squeeze %dma_wait3A : memref<1x3200xf32, #tpu.memory_space<hbm>> -> memref<3200xf32, #tpu.memory_space<hbm>>
      %dma_wait3A_28 = tpu.memref_slice %arg3[%arg0, %multiple_of3A] : memref<2x51200xf32, #tpu.memory_space<hbm>> -> memref<1x3200xf32, #tpu.memory_space<hbm>>
      %dma_wait3A_29 = tpu.memref_squeeze %dma_wait3A_28 : memref<1x3200xf32, #tpu.memory_space<hbm>> -> memref<3200xf32, #tpu.memory_space<hbm>>
      tpu.wait_dma2 semaphore(%run_scoped3A : memref<!tpu.dma_semaphore, #tpu.memory_space<semaphore_mem>>) src(%arg4 : memref<3200xf32, #tpu.memory_space<vmem>>) dst(%dma_wait3A_29 : memref<3200xf32, #tpu.memory_space<hbm>>)
      tpu.yield
    }) : () -> ()
    return
  }
}

#map = affine_map<(d0, d1) -> (0, 0)>
#map1 = affine_map<(d0, d1) -> (0)>
#map2 = affine_map<(d0, d1) -> (0, 0, 0)>
module attributes {stable_mosaic.version = 14 : i64} {
  func.func @agg(%arg0: i32, %arg1: i32, %arg2: memref<409600x16xf32, #tpu.memory_space<hbm>>, %arg3: memref<2x819200xi32, #tpu.memory_space<hbm>>, %arg4: memref<819200xi32, #tpu.memory_space<hbm>>, %arg5: memref<2x51200x16xf32, #tpu.memory_space<hbm>>, %arg6: memref<1600x16xf32, #tpu.memory_space<vmem>>, %arg7: memref<1600x16xf32, #tpu.memory_space<vmem>>, %arg8: memref<1600xi32, #tpu.memory_space<vmem>>, %arg9: memref<1600xi32, #tpu.memory_space<vmem>>, %arg10: memref<1600xi32, #tpu.memory_space<vmem>>, %arg11: memref<1600xi32, #tpu.memory_space<vmem>>, %arg12: memref<51200x16xf32, #tpu.memory_space<vmem_shared>>, %arg13: memref<!tpu.dma_semaphore, #tpu.memory_space<semaphore_mem>>, %arg14: memref<!tpu.dma_semaphore, #tpu.memory_space<semaphore_mem>>) attributes {dimension_semantics = [#tpu.dimension_semantics<core_parallel>, #tpu.dimension_semantics<subcore_parallel>], iteration_bounds = array<i64: 2, 16>, scalar_prefetch = 0 : i64, scratch_operands = 9 : i64, tpu.core_type = #tpu.core_type<sc_vector_subcore>, window_params = [{transform_indices = #map}, {transform_indices = #map}, {transform_indices = #map1}, {transform_indices = #map2}]} {
    %broadcast_in_dim3A = arith.constant 0.000000e+00 : f32
    %broadcast_in_dim3A_0 = vector.broadcast %broadcast_in_dim3A : f32 to vector<16xf32>
    %scan3A = arith.constant 0 : i32
    %scan3A_1 = arith.constant 0 : i32
    %scan3A_2 = arith.constant 1600 : i32
    %scan3A_3 = arith.addi %scan3A_1, %scan3A_2 : i32
    %scan3A_4 = arith.constant 1 : i32
    scf.for %scan3A_32 = %scan3A_1 to %scan3A_3 step %scan3A_4  : i32 {
      %swap3A = arith.index_cast %scan3A_32 : i32 to index
      %swap3A_33 = arith.constant 0 : index
      %swap3A_34 = tpu.vector_load %arg6[%swap3A, %swap3A_33] {strides = array<i32>} : memref<1600x16xf32, #tpu.memory_space<vmem>>, vector<1x16xf32>,
      %swap3A_35 = vector.shape_cast %swap3A_34 : vector<1x16xf32> to vector<16xf32>
      %swap3A_36 = vector.shape_cast %broadcast_in_dim3A_0 : vector<16xf32> to vector<1x16xf32>
      tpu.vector_store %arg6[%swap3A, %swap3A_33], %swap3A_36 {strides = array<i32>} : memref<1600x16xf32, #tpu.memory_space<vmem>>, vector<1x16xf32>,
    }
    %scan3A_5 = arith.constant 1600 : i32
    %mul3A = arith.constant 3200 : i32
    %mul3A_6 = arith.muli %arg1, %mul3A : i32
    %add3A = arith.constant 0 : i32
    %add3A_7 = arith.addi %mul3A_6, %add3A : i32
    %multiple_of3A = tpu.assume_multiple %add3A_7, 8 : i32
    "tpu.region"() ({
      %run_scoped3A = tpu.sem_alloc : memref<!tpu.dma_semaphore, #tpu.memory_space<semaphore_mem>>
      %dma_start3A = arith.constant 0 : i32
      %dma_start3A_32 = tpu.memref_slice %arg12[%multiple_of3A, %dma_start3A] : memref<51200x16xf32, #tpu.memory_space<vmem_shared>> -> memref<1600x16xf32, #tpu.memory_space<vmem_shared>>
      %dma_start3A_33 = arith.constant 0 : i32
      %dma_start3A_34 = tpu.memref_slice %arg12[%multiple_of3A, %dma_start3A_33] : memref<51200x16xf32, #tpu.memory_space<vmem_shared>> -> memref<1600x16xf32, #tpu.memory_space<vmem_shared>>
      tpu.enqueue_dma source(%arg6 : memref<1600x16xf32, #tpu.memory_space<vmem>>) target(%dma_start3A_34 : memref<1600x16xf32, #tpu.memory_space<vmem_shared>>) target_semaphore(%run_scoped3A : memref<!tpu.dma_semaphore, #tpu.memory_space<semaphore_mem>>)
      %dma_wait3A = arith.constant 0 : i32
      %dma_wait3A_35 = tpu.memref_slice %arg12[%multiple_of3A, %dma_wait3A] : memref<51200x16xf32, #tpu.memory_space<vmem_shared>> -> memref<1600x16xf32, #tpu.memory_space<vmem_shared>>
      %dma_wait3A_36 = arith.constant 0 : i32
      %dma_wait3A_37 = tpu.memref_slice %arg12[%multiple_of3A, %dma_wait3A_36] : memref<51200x16xf32, #tpu.memory_space<vmem_shared>> -> memref<1600x16xf32, #tpu.memory_space<vmem_shared>>
      tpu.wait_dma2 semaphore(%run_scoped3A : memref<!tpu.dma_semaphore, #tpu.memory_space<semaphore_mem>>) src(%arg6 : memref<1600x16xf32, #tpu.memory_space<vmem>>) dst(%dma_wait3A_37 : memref<1600x16xf32, #tpu.memory_space<vmem_shared>>)
      tpu.yield
    }) : () -> ()
    %mul3A_8 = arith.constant 3200 : i32
    %mul3A_9 = arith.muli %arg1, %mul3A_8 : i32
    %add3A_10 = arith.constant 1600 : i32
    %add3A_11 = arith.addi %mul3A_9, %add3A_10 : i32
    %multiple_of3A_12 = tpu.assume_multiple %add3A_11, 8 : i32
    "tpu.region"() ({
      %run_scoped3A = tpu.sem_alloc : memref<!tpu.dma_semaphore, #tpu.memory_space<semaphore_mem>>
      %dma_start3A = arith.constant 0 : i32
      %dma_start3A_32 = tpu.memref_slice %arg12[%multiple_of3A_12, %dma_start3A] : memref<51200x16xf32, #tpu.memory_space<vmem_shared>> -> memref<1600x16xf32, #tpu.memory_space<vmem_shared>>
      %dma_start3A_33 = arith.constant 0 : i32
      %dma_start3A_34 = tpu.memref_slice %arg12[%multiple_of3A_12, %dma_start3A_33] : memref<51200x16xf32, #tpu.memory_space<vmem_shared>> -> memref<1600x16xf32, #tpu.memory_space<vmem_shared>>
      tpu.enqueue_dma source(%arg6 : memref<1600x16xf32, #tpu.memory_space<vmem>>) target(%dma_start3A_34 : memref<1600x16xf32, #tpu.memory_space<vmem_shared>>) target_semaphore(%run_scoped3A : memref<!tpu.dma_semaphore, #tpu.memory_space<semaphore_mem>>)
      %dma_wait3A = arith.constant 0 : i32
      %dma_wait3A_35 = tpu.memref_slice %arg12[%multiple_of3A_12, %dma_wait3A] : memref<51200x16xf32, #tpu.memory_space<vmem_shared>> -> memref<1600x16xf32, #tpu.memory_space<vmem_shared>>
      %dma_wait3A_36 = arith.constant 0 : i32
      %dma_wait3A_37 = tpu.memref_slice %arg12[%multiple_of3A_12, %dma_wait3A_36] : memref<51200x16xf32, #tpu.memory_space<vmem_shared>> -> memref<1600x16xf32, #tpu.memory_space<vmem_shared>>
      tpu.wait_dma2 semaphore(%run_scoped3A : memref<!tpu.dma_semaphore, #tpu.memory_space<semaphore_mem>>) src(%arg6 : memref<1600x16xf32, #tpu.memory_space<vmem>>) dst(%dma_wait3A_37 : memref<1600x16xf32, #tpu.memory_space<vmem_shared>>)
      tpu.yield
    }) : () -> ()
    %barrier3A = arith.constant 0 : index
    tpu.barrier barrier_id(%barrier3A)
    %mul3A_13 = arith.constant 51200 : i32
    %mul3A_14 = arith.muli %arg1, %mul3A_13 : i32
    %scan3A_15 = arith.constant 0 : i32
    %scan3A_16 = arith.constant 0 : i32
    %scan3A_17 = arith.constant 16 : i32
    %scan3A_18 = arith.addi %scan3A_16, %scan3A_17 : i32
    %scan3A_19 = arith.constant 1 : i32
    scf.for %scan3A_32 = %scan3A_16 to %scan3A_18 step %scan3A_19  : i32 {
      %mul3A_33 = arith.constant 2 : i32
      %mul3A_34 = arith.muli %mul3A_33, %scan3A_32 : i32
      %mul3A_35 = arith.constant 1600 : i32
      %mul3A_36 = arith.muli %mul3A_34, %mul3A_35 : i32
      %add3A_37 = arith.addi %mul3A_14, %mul3A_36 : i32
      %multiple_of3A_38 = tpu.assume_multiple %add3A_37, 8 : i32
      "tpu.region"() ({
        %run_scoped3A = tpu.sem_alloc : memref<!tpu.dma_semaphore, #tpu.memory_space<semaphore_mem>>
        %dma_start3A_57 = tpu.memref_slice %arg3[%arg0, %multiple_of3A_38] : memref<2x819200xi32, #tpu.memory_space<hbm>> -> memref<1x1600xi32, #tpu.memory_space<hbm>>
        %dma_start3A_58 = tpu.memref_squeeze %dma_start3A_57 : memref<1x1600xi32, #tpu.memory_space<hbm>> -> memref<1600xi32, #tpu.memory_space<hbm>>
        %dma_start3A_59 = tpu.memref_slice %arg3[%arg0, %multiple_of3A_38] : memref<2x819200xi32, #tpu.memory_space<hbm>> -> memref<1x1600xi32, #tpu.memory_space<hbm>>
        %dma_start3A_60 = tpu.memref_squeeze %dma_start3A_59 : memref<1x1600xi32, #tpu.memory_space<hbm>> -> memref<1600xi32, #tpu.memory_space<hbm>>
        tpu.enqueue_dma source(%dma_start3A_60 : memref<1600xi32, #tpu.memory_space<hbm>>) target(%arg8 : memref<1600xi32, #tpu.memory_space<vmem>>) target_semaphore(%run_scoped3A : memref<!tpu.dma_semaphore, #tpu.memory_space<semaphore_mem>>)
        %dma_wait3A_61 = tpu.memref_slice %arg3[%arg0, %multiple_of3A_38] : memref<2x819200xi32, #tpu.memory_space<hbm>> -> memref<1x1600xi32, #tpu.memory_space<hbm>>
        %dma_wait3A_62 = tpu.memref_squeeze %dma_wait3A_61 : memref<1x1600xi32, #tpu.memory_space<hbm>> -> memref<1600xi32, #tpu.memory_space<hbm>>
        %dma_wait3A_63 = tpu.memref_slice %arg3[%arg0, %multiple_of3A_38] : memref<2x819200xi32, #tpu.memory_space<hbm>> -> memref<1x1600xi32, #tpu.memory_space<hbm>>
        %dma_wait3A_64 = tpu.memref_squeeze %dma_wait3A_63 : memref<1x1600xi32, #tpu.memory_space<hbm>> -> memref<1600xi32, #tpu.memory_space<hbm>>
        tpu.wait_dma2 semaphore(%run_scoped3A : memref<!tpu.dma_semaphore, #tpu.memory_space<semaphore_mem>>) src(%dma_wait3A_64 : memref<1600xi32, #tpu.memory_space<hbm>>) dst(%arg8 : memref<1600xi32, #tpu.memory_space<vmem>>)
        tpu.yield
      }) : () -> ()
      "tpu.region"() ({
        %run_scoped3A = tpu.sem_alloc : memref<!tpu.dma_semaphore, #tpu.memory_space<semaphore_mem>>
        %dma_start3A_57 = tpu.memref_slice %arg4[%multiple_of3A_38] : memref<819200xi32, #tpu.memory_space<hbm>> -> memref<1600xi32, #tpu.memory_space<hbm>>
        %dma_start3A_58 = tpu.memref_slice %arg4[%multiple_of3A_38] : memref<819200xi32, #tpu.memory_space<hbm>> -> memref<1600xi32, #tpu.memory_space<hbm>>
        tpu.enqueue_dma source(%dma_start3A_58 : memref<1600xi32, #tpu.memory_space<hbm>>) target(%arg10 : memref<1600xi32, #tpu.memory_space<vmem>>) target_semaphore(%run_scoped3A : memref<!tpu.dma_semaphore, #tpu.memory_space<semaphore_mem>>)
        %dma_wait3A_59 = tpu.memref_slice %arg4[%multiple_of3A_38] : memref<819200xi32, #tpu.memory_space<hbm>> -> memref<1600xi32, #tpu.memory_space<hbm>>
        %dma_wait3A_60 = tpu.memref_slice %arg4[%multiple_of3A_38] : memref<819200xi32, #tpu.memory_space<hbm>> -> memref<1600xi32, #tpu.memory_space<hbm>>
        tpu.wait_dma2 semaphore(%run_scoped3A : memref<!tpu.dma_semaphore, #tpu.memory_space<semaphore_mem>>) src(%dma_wait3A_60 : memref<1600xi32, #tpu.memory_space<hbm>>) dst(%arg10 : memref<1600xi32, #tpu.memory_space<vmem>>)
        tpu.yield
      }) : () -> ()
      %dma_start3A = arith.constant 0 : i32
      %dma_start3A_39 = arith.constant 0 : i32
      %dma_start3A_40 = tpu.memref_slice %arg2[%dma_start3A, %dma_start3A_39] : memref<409600x16xf32, #tpu.memory_space<hbm>> -> memref<409600x16xf32, #tpu.memory_space<hbm>>
      tpu.enqueue_indirect_dma source(%dma_start3A_40 : memref<409600x16xf32, #tpu.memory_space<hbm>>) target(%arg6 : memref<1600x16xf32, #tpu.memory_space<vmem>>) offsets(%arg8 : memref<1600xi32, #tpu.memory_space<vmem>>) semaphore(%arg13 : memref<!tpu.dma_semaphore, #tpu.memory_space<semaphore_mem>>)
      %mul3A_41 = arith.constant 2 : i32
      %mul3A_42 = arith.muli %mul3A_41, %scan3A_32 : i32
      %add3A_43 = arith.constant 1 : i32
      %add3A_44 = arith.addi %mul3A_42, %add3A_43 : i32
      %mul3A_45 = arith.constant 1600 : i32
      %mul3A_46 = arith.muli %add3A_44, %mul3A_45 : i32
      %add3A_47 = arith.addi %mul3A_14, %mul3A_46 : i32
      %multiple_of3A_48 = tpu.assume_multiple %add3A_47, 8 : i32
      "tpu.region"() ({
        %run_scoped3A = tpu.sem_alloc : memref<!tpu.dma_semaphore, #tpu.memory_space<semaphore_mem>>
        %dma_start3A_57 = tpu.memref_slice %arg3[%arg0, %multiple_of3A_48] : memref<2x819200xi32, #tpu.memory_space<hbm>> -> memref<1x1600xi32, #tpu.memory_space<hbm>>
        %dma_start3A_58 = tpu.memref_squeeze %dma_start3A_57 : memref<1x1600xi32, #tpu.memory_space<hbm>> -> memref<1600xi32, #tpu.memory_space<hbm>>
        %dma_start3A_59 = tpu.memref_slice %arg3[%arg0, %multiple_of3A_48] : memref<2x819200xi32, #tpu.memory_space<hbm>> -> memref<1x1600xi32, #tpu.memory_space<hbm>>
        %dma_start3A_60 = tpu.memref_squeeze %dma_start3A_59 : memref<1x1600xi32, #tpu.memory_space<hbm>> -> memref<1600xi32, #tpu.memory_space<hbm>>
        tpu.enqueue_dma source(%dma_start3A_60 : memref<1600xi32, #tpu.memory_space<hbm>>) target(%arg9 : memref<1600xi32, #tpu.memory_space<vmem>>) target_semaphore(%run_scoped3A : memref<!tpu.dma_semaphore, #tpu.memory_space<semaphore_mem>>)
        %dma_wait3A_61 = tpu.memref_slice %arg3[%arg0, %multiple_of3A_48] : memref<2x819200xi32, #tpu.memory_space<hbm>> -> memref<1x1600xi32, #tpu.memory_space<hbm>>
        %dma_wait3A_62 = tpu.memref_squeeze %dma_wait3A_61 : memref<1x1600xi32, #tpu.memory_space<hbm>> -> memref<1600xi32, #tpu.memory_space<hbm>>
        %dma_wait3A_63 = tpu.memref_slice %arg3[%arg0, %multiple_of3A_48] : memref<2x819200xi32, #tpu.memory_space<hbm>> -> memref<1x1600xi32, #tpu.memory_space<hbm>>
        %dma_wait3A_64 = tpu.memref_squeeze %dma_wait3A_63 : memref<1x1600xi32, #tpu.memory_space<hbm>> -> memref<1600xi32, #tpu.memory_space<hbm>>
        tpu.wait_dma2 semaphore(%run_scoped3A : memref<!tpu.dma_semaphore, #tpu.memory_space<semaphore_mem>>) src(%dma_wait3A_64 : memref<1600xi32, #tpu.memory_space<hbm>>) dst(%arg9 : memref<1600xi32, #tpu.memory_space<vmem>>)
        tpu.yield
      }) : () -> ()
      "tpu.region"() ({
        %run_scoped3A = tpu.sem_alloc : memref<!tpu.dma_semaphore, #tpu.memory_space<semaphore_mem>>
        %dma_start3A_57 = tpu.memref_slice %arg4[%multiple_of3A_48] : memref<819200xi32, #tpu.memory_space<hbm>> -> memref<1600xi32, #tpu.memory_space<hbm>>
        %dma_start3A_58 = tpu.memref_slice %arg4[%multiple_of3A_48] : memref<819200xi32, #tpu.memory_space<hbm>> -> memref<1600xi32, #tpu.memory_space<hbm>>
        tpu.enqueue_dma source(%dma_start3A_58 : memref<1600xi32, #tpu.memory_space<hbm>>) target(%arg11 : memref<1600xi32, #tpu.memory_space<vmem>>) target_semaphore(%run_scoped3A : memref<!tpu.dma_semaphore, #tpu.memory_space<semaphore_mem>>)
        %dma_wait3A_59 = tpu.memref_slice %arg4[%multiple_of3A_48] : memref<819200xi32, #tpu.memory_space<hbm>> -> memref<1600xi32, #tpu.memory_space<hbm>>
        %dma_wait3A_60 = tpu.memref_slice %arg4[%multiple_of3A_48] : memref<819200xi32, #tpu.memory_space<hbm>> -> memref<1600xi32, #tpu.memory_space<hbm>>
        tpu.wait_dma2 semaphore(%run_scoped3A : memref<!tpu.dma_semaphore, #tpu.memory_space<semaphore_mem>>) src(%dma_wait3A_60 : memref<1600xi32, #tpu.memory_space<hbm>>) dst(%arg11 : memref<1600xi32, #tpu.memory_space<vmem>>)
        tpu.yield
      }) : () -> ()
      %dma_start3A_49 = arith.constant 0 : i32
      %dma_start3A_50 = arith.constant 0 : i32
      %dma_start3A_51 = tpu.memref_slice %arg2[%dma_start3A_49, %dma_start3A_50] : memref<409600x16xf32, #tpu.memory_space<hbm>> -> memref<409600x16xf32, #tpu.memory_space<hbm>>
      tpu.enqueue_indirect_dma source(%dma_start3A_51 : memref<409600x16xf32, #tpu.memory_space<hbm>>) target(%arg7 : memref<1600x16xf32, #tpu.memory_space<vmem>>) offsets(%arg9 : memref<1600xi32, #tpu.memory_space<vmem>>) semaphore(%arg14 : memref<!tpu.dma_semaphore, #tpu.memory_space<semaphore_mem>>)
      %dma_wait3A = arith.constant 0 : i32
      %dma_wait3A_52 = arith.constant 0 : i32
      %dma_wait3A_53 = tpu.memref_slice %arg2[%dma_wait3A, %dma_wait3A_52] : memref<409600x16xf32, #tpu.memory_space<hbm>> -> memref<409600x16xf32, #tpu.memory_space<hbm>>
      tpu.wait_indirect_dma semaphore(%arg13 : memref<!tpu.dma_semaphore, #tpu.memory_space<semaphore_mem>>) src(%dma_wait3A_53 : memref<409600x16xf32, #tpu.memory_space<hbm>>) dst(%arg6 : memref<1600x16xf32, #tpu.memory_space<vmem>>)
      "tpu.region"() ({
        %run_scoped3A = tpu.sem_alloc : memref<!tpu.dma_semaphore, #tpu.memory_space<semaphore_mem>>
        %dma_start3A_57 = arith.constant 0 : i32
        %dma_start3A_58 = arith.constant 0 : i32
        %dma_start3A_59 = tpu.memref_slice %arg12[%dma_start3A_57, %dma_start3A_58] : memref<51200x16xf32, #tpu.memory_space<vmem_shared>> -> memref<51200x16xf32, #tpu.memory_space<vmem_shared>>
        tpu.enqueue_indirect_dma source(%arg6 : memref<1600x16xf32, #tpu.memory_space<vmem>>) target(%dma_start3A_59 : memref<51200x16xf32, #tpu.memory_space<vmem_shared>>) offsets(%arg10 : memref<1600xi32, #tpu.memory_space<vmem>>) semaphore(%run_scoped3A : memref<!tpu.dma_semaphore, #tpu.memory_space<semaphore_mem>>) {add = true}
        %dma_wait3A_60 = arith.constant 0 : i32
        %dma_wait3A_61 = arith.constant 0 : i32
        %dma_wait3A_62 = tpu.memref_slice %arg12[%dma_wait3A_60, %dma_wait3A_61] : memref<51200x16xf32, #tpu.memory_space<vmem_shared>> -> memref<51200x16xf32, #tpu.memory_space<vmem_shared>>
        tpu.wait_indirect_dma semaphore(%run_scoped3A : memref<!tpu.dma_semaphore, #tpu.memory_space<semaphore_mem>>) src(%arg6 : memref<1600x16xf32, #tpu.memory_space<vmem>>) dst(%dma_wait3A_62 : memref<51200x16xf32, #tpu.memory_space<vmem_shared>>)
        tpu.yield
      }) : () -> ()
      %dma_wait3A_54 = arith.constant 0 : i32
      %dma_wait3A_55 = arith.constant 0 : i32
      %dma_wait3A_56 = tpu.memref_slice %arg2[%dma_wait3A_54, %dma_wait3A_55] : memref<409600x16xf32, #tpu.memory_space<hbm>> -> memref<409600x16xf32, #tpu.memory_space<hbm>>
      tpu.wait_indirect_dma semaphore(%arg14 : memref<!tpu.dma_semaphore, #tpu.memory_space<semaphore_mem>>) src(%dma_wait3A_56 : memref<409600x16xf32, #tpu.memory_space<hbm>>) dst(%arg7 : memref<1600x16xf32, #tpu.memory_space<vmem>>)
      "tpu.region"() ({
        %run_scoped3A = tpu.sem_alloc : memref<!tpu.dma_semaphore, #tpu.memory_space<semaphore_mem>>
        %dma_start3A_57 = arith.constant 0 : i32
        %dma_start3A_58 = arith.constant 0 : i32
        %dma_start3A_59 = tpu.memref_slice %arg12[%dma_start3A_57, %dma_start3A_58] : memref<51200x16xf32, #tpu.memory_space<vmem_shared>> -> memref<51200x16xf32, #tpu.memory_space<vmem_shared>>
        tpu.enqueue_indirect_dma source(%arg7 : memref<1600x16xf32, #tpu.memory_space<vmem>>) target(%dma_start3A_59 : memref<51200x16xf32, #tpu.memory_space<vmem_shared>>) offsets(%arg11 : memref<1600xi32, #tpu.memory_space<vmem>>) semaphore(%run_scoped3A : memref<!tpu.dma_semaphore, #tpu.memory_space<semaphore_mem>>) {add = true}
        %dma_wait3A_60 = arith.constant 0 : i32
        %dma_wait3A_61 = arith.constant 0 : i32
        %dma_wait3A_62 = tpu.memref_slice %arg12[%dma_wait3A_60, %dma_wait3A_61] : memref<51200x16xf32, #tpu.memory_space<vmem_shared>> -> memref<51200x16xf32, #tpu.memory_space<vmem_shared>>
        tpu.wait_indirect_dma semaphore(%run_scoped3A : memref<!tpu.dma_semaphore, #tpu.memory_space<semaphore_mem>>) src(%arg7 : memref<1600x16xf32, #tpu.memory_space<vmem>>) dst(%dma_wait3A_62 : memref<51200x16xf32, #tpu.memory_space<vmem_shared>>)
        tpu.yield
      }) : () -> ()
    }
    %scan3A_20 = arith.constant 16 : i32
    %barrier3A_21 = arith.constant 0 : index
    tpu.barrier barrier_id(%barrier3A_21)
    %mul3A_22 = arith.constant 3200 : i32
    %mul3A_23 = arith.muli %arg1, %mul3A_22 : i32
    %add3A_24 = arith.constant 0 : i32
    %add3A_25 = arith.addi %mul3A_23, %add3A_24 : i32
    %multiple_of3A_26 = tpu.assume_multiple %add3A_25, 8 : i32
    "tpu.region"() ({
      %run_scoped3A = tpu.sem_alloc : memref<!tpu.dma_semaphore, #tpu.memory_space<semaphore_mem>>
      %dma_start3A = arith.constant 0 : i32
      %dma_start3A_32 = tpu.memref_slice %arg12[%multiple_of3A_26, %dma_start3A] : memref<51200x16xf32, #tpu.memory_space<vmem_shared>> -> memref<1600x16xf32, #tpu.memory_space<vmem_shared>>
      %dma_start3A_33 = arith.constant 0 : i32
      %dma_start3A_34 = tpu.memref_slice %arg12[%multiple_of3A_26, %dma_start3A_33] : memref<51200x16xf32, #tpu.memory_space<vmem_shared>> -> memref<1600x16xf32, #tpu.memory_space<vmem_shared>>
      tpu.enqueue_dma source(%dma_start3A_34 : memref<1600x16xf32, #tpu.memory_space<vmem_shared>>) target(%arg6 : memref<1600x16xf32, #tpu.memory_space<vmem>>) target_semaphore(%run_scoped3A : memref<!tpu.dma_semaphore, #tpu.memory_space<semaphore_mem>>)
      %dma_wait3A = arith.constant 0 : i32
      %dma_wait3A_35 = tpu.memref_slice %arg12[%multiple_of3A_26, %dma_wait3A] : memref<51200x16xf32, #tpu.memory_space<vmem_shared>> -> memref<1600x16xf32, #tpu.memory_space<vmem_shared>>
      %dma_wait3A_36 = arith.constant 0 : i32
      %dma_wait3A_37 = tpu.memref_slice %arg12[%multiple_of3A_26, %dma_wait3A_36] : memref<51200x16xf32, #tpu.memory_space<vmem_shared>> -> memref<1600x16xf32, #tpu.memory_space<vmem_shared>>
      tpu.wait_dma2 semaphore(%run_scoped3A : memref<!tpu.dma_semaphore, #tpu.memory_space<semaphore_mem>>) src(%dma_wait3A_37 : memref<1600x16xf32, #tpu.memory_space<vmem_shared>>) dst(%arg6 : memref<1600x16xf32, #tpu.memory_space<vmem>>)
      tpu.yield
    }) : () -> ()
    "tpu.region"() ({
      %run_scoped3A = tpu.sem_alloc : memref<!tpu.dma_semaphore, #tpu.memory_space<semaphore_mem>>
      %dma_start3A = arith.constant 0 : i32
      %dma_start3A_32 = tpu.memref_slice %arg5[%arg0, %multiple_of3A_26, %dma_start3A] : memref<2x51200x16xf32, #tpu.memory_space<hbm>> -> memref<1x1600x16xf32, #tpu.memory_space<hbm>>
      %dma_start3A_33 = tpu.memref_squeeze %dma_start3A_32 : memref<1x1600x16xf32, #tpu.memory_space<hbm>> -> memref<1600x16xf32, #tpu.memory_space<hbm>>
      %dma_start3A_34 = arith.constant 0 : i32
      %dma_start3A_35 = tpu.memref_slice %arg5[%arg0, %multiple_of3A_26, %dma_start3A_34] : memref<2x51200x16xf32, #tpu.memory_space<hbm>> -> memref<1x1600x16xf32, #tpu.memory_space<hbm>>
      %dma_start3A_36 = tpu.memref_squeeze %dma_start3A_35 : memref<1x1600x16xf32, #tpu.memory_space<hbm>> -> memref<1600x16xf32, #tpu.memory_space<hbm>>
      tpu.enqueue_dma source(%arg6 : memref<1600x16xf32, #tpu.memory_space<vmem>>) target(%dma_start3A_36 : memref<1600x16xf32, #tpu.memory_space<hbm>>) target_semaphore(%run_scoped3A : memref<!tpu.dma_semaphore, #tpu.memory_space<semaphore_mem>>)
      %dma_wait3A = arith.constant 0 : i32
      %dma_wait3A_37 = tpu.memref_slice %arg5[%arg0, %multiple_of3A_26, %dma_wait3A] : memref<2x51200x16xf32, #tpu.memory_space<hbm>> -> memref<1x1600x16xf32, #tpu.memory_space<hbm>>
      %dma_wait3A_38 = tpu.memref_squeeze %dma_wait3A_37 : memref<1x1600x16xf32, #tpu.memory_space<hbm>> -> memref<1600x16xf32, #tpu.memory_space<hbm>>
      %dma_wait3A_39 = arith.constant 0 : i32
      %dma_wait3A_40 = tpu.memref_slice %arg5[%arg0, %multiple_of3A_26, %dma_wait3A_39] : memref<2x51200x16xf32, #tpu.memory_space<hbm>> -> memref<1x1600x16xf32, #tpu.memory_space<hbm>>
      %dma_wait3A_41 = tpu.memref_squeeze %dma_wait3A_40 : memref<1x1600x16xf32, #tpu.memory_space<hbm>> -> memref<1600x16xf32, #tpu.memory_space<hbm>>
      tpu.wait_dma2 semaphore(%run_scoped3A : memref<!tpu.dma_semaphore, #tpu.memory_space<semaphore_mem>>) src(%arg6 : memref<1600x16xf32, #tpu.memory_space<vmem>>) dst(%dma_wait3A_41 : memref<1600x16xf32, #tpu.memory_space<hbm>>)
      tpu.yield
    }) : () -> ()
    %mul3A_27 = arith.constant 3200 : i32
    %mul3A_28 = arith.muli %arg1, %mul3A_27 : i32
    %add3A_29 = arith.constant 1600 : i32
    %add3A_30 = arith.addi %mul3A_28, %add3A_29 : i32
    %multiple_of3A_31 = tpu.assume_multiple %add3A_30, 8 : i32
    "tpu.region"() ({
      %run_scoped3A = tpu.sem_alloc : memref<!tpu.dma_semaphore, #tpu.memory_space<semaphore_mem>>
      %dma_start3A = arith.constant 0 : i32
      %dma_start3A_32 = tpu.memref_slice %arg12[%multiple_of3A_31, %dma_start3A] : memref<51200x16xf32, #tpu.memory_space<vmem_shared>> -> memref<1600x16xf32, #tpu.memory_space<vmem_shared>>
      %dma_start3A_33 = arith.constant 0 : i32
      %dma_start3A_34 = tpu.memref_slice %arg12[%multiple_of3A_31, %dma_start3A_33] : memref<51200x16xf32, #tpu.memory_space<vmem_shared>> -> memref<1600x16xf32, #tpu.memory_space<vmem_shared>>
      tpu.enqueue_dma source(%dma_start3A_34 : memref<1600x16xf32, #tpu.memory_space<vmem_shared>>) target(%arg6 : memref<1600x16xf32, #tpu.memory_space<vmem>>) target_semaphore(%run_scoped3A : memref<!tpu.dma_semaphore, #tpu.memory_space<semaphore_mem>>)
      %dma_wait3A = arith.constant 0 : i32
      %dma_wait3A_35 = tpu.memref_slice %arg12[%multiple_of3A_31, %dma_wait3A] : memref<51200x16xf32, #tpu.memory_space<vmem_shared>> -> memref<1600x16xf32, #tpu.memory_space<vmem_shared>>
      %dma_wait3A_36 = arith.constant 0 : i32
      %dma_wait3A_37 = tpu.memref_slice %arg12[%multiple_of3A_31, %dma_wait3A_36] : memref<51200x16xf32, #tpu.memory_space<vmem_shared>> -> memref<1600x16xf32, #tpu.memory_space<vmem_shared>>
      tpu.wait_dma2 semaphore(%run_scoped3A : memref<!tpu.dma_semaphore, #tpu.memory_space<semaphore_mem>>) src(%dma_wait3A_37 : memref<1600x16xf32, #tpu.memory_space<vmem_shared>>) dst(%arg6 : memref<1600x16xf32, #tpu.memory_space<vmem>>)
      tpu.yield
    }) : () -> ()
    "tpu.region"() ({
      %run_scoped3A = tpu.sem_alloc : memref<!tpu.dma_semaphore, #tpu.memory_space<semaphore_mem>>
      %dma_start3A = arith.constant 0 : i32
      %dma_start3A_32 = tpu.memref_slice %arg5[%arg0, %multiple_of3A_31, %dma_start3A] : memref<2x51200x16xf32, #tpu.memory_space<hbm>> -> memref<1x1600x16xf32, #tpu.memory_space<hbm>>
      %dma_start3A_33 = tpu.memref_squeeze %dma_start3A_32 : memref<1x1600x16xf32, #tpu.memory_space<hbm>> -> memref<1600x16xf32, #tpu.memory_space<hbm>>
      %dma_start3A_34 = arith.constant 0 : i32
      %dma_start3A_35 = tpu.memref_slice %arg5[%arg0, %multiple_of3A_31, %dma_start3A_34] : memref<2x51200x16xf32, #tpu.memory_space<hbm>> -> memref<1x1600x16xf32, #tpu.memory_space<hbm>>
      %dma_start3A_36 = tpu.memref_squeeze %dma_start3A_35 : memref<1x1600x16xf32, #tpu.memory_space<hbm>> -> memref<1600x16xf32, #tpu.memory_space<hbm>>
      tpu.enqueue_dma source(%arg6 : memref<1600x16xf32, #tpu.memory_space<vmem>>) target(%dma_start3A_36 : memref<1600x16xf32, #tpu.memory_space<hbm>>) target_semaphore(%run_scoped3A : memref<!tpu.dma_semaphore, #tpu.memory_space<semaphore_mem>>)
      %dma_wait3A = arith.constant 0 : i32
      %dma_wait3A_37 = tpu.memref_slice %arg5[%arg0, %multiple_of3A_31, %dma_wait3A] : memref<2x51200x16xf32, #tpu.memory_space<hbm>> -> memref<1x1600x16xf32, #tpu.memory_space<hbm>>
      %dma_wait3A_38 = tpu.memref_squeeze %dma_wait3A_37 : memref<1x1600x16xf32, #tpu.memory_space<hbm>> -> memref<1600x16xf32, #tpu.memory_space<hbm>>
      %dma_wait3A_39 = arith.constant 0 : i32
      %dma_wait3A_40 = tpu.memref_slice %arg5[%arg0, %multiple_of3A_31, %dma_wait3A_39] : memref<2x51200x16xf32, #tpu.memory_space<hbm>> -> memref<1x1600x16xf32, #tpu.memory_space<hbm>>
      %dma_wait3A_41 = tpu.memref_squeeze %dma_wait3A_40 : memref<1x1600x16xf32, #tpu.memory_space<hbm>> -> memref<1600x16xf32, #tpu.memory_space<hbm>>
      tpu.wait_dma2 semaphore(%run_scoped3A : memref<!tpu.dma_semaphore, #tpu.memory_space<semaphore_mem>>) src(%arg6 : memref<1600x16xf32, #tpu.memory_space<vmem>>) dst(%dma_wait3A_41 : memref<1600x16xf32, #tpu.memory_space<hbm>>)
      tpu.yield
    }) : () -> ()
    return
  }
}

#map = affine_map<(d0, d1) -> (0, 0)>
#map1 = affine_map<(d0, d1) -> (0)>
#map2 = affine_map<(d0, d1) -> (0, 0, 0)>
module attributes {stable_mosaic.version = 14 : i64} {
  func.func @agg(%arg0: i32, %arg1: i32, %arg2: memref<409600x16xf32, #tpu.memory_space<hbm>>, %arg3: memref<2x819200xi32, #tpu.memory_space<hbm>>, %arg4: memref<819200xi32, #tpu.memory_space<hbm>>, %arg5: memref<2x51200x16xf32, #tpu.memory_space<hbm>>, %arg6: memref<1600x16xf32, #tpu.memory_space<vmem>>, %arg7: memref<1600x16xf32, #tpu.memory_space<vmem>>, %arg8: memref<1600xi32, #tpu.memory_space<vmem>>, %arg9: memref<1600xi32, #tpu.memory_space<vmem>>, %arg10: memref<1600xi32, #tpu.memory_space<vmem>>, %arg11: memref<1600xi32, #tpu.memory_space<vmem>>, %arg12: memref<51200x16xf32, #tpu.memory_space<vmem_shared>>, %arg13: memref<!tpu.dma_semaphore, #tpu.memory_space<semaphore_mem>>, %arg14: memref<!tpu.dma_semaphore, #tpu.memory_space<semaphore_mem>>) attributes {dimension_semantics = [#tpu.dimension_semantics<core_parallel>, #tpu.dimension_semantics<subcore_parallel>], iteration_bounds = array<i64: 2, 16>, scalar_prefetch = 0 : i64, scratch_operands = 9 : i64, tpu.core_type = #tpu.core_type<sc_vector_subcore>, window_params = [{transform_indices = #map}, {transform_indices = #map}, {transform_indices = #map1}, {transform_indices = #map2}]} {
    %broadcast_in_dim3A = arith.constant 0.000000e+00 : f32
    %broadcast_in_dim3A_0 = vector.broadcast %broadcast_in_dim3A : f32 to vector<16xf32>
    %scan3A = arith.constant 0 : i32
    %scan3A_1 = arith.constant 0 : i32
    %scan3A_2 = arith.constant 1600 : i32
    %scan3A_3 = arith.addi %scan3A_1, %scan3A_2 : i32
    %scan3A_4 = arith.constant 1 : i32
    scf.for %scan3A_32 = %scan3A_1 to %scan3A_3 step %scan3A_4  : i32 {
      %swap3A = arith.index_cast %scan3A_32 : i32 to index
      %swap3A_33 = arith.constant 0 : index
      %swap3A_34 = tpu.vector_load %arg6[%swap3A, %swap3A_33] {strides = array<i32>} : memref<1600x16xf32, #tpu.memory_space<vmem>>, vector<1x16xf32>,
      %swap3A_35 = vector.shape_cast %swap3A_34 : vector<1x16xf32> to vector<16xf32>
      %swap3A_36 = vector.shape_cast %broadcast_in_dim3A_0 : vector<16xf32> to vector<1x16xf32>
      tpu.vector_store %arg6[%swap3A, %swap3A_33], %swap3A_36 {strides = array<i32>} : memref<1600x16xf32, #tpu.memory_space<vmem>>, vector<1x16xf32>,
    }
    %scan3A_5 = arith.constant 1600 : i32
    %mul3A = arith.constant 3200 : i32
    %mul3A_6 = arith.muli %arg1, %mul3A : i32
    %add3A = arith.constant 0 : i32
    %add3A_7 = arith.addi %mul3A_6, %add3A : i32
    %multiple_of3A = tpu.assume_multiple %add3A_7, 8 : i32
    "tpu.region"() ({
      %run_scoped3A = tpu.sem_alloc : memref<!tpu.dma_semaphore, #tpu.memory_space<semaphore_mem>>
      %dma_start3A = arith.constant 0 : i32
      %dma_start3A_32 = tpu.memref_slice %arg12[%multiple_of3A, %dma_start3A] : memref<51200x16xf32, #tpu.memory_space<vmem_shared>> -> memref<1600x16xf32, #tpu.memory_space<vmem_shared>>
      %dma_start3A_33 = arith.constant 0 : i32
      %dma_start3A_34 = tpu.memref_slice %arg12[%multiple_of3A, %dma_start3A_33] : memref<51200x16xf32, #tpu.memory_space<vmem_shared>> -> memref<1600x16xf32, #tpu.memory_space<vmem_shared>>
      tpu.enqueue_dma source(%arg6 : memref<1600x16xf32, #tpu.memory_space<vmem>>) target(%dma_start3A_34 : memref<1600x16xf32, #tpu.memory_space<vmem_shared>>) target_semaphore(%run_scoped3A : memref<!tpu.dma_semaphore, #tpu.memory_space<semaphore_mem>>)
      %dma_wait3A = arith.constant 0 : i32
      %dma_wait3A_35 = tpu.memref_slice %arg12[%multiple_of3A, %dma_wait3A] : memref<51200x16xf32, #tpu.memory_space<vmem_shared>> -> memref<1600x16xf32, #tpu.memory_space<vmem_shared>>
      %dma_wait3A_36 = arith.constant 0 : i32
      %dma_wait3A_37 = tpu.memref_slice %arg12[%multiple_of3A, %dma_wait3A_36] : memref<51200x16xf32, #tpu.memory_space<vmem_shared>> -> memref<1600x16xf32, #tpu.memory_space<vmem_shared>>
      tpu.wait_dma2 semaphore(%run_scoped3A : memref<!tpu.dma_semaphore, #tpu.memory_space<semaphore_mem>>) src(%arg6 : memref<1600x16xf32, #tpu.memory_space<vmem>>) dst(%dma_wait3A_37 : memref<1600x16xf32, #tpu.memory_space<vmem_shared>>)
      tpu.yield
    }) : () -> ()
    %mul3A_8 = arith.constant 3200 : i32
    %mul3A_9 = arith.muli %arg1, %mul3A_8 : i32
    %add3A_10 = arith.constant 1600 : i32
    %add3A_11 = arith.addi %mul3A_9, %add3A_10 : i32
    %multiple_of3A_12 = tpu.assume_multiple %add3A_11, 8 : i32
    "tpu.region"() ({
      %run_scoped3A = tpu.sem_alloc : memref<!tpu.dma_semaphore, #tpu.memory_space<semaphore_mem>>
      %dma_start3A = arith.constant 0 : i32
      %dma_start3A_32 = tpu.memref_slice %arg12[%multiple_of3A_12, %dma_start3A] : memref<51200x16xf32, #tpu.memory_space<vmem_shared>> -> memref<1600x16xf32, #tpu.memory_space<vmem_shared>>
      %dma_start3A_33 = arith.constant 0 : i32
      %dma_start3A_34 = tpu.memref_slice %arg12[%multiple_of3A_12, %dma_start3A_33] : memref<51200x16xf32, #tpu.memory_space<vmem_shared>> -> memref<1600x16xf32, #tpu.memory_space<vmem_shared>>
      tpu.enqueue_dma source(%arg6 : memref<1600x16xf32, #tpu.memory_space<vmem>>) target(%dma_start3A_34 : memref<1600x16xf32, #tpu.memory_space<vmem_shared>>) target_semaphore(%run_scoped3A : memref<!tpu.dma_semaphore, #tpu.memory_space<semaphore_mem>>)
      %dma_wait3A = arith.constant 0 : i32
      %dma_wait3A_35 = tpu.memref_slice %arg12[%multiple_of3A_12, %dma_wait3A] : memref<51200x16xf32, #tpu.memory_space<vmem_shared>> -> memref<1600x16xf32, #tpu.memory_space<vmem_shared>>
      %dma_wait3A_36 = arith.constant 0 : i32
      %dma_wait3A_37 = tpu.memref_slice %arg12[%multiple_of3A_12, %dma_wait3A_36] : memref<51200x16xf32, #tpu.memory_space<vmem_shared>> -> memref<1600x16xf32, #tpu.memory_space<vmem_shared>>
      tpu.wait_dma2 semaphore(%run_scoped3A : memref<!tpu.dma_semaphore, #tpu.memory_space<semaphore_mem>>) src(%arg6 : memref<1600x16xf32, #tpu.memory_space<vmem>>) dst(%dma_wait3A_37 : memref<1600x16xf32, #tpu.memory_space<vmem_shared>>)
      tpu.yield
    }) : () -> ()
    %barrier3A = arith.constant 0 : index
    tpu.barrier barrier_id(%barrier3A)
    %mul3A_13 = arith.constant 51200 : i32
    %mul3A_14 = arith.muli %arg1, %mul3A_13 : i32
    %scan3A_15 = arith.constant 0 : i32
    %scan3A_16 = arith.constant 0 : i32
    %scan3A_17 = arith.constant 16 : i32
    %scan3A_18 = arith.addi %scan3A_16, %scan3A_17 : i32
    %scan3A_19 = arith.constant 1 : i32
    scf.for %scan3A_32 = %scan3A_16 to %scan3A_18 step %scan3A_19  : i32 {
      %mul3A_33 = arith.constant 2 : i32
      %mul3A_34 = arith.muli %mul3A_33, %scan3A_32 : i32
      %mul3A_35 = arith.constant 1600 : i32
      %mul3A_36 = arith.muli %mul3A_34, %mul3A_35 : i32
      %add3A_37 = arith.addi %mul3A_14, %mul3A_36 : i32
      %multiple_of3A_38 = tpu.assume_multiple %add3A_37, 8 : i32
      "tpu.region"() ({
        %run_scoped3A = tpu.sem_alloc : memref<!tpu.dma_semaphore, #tpu.memory_space<semaphore_mem>>
        %dma_start3A_57 = tpu.memref_slice %arg3[%arg0, %multiple_of3A_38] : memref<2x819200xi32, #tpu.memory_space<hbm>> -> memref<1x1600xi32, #tpu.memory_space<hbm>>
        %dma_start3A_58 = tpu.memref_squeeze %dma_start3A_57 : memref<1x1600xi32, #tpu.memory_space<hbm>> -> memref<1600xi32, #tpu.memory_space<hbm>>
        %dma_start3A_59 = tpu.memref_slice %arg3[%arg0, %multiple_of3A_38] : memref<2x819200xi32, #tpu.memory_space<hbm>> -> memref<1x1600xi32, #tpu.memory_space<hbm>>
        %dma_start3A_60 = tpu.memref_squeeze %dma_start3A_59 : memref<1x1600xi32, #tpu.memory_space<hbm>> -> memref<1600xi32, #tpu.memory_space<hbm>>
        tpu.enqueue_dma source(%dma_start3A_60 : memref<1600xi32, #tpu.memory_space<hbm>>) target(%arg8 : memref<1600xi32, #tpu.memory_space<vmem>>) target_semaphore(%run_scoped3A : memref<!tpu.dma_semaphore, #tpu.memory_space<semaphore_mem>>)
        %dma_wait3A_61 = tpu.memref_slice %arg3[%arg0, %multiple_of3A_38] : memref<2x819200xi32, #tpu.memory_space<hbm>> -> memref<1x1600xi32, #tpu.memory_space<hbm>>
        %dma_wait3A_62 = tpu.memref_squeeze %dma_wait3A_61 : memref<1x1600xi32, #tpu.memory_space<hbm>> -> memref<1600xi32, #tpu.memory_space<hbm>>
        %dma_wait3A_63 = tpu.memref_slice %arg3[%arg0, %multiple_of3A_38] : memref<2x819200xi32, #tpu.memory_space<hbm>> -> memref<1x1600xi32, #tpu.memory_space<hbm>>
        %dma_wait3A_64 = tpu.memref_squeeze %dma_wait3A_63 : memref<1x1600xi32, #tpu.memory_space<hbm>> -> memref<1600xi32, #tpu.memory_space<hbm>>
        tpu.wait_dma2 semaphore(%run_scoped3A : memref<!tpu.dma_semaphore, #tpu.memory_space<semaphore_mem>>) src(%dma_wait3A_64 : memref<1600xi32, #tpu.memory_space<hbm>>) dst(%arg8 : memref<1600xi32, #tpu.memory_space<vmem>>)
        tpu.yield
      }) : () -> ()
      "tpu.region"() ({
        %run_scoped3A = tpu.sem_alloc : memref<!tpu.dma_semaphore, #tpu.memory_space<semaphore_mem>>
        %dma_start3A_57 = tpu.memref_slice %arg4[%multiple_of3A_38] : memref<819200xi32, #tpu.memory_space<hbm>> -> memref<1600xi32, #tpu.memory_space<hbm>>
        %dma_start3A_58 = tpu.memref_slice %arg4[%multiple_of3A_38] : memref<819200xi32, #tpu.memory_space<hbm>> -> memref<1600xi32, #tpu.memory_space<hbm>>
        tpu.enqueue_dma source(%dma_start3A_58 : memref<1600xi32, #tpu.memory_space<hbm>>) target(%arg10 : memref<1600xi32, #tpu.memory_space<vmem>>) target_semaphore(%run_scoped3A : memref<!tpu.dma_semaphore, #tpu.memory_space<semaphore_mem>>)
        %dma_wait3A_59 = tpu.memref_slice %arg4[%multiple_of3A_38] : memref<819200xi32, #tpu.memory_space<hbm>> -> memref<1600xi32, #tpu.memory_space<hbm>>
        %dma_wait3A_60 = tpu.memref_slice %arg4[%multiple_of3A_38] : memref<819200xi32, #tpu.memory_space<hbm>> -> memref<1600xi32, #tpu.memory_space<hbm>>
        tpu.wait_dma2 semaphore(%run_scoped3A : memref<!tpu.dma_semaphore, #tpu.memory_space<semaphore_mem>>) src(%dma_wait3A_60 : memref<1600xi32, #tpu.memory_space<hbm>>) dst(%arg10 : memref<1600xi32, #tpu.memory_space<vmem>>)
        tpu.yield
      }) : () -> ()
      %dma_start3A = arith.constant 0 : i32
      %dma_start3A_39 = arith.constant 0 : i32
      %dma_start3A_40 = tpu.memref_slice %arg2[%dma_start3A, %dma_start3A_39] : memref<409600x16xf32, #tpu.memory_space<hbm>> -> memref<409600x16xf32, #tpu.memory_space<hbm>>
      tpu.enqueue_indirect_dma source(%dma_start3A_40 : memref<409600x16xf32, #tpu.memory_space<hbm>>) target(%arg6 : memref<1600x16xf32, #tpu.memory_space<vmem>>) offsets(%arg8 : memref<1600xi32, #tpu.memory_space<vmem>>) semaphore(%arg13 : memref<!tpu.dma_semaphore, #tpu.memory_space<semaphore_mem>>)
      %mul3A_41 = arith.constant 2 : i32
      %mul3A_42 = arith.muli %mul3A_41, %scan3A_32 : i32
      %add3A_43 = arith.constant 1 : i32
      %add3A_44 = arith.addi %mul3A_42, %add3A_43 : i32
      %mul3A_45 = arith.constant 1600 : i32
      %mul3A_46 = arith.muli %add3A_44, %mul3A_45 : i32
      %add3A_47 = arith.addi %mul3A_14, %mul3A_46 : i32
      %multiple_of3A_48 = tpu.assume_multiple %add3A_47, 8 : i32
      "tpu.region"() ({
        %run_scoped3A = tpu.sem_alloc : memref<!tpu.dma_semaphore, #tpu.memory_space<semaphore_mem>>
        %dma_start3A_57 = tpu.memref_slice %arg3[%arg0, %multiple_of3A_48] : memref<2x819200xi32, #tpu.memory_space<hbm>> -> memref<1x1600xi32, #tpu.memory_space<hbm>>
        %dma_start3A_58 = tpu.memref_squeeze %dma_start3A_57 : memref<1x1600xi32, #tpu.memory_space<hbm>> -> memref<1600xi32, #tpu.memory_space<hbm>>
        %dma_start3A_59 = tpu.memref_slice %arg3[%arg0, %multiple_of3A_48] : memref<2x819200xi32, #tpu.memory_space<hbm>> -> memref<1x1600xi32, #tpu.memory_space<hbm>>
        %dma_start3A_60 = tpu.memref_squeeze %dma_start3A_59 : memref<1x1600xi32, #tpu.memory_space<hbm>> -> memref<1600xi32, #tpu.memory_space<hbm>>
        tpu.enqueue_dma source(%dma_start3A_60 : memref<1600xi32, #tpu.memory_space<hbm>>) target(%arg9 : memref<1600xi32, #tpu.memory_space<vmem>>) target_semaphore(%run_scoped3A : memref<!tpu.dma_semaphore, #tpu.memory_space<semaphore_mem>>)
        %dma_wait3A_61 = tpu.memref_slice %arg3[%arg0, %multiple_of3A_48] : memref<2x819200xi32, #tpu.memory_space<hbm>> -> memref<1x1600xi32, #tpu.memory_space<hbm>>
        %dma_wait3A_62 = tpu.memref_squeeze %dma_wait3A_61 : memref<1x1600xi32, #tpu.memory_space<hbm>> -> memref<1600xi32, #tpu.memory_space<hbm>>
        %dma_wait3A_63 = tpu.memref_slice %arg3[%arg0, %multiple_of3A_48] : memref<2x819200xi32, #tpu.memory_space<hbm>> -> memref<1x1600xi32, #tpu.memory_space<hbm>>
        %dma_wait3A_64 = tpu.memref_squeeze %dma_wait3A_63 : memref<1x1600xi32, #tpu.memory_space<hbm>> -> memref<1600xi32, #tpu.memory_space<hbm>>
        tpu.wait_dma2 semaphore(%run_scoped3A : memref<!tpu.dma_semaphore, #tpu.memory_space<semaphore_mem>>) src(%dma_wait3A_64 : memref<1600xi32, #tpu.memory_space<hbm>>) dst(%arg9 : memref<1600xi32, #tpu.memory_space<vmem>>)
        tpu.yield
      }) : () -> ()
      "tpu.region"() ({
        %run_scoped3A = tpu.sem_alloc : memref<!tpu.dma_semaphore, #tpu.memory_space<semaphore_mem>>
        %dma_start3A_57 = tpu.memref_slice %arg4[%multiple_of3A_48] : memref<819200xi32, #tpu.memory_space<hbm>> -> memref<1600xi32, #tpu.memory_space<hbm>>
        %dma_start3A_58 = tpu.memref_slice %arg4[%multiple_of3A_48] : memref<819200xi32, #tpu.memory_space<hbm>> -> memref<1600xi32, #tpu.memory_space<hbm>>
        tpu.enqueue_dma source(%dma_start3A_58 : memref<1600xi32, #tpu.memory_space<hbm>>) target(%arg11 : memref<1600xi32, #tpu.memory_space<vmem>>) target_semaphore(%run_scoped3A : memref<!tpu.dma_semaphore, #tpu.memory_space<semaphore_mem>>)
        %dma_wait3A_59 = tpu.memref_slice %arg4[%multiple_of3A_48] : memref<819200xi32, #tpu.memory_space<hbm>> -> memref<1600xi32, #tpu.memory_space<hbm>>
        %dma_wait3A_60 = tpu.memref_slice %arg4[%multiple_of3A_48] : memref<819200xi32, #tpu.memory_space<hbm>> -> memref<1600xi32, #tpu.memory_space<hbm>>
        tpu.wait_dma2 semaphore(%run_scoped3A : memref<!tpu.dma_semaphore, #tpu.memory_space<semaphore_mem>>) src(%dma_wait3A_60 : memref<1600xi32, #tpu.memory_space<hbm>>) dst(%arg11 : memref<1600xi32, #tpu.memory_space<vmem>>)
        tpu.yield
      }) : () -> ()
      %dma_start3A_49 = arith.constant 0 : i32
      %dma_start3A_50 = arith.constant 0 : i32
      %dma_start3A_51 = tpu.memref_slice %arg2[%dma_start3A_49, %dma_start3A_50] : memref<409600x16xf32, #tpu.memory_space<hbm>> -> memref<409600x16xf32, #tpu.memory_space<hbm>>
      tpu.enqueue_indirect_dma source(%dma_start3A_51 : memref<409600x16xf32, #tpu.memory_space<hbm>>) target(%arg7 : memref<1600x16xf32, #tpu.memory_space<vmem>>) offsets(%arg9 : memref<1600xi32, #tpu.memory_space<vmem>>) semaphore(%arg14 : memref<!tpu.dma_semaphore, #tpu.memory_space<semaphore_mem>>)
      %dma_wait3A = arith.constant 0 : i32
      %dma_wait3A_52 = arith.constant 0 : i32
      %dma_wait3A_53 = tpu.memref_slice %arg2[%dma_wait3A, %dma_wait3A_52] : memref<409600x16xf32, #tpu.memory_space<hbm>> -> memref<409600x16xf32, #tpu.memory_space<hbm>>
      tpu.wait_indirect_dma semaphore(%arg13 : memref<!tpu.dma_semaphore, #tpu.memory_space<semaphore_mem>>) src(%dma_wait3A_53 : memref<409600x16xf32, #tpu.memory_space<hbm>>) dst(%arg6 : memref<1600x16xf32, #tpu.memory_space<vmem>>)
      "tpu.region"() ({
        %run_scoped3A = tpu.sem_alloc : memref<!tpu.dma_semaphore, #tpu.memory_space<semaphore_mem>>
        %dma_start3A_57 = arith.constant 0 : i32
        %dma_start3A_58 = arith.constant 0 : i32
        %dma_start3A_59 = tpu.memref_slice %arg12[%dma_start3A_57, %dma_start3A_58] : memref<51200x16xf32, #tpu.memory_space<vmem_shared>> -> memref<51200x16xf32, #tpu.memory_space<vmem_shared>>
        tpu.enqueue_indirect_dma source(%arg6 : memref<1600x16xf32, #tpu.memory_space<vmem>>) target(%dma_start3A_59 : memref<51200x16xf32, #tpu.memory_space<vmem_shared>>) offsets(%arg10 : memref<1600xi32, #tpu.memory_space<vmem>>) semaphore(%run_scoped3A : memref<!tpu.dma_semaphore, #tpu.memory_space<semaphore_mem>>) {add = true}
        %dma_wait3A_60 = arith.constant 0 : i32
        %dma_wait3A_61 = arith.constant 0 : i32
        %dma_wait3A_62 = tpu.memref_slice %arg12[%dma_wait3A_60, %dma_wait3A_61] : memref<51200x16xf32, #tpu.memory_space<vmem_shared>> -> memref<51200x16xf32, #tpu.memory_space<vmem_shared>>
        tpu.wait_indirect_dma semaphore(%run_scoped3A : memref<!tpu.dma_semaphore, #tpu.memory_space<semaphore_mem>>) src(%arg6 : memref<1600x16xf32, #tpu.memory_space<vmem>>) dst(%dma_wait3A_62 : memref<51200x16xf32, #tpu.memory_space<vmem_shared>>)
        tpu.yield
      }) : () -> ()
      %dma_wait3A_54 = arith.constant 0 : i32
      %dma_wait3A_55 = arith.constant 0 : i32
      %dma_wait3A_56 = tpu.memref_slice %arg2[%dma_wait3A_54, %dma_wait3A_55] : memref<409600x16xf32, #tpu.memory_space<hbm>> -> memref<409600x16xf32, #tpu.memory_space<hbm>>
      tpu.wait_indirect_dma semaphore(%arg14 : memref<!tpu.dma_semaphore, #tpu.memory_space<semaphore_mem>>) src(%dma_wait3A_56 : memref<409600x16xf32, #tpu.memory_space<hbm>>) dst(%arg7 : memref<1600x16xf32, #tpu.memory_space<vmem>>)
      "tpu.region"() ({
        %run_scoped3A = tpu.sem_alloc : memref<!tpu.dma_semaphore, #tpu.memory_space<semaphore_mem>>
        %dma_start3A_57 = arith.constant 0 : i32
        %dma_start3A_58 = arith.constant 0 : i32
        %dma_start3A_59 = tpu.memref_slice %arg12[%dma_start3A_57, %dma_start3A_58] : memref<51200x16xf32, #tpu.memory_space<vmem_shared>> -> memref<51200x16xf32, #tpu.memory_space<vmem_shared>>
        tpu.enqueue_indirect_dma source(%arg7 : memref<1600x16xf32, #tpu.memory_space<vmem>>) target(%dma_start3A_59 : memref<51200x16xf32, #tpu.memory_space<vmem_shared>>) offsets(%arg11 : memref<1600xi32, #tpu.memory_space<vmem>>) semaphore(%run_scoped3A : memref<!tpu.dma_semaphore, #tpu.memory_space<semaphore_mem>>) {add = true}
        %dma_wait3A_60 = arith.constant 0 : i32
        %dma_wait3A_61 = arith.constant 0 : i32
        %dma_wait3A_62 = tpu.memref_slice %arg12[%dma_wait3A_60, %dma_wait3A_61] : memref<51200x16xf32, #tpu.memory_space<vmem_shared>> -> memref<51200x16xf32, #tpu.memory_space<vmem_shared>>
        tpu.wait_indirect_dma semaphore(%run_scoped3A : memref<!tpu.dma_semaphore, #tpu.memory_space<semaphore_mem>>) src(%arg7 : memref<1600x16xf32, #tpu.memory_space<vmem>>) dst(%dma_wait3A_62 : memref<51200x16xf32, #tpu.memory_space<vmem_shared>>)
        tpu.yield
      }) : () -> ()
    }
    %scan3A_20 = arith.constant 16 : i32
    %barrier3A_21 = arith.constant 0 : index
    tpu.barrier barrier_id(%barrier3A_21)
    %mul3A_22 = arith.constant 3200 : i32
    %mul3A_23 = arith.muli %arg1, %mul3A_22 : i32
    %add3A_24 = arith.constant 0 : i32
    %add3A_25 = arith.addi %mul3A_23, %add3A_24 : i32
    %multiple_of3A_26 = tpu.assume_multiple %add3A_25, 8 : i32
    "tpu.region"() ({
      %run_scoped3A = tpu.sem_alloc : memref<!tpu.dma_semaphore, #tpu.memory_space<semaphore_mem>>
      %dma_start3A = arith.constant 0 : i32
      %dma_start3A_32 = tpu.memref_slice %arg12[%multiple_of3A_26, %dma_start3A] : memref<51200x16xf32, #tpu.memory_space<vmem_shared>> -> memref<1600x16xf32, #tpu.memory_space<vmem_shared>>
      %dma_start3A_33 = arith.constant 0 : i32
      %dma_start3A_34 = tpu.memref_slice %arg12[%multiple_of3A_26, %dma_start3A_33] : memref<51200x16xf32, #tpu.memory_space<vmem_shared>> -> memref<1600x16xf32, #tpu.memory_space<vmem_shared>>
      tpu.enqueue_dma source(%dma_start3A_34 : memref<1600x16xf32, #tpu.memory_space<vmem_shared>>) target(%arg6 : memref<1600x16xf32, #tpu.memory_space<vmem>>) target_semaphore(%run_scoped3A : memref<!tpu.dma_semaphore, #tpu.memory_space<semaphore_mem>>)
      %dma_wait3A = arith.constant 0 : i32
      %dma_wait3A_35 = tpu.memref_slice %arg12[%multiple_of3A_26, %dma_wait3A] : memref<51200x16xf32, #tpu.memory_space<vmem_shared>> -> memref<1600x16xf32, #tpu.memory_space<vmem_shared>>
      %dma_wait3A_36 = arith.constant 0 : i32
      %dma_wait3A_37 = tpu.memref_slice %arg12[%multiple_of3A_26, %dma_wait3A_36] : memref<51200x16xf32, #tpu.memory_space<vmem_shared>> -> memref<1600x16xf32, #tpu.memory_space<vmem_shared>>
      tpu.wait_dma2 semaphore(%run_scoped3A : memref<!tpu.dma_semaphore, #tpu.memory_space<semaphore_mem>>) src(%dma_wait3A_37 : memref<1600x16xf32, #tpu.memory_space<vmem_shared>>) dst(%arg6 : memref<1600x16xf32, #tpu.memory_space<vmem>>)
      tpu.yield
    }) : () -> ()
    "tpu.region"() ({
      %run_scoped3A = tpu.sem_alloc : memref<!tpu.dma_semaphore, #tpu.memory_space<semaphore_mem>>
      %dma_start3A = arith.constant 0 : i32
      %dma_start3A_32 = tpu.memref_slice %arg5[%arg0, %multiple_of3A_26, %dma_start3A] : memref<2x51200x16xf32, #tpu.memory_space<hbm>> -> memref<1x1600x16xf32, #tpu.memory_space<hbm>>
      %dma_start3A_33 = tpu.memref_squeeze %dma_start3A_32 : memref<1x1600x16xf32, #tpu.memory_space<hbm>> -> memref<1600x16xf32, #tpu.memory_space<hbm>>
      %dma_start3A_34 = arith.constant 0 : i32
      %dma_start3A_35 = tpu.memref_slice %arg5[%arg0, %multiple_of3A_26, %dma_start3A_34] : memref<2x51200x16xf32, #tpu.memory_space<hbm>> -> memref<1x1600x16xf32, #tpu.memory_space<hbm>>
      %dma_start3A_36 = tpu.memref_squeeze %dma_start3A_35 : memref<1x1600x16xf32, #tpu.memory_space<hbm>> -> memref<1600x16xf32, #tpu.memory_space<hbm>>
      tpu.enqueue_dma source(%arg6 : memref<1600x16xf32, #tpu.memory_space<vmem>>) target(%dma_start3A_36 : memref<1600x16xf32, #tpu.memory_space<hbm>>) target_semaphore(%run_scoped3A : memref<!tpu.dma_semaphore, #tpu.memory_space<semaphore_mem>>)
      %dma_wait3A = arith.constant 0 : i32
      %dma_wait3A_37 = tpu.memref_slice %arg5[%arg0, %multiple_of3A_26, %dma_wait3A] : memref<2x51200x16xf32, #tpu.memory_space<hbm>> -> memref<1x1600x16xf32, #tpu.memory_space<hbm>>
      %dma_wait3A_38 = tpu.memref_squeeze %dma_wait3A_37 : memref<1x1600x16xf32, #tpu.memory_space<hbm>> -> memref<1600x16xf32, #tpu.memory_space<hbm>>
      %dma_wait3A_39 = arith.constant 0 : i32
      %dma_wait3A_40 = tpu.memref_slice %arg5[%arg0, %multiple_of3A_26, %dma_wait3A_39] : memref<2x51200x16xf32, #tpu.memory_space<hbm>> -> memref<1x1600x16xf32, #tpu.memory_space<hbm>>
      %dma_wait3A_41 = tpu.memref_squeeze %dma_wait3A_40 : memref<1x1600x16xf32, #tpu.memory_space<hbm>> -> memref<1600x16xf32, #tpu.memory_space<hbm>>
      tpu.wait_dma2 semaphore(%run_scoped3A : memref<!tpu.dma_semaphore, #tpu.memory_space<semaphore_mem>>) src(%arg6 : memref<1600x16xf32, #tpu.memory_space<vmem>>) dst(%dma_wait3A_41 : memref<1600x16xf32, #tpu.memory_space<hbm>>)
      tpu.yield
    }) : () -> ()
    %mul3A_27 = arith.constant 3200 : i32
    %mul3A_28 = arith.muli %arg1, %mul3A_27 : i32
    %add3A_29 = arith.constant 1600 : i32
    %add3A_30 = arith.addi %mul3A_28, %add3A_29 : i32
    %multiple_of3A_31 = tpu.assume_multiple %add3A_30, 8 : i32
    "tpu.region"() ({
      %run_scoped3A = tpu.sem_alloc : memref<!tpu.dma_semaphore, #tpu.memory_space<semaphore_mem>>
      %dma_start3A = arith.constant 0 : i32
      %dma_start3A_32 = tpu.memref_slice %arg12[%multiple_of3A_31, %dma_start3A] : memref<51200x16xf32, #tpu.memory_space<vmem_shared>> -> memref<1600x16xf32, #tpu.memory_space<vmem_shared>>
      %dma_start3A_33 = arith.constant 0 : i32
      %dma_start3A_34 = tpu.memref_slice %arg12[%multiple_of3A_31, %dma_start3A_33] : memref<51200x16xf32, #tpu.memory_space<vmem_shared>> -> memref<1600x16xf32, #tpu.memory_space<vmem_shared>>
      tpu.enqueue_dma source(%dma_start3A_34 : memref<1600x16xf32, #tpu.memory_space<vmem_shared>>) target(%arg6 : memref<1600x16xf32, #tpu.memory_space<vmem>>) target_semaphore(%run_scoped3A : memref<!tpu.dma_semaphore, #tpu.memory_space<semaphore_mem>>)
      %dma_wait3A = arith.constant 0 : i32
      %dma_wait3A_35 = tpu.memref_slice %arg12[%multiple_of3A_31, %dma_wait3A] : memref<51200x16xf32, #tpu.memory_space<vmem_shared>> -> memref<1600x16xf32, #tpu.memory_space<vmem_shared>>
      %dma_wait3A_36 = arith.constant 0 : i32
      %dma_wait3A_37 = tpu.memref_slice %arg12[%multiple_of3A_31, %dma_wait3A_36] : memref<51200x16xf32, #tpu.memory_space<vmem_shared>> -> memref<1600x16xf32, #tpu.memory_space<vmem_shared>>
      tpu.wait_dma2 semaphore(%run_scoped3A : memref<!tpu.dma_semaphore, #tpu.memory_space<semaphore_mem>>) src(%dma_wait3A_37 : memref<1600x16xf32, #tpu.memory_space<vmem_shared>>) dst(%arg6 : memref<1600x16xf32, #tpu.memory_space<vmem>>)
      tpu.yield
    }) : () -> ()
    "tpu.region"() ({
      %run_scoped3A = tpu.sem_alloc : memref<!tpu.dma_semaphore, #tpu.memory_space<semaphore_mem>>
      %dma_start3A = arith.constant 0 : i32
      %dma_start3A_32 = tpu.memref_slice %arg5[%arg0, %multiple_of3A_31, %dma_start3A] : memref<2x51200x16xf32, #tpu.memory_space<hbm>> -> memref<1x1600x16xf32, #tpu.memory_space<hbm>>
      %dma_start3A_33 = tpu.memref_squeeze %dma_start3A_32 : memref<1x1600x16xf32, #tpu.memory_space<hbm>> -> memref<1600x16xf32, #tpu.memory_space<hbm>>
      %dma_start3A_34 = arith.constant 0 : i32
      %dma_start3A_35 = tpu.memref_slice %arg5[%arg0, %multiple_of3A_31, %dma_start3A_34] : memref<2x51200x16xf32, #tpu.memory_space<hbm>> -> memref<1x1600x16xf32, #tpu.memory_space<hbm>>
      %dma_start3A_36 = tpu.memref_squeeze %dma_start3A_35 : memref<1x1600x16xf32, #tpu.memory_space<hbm>> -> memref<1600x16xf32, #tpu.memory_space<hbm>>
      tpu.enqueue_dma source(%arg6 : memref<1600x16xf32, #tpu.memory_space<vmem>>) target(%dma_start3A_36 : memref<1600x16xf32, #tpu.memory_space<hbm>>) target_semaphore(%run_scoped3A : memref<!tpu.dma_semaphore, #tpu.memory_space<semaphore_mem>>)
      %dma_wait3A = arith.constant 0 : i32
      %dma_wait3A_37 = tpu.memref_slice %arg5[%arg0, %multiple_of3A_31, %dma_wait3A] : memref<2x51200x16xf32, #tpu.memory_space<hbm>> -> memref<1x1600x16xf32, #tpu.memory_space<hbm>>
      %dma_wait3A_38 = tpu.memref_squeeze %dma_wait3A_37 : memref<1x1600x16xf32, #tpu.memory_space<hbm>> -> memref<1600x16xf32, #tpu.memory_space<hbm>>
      %dma_wait3A_39 = arith.constant 0 : i32
      %dma_wait3A_40 = tpu.memref_slice %arg5[%arg0, %multiple_of3A_31, %dma_wait3A_39] : memref<2x51200x16xf32, #tpu.memory_space<hbm>> -> memref<1x1600x16xf32, #tpu.memory_space<hbm>>
      %dma_wait3A_41 = tpu.memref_squeeze %dma_wait3A_40 : memref<1x1600x16xf32, #tpu.memory_space<hbm>> -> memref<1600x16xf32, #tpu.memory_space<hbm>>
      tpu.wait_dma2 semaphore(%run_scoped3A : memref<!tpu.dma_semaphore, #tpu.memory_space<semaphore_mem>>) src(%arg6 : memref<1600x16xf32, #tpu.memory_space<vmem>>) dst(%dma_wait3A_41 : memref<1600x16xf32, #tpu.memory_space<hbm>>)
      tpu.yield
    }) : () -> ()
    return
  }
}

#map = affine_map<(d0, d1) -> (0, 0)>
#map1 = affine_map<(d0, d1) -> (0)>
#map2 = affine_map<(d0, d1) -> (0, 0, 0)>
module attributes {stable_mosaic.version = 14 : i64} {
  func.func @agg(%arg0: i32, %arg1: i32, %arg2: memref<409600x16xf32, #tpu.memory_space<hbm>>, %arg3: memref<2x819200xi32, #tpu.memory_space<hbm>>, %arg4: memref<819200xi32, #tpu.memory_space<hbm>>, %arg5: memref<2x51200x16xf32, #tpu.memory_space<hbm>>, %arg6: memref<1600x16xf32, #tpu.memory_space<vmem>>, %arg7: memref<1600x16xf32, #tpu.memory_space<vmem>>, %arg8: memref<1600xi32, #tpu.memory_space<vmem>>, %arg9: memref<1600xi32, #tpu.memory_space<vmem>>, %arg10: memref<1600xi32, #tpu.memory_space<vmem>>, %arg11: memref<1600xi32, #tpu.memory_space<vmem>>, %arg12: memref<51200x16xf32, #tpu.memory_space<vmem_shared>>, %arg13: memref<!tpu.dma_semaphore, #tpu.memory_space<semaphore_mem>>, %arg14: memref<!tpu.dma_semaphore, #tpu.memory_space<semaphore_mem>>) attributes {dimension_semantics = [#tpu.dimension_semantics<core_parallel>, #tpu.dimension_semantics<subcore_parallel>], iteration_bounds = array<i64: 2, 16>, scalar_prefetch = 0 : i64, scratch_operands = 9 : i64, tpu.core_type = #tpu.core_type<sc_vector_subcore>, window_params = [{transform_indices = #map}, {transform_indices = #map}, {transform_indices = #map1}, {transform_indices = #map2}]} {
    %broadcast_in_dim3A = arith.constant 0.000000e+00 : f32
    %broadcast_in_dim3A_0 = vector.broadcast %broadcast_in_dim3A : f32 to vector<16xf32>
    %scan3A = arith.constant 0 : i32
    %scan3A_1 = arith.constant 0 : i32
    %scan3A_2 = arith.constant 1600 : i32
    %scan3A_3 = arith.addi %scan3A_1, %scan3A_2 : i32
    %scan3A_4 = arith.constant 1 : i32
    scf.for %scan3A_32 = %scan3A_1 to %scan3A_3 step %scan3A_4  : i32 {
      %swap3A = arith.index_cast %scan3A_32 : i32 to index
      %swap3A_33 = arith.constant 0 : index
      %swap3A_34 = tpu.vector_load %arg6[%swap3A, %swap3A_33] {strides = array<i32>} : memref<1600x16xf32, #tpu.memory_space<vmem>>, vector<1x16xf32>,
      %swap3A_35 = vector.shape_cast %swap3A_34 : vector<1x16xf32> to vector<16xf32>
      %swap3A_36 = vector.shape_cast %broadcast_in_dim3A_0 : vector<16xf32> to vector<1x16xf32>
      tpu.vector_store %arg6[%swap3A, %swap3A_33], %swap3A_36 {strides = array<i32>} : memref<1600x16xf32, #tpu.memory_space<vmem>>, vector<1x16xf32>,
    }
    %scan3A_5 = arith.constant 1600 : i32
    %mul3A = arith.constant 3200 : i32
    %mul3A_6 = arith.muli %arg1, %mul3A : i32
    %add3A = arith.constant 0 : i32
    %add3A_7 = arith.addi %mul3A_6, %add3A : i32
    %multiple_of3A = tpu.assume_multiple %add3A_7, 8 : i32
    "tpu.region"() ({
      %run_scoped3A = tpu.sem_alloc : memref<!tpu.dma_semaphore, #tpu.memory_space<semaphore_mem>>
      %dma_start3A = arith.constant 0 : i32
      %dma_start3A_32 = tpu.memref_slice %arg12[%multiple_of3A, %dma_start3A] : memref<51200x16xf32, #tpu.memory_space<vmem_shared>> -> memref<1600x16xf32, #tpu.memory_space<vmem_shared>>
      %dma_start3A_33 = arith.constant 0 : i32
      %dma_start3A_34 = tpu.memref_slice %arg12[%multiple_of3A, %dma_start3A_33] : memref<51200x16xf32, #tpu.memory_space<vmem_shared>> -> memref<1600x16xf32, #tpu.memory_space<vmem_shared>>
      tpu.enqueue_dma source(%arg6 : memref<1600x16xf32, #tpu.memory_space<vmem>>) target(%dma_start3A_34 : memref<1600x16xf32, #tpu.memory_space<vmem_shared>>) target_semaphore(%run_scoped3A : memref<!tpu.dma_semaphore, #tpu.memory_space<semaphore_mem>>)
      %dma_wait3A = arith.constant 0 : i32
      %dma_wait3A_35 = tpu.memref_slice %arg12[%multiple_of3A, %dma_wait3A] : memref<51200x16xf32, #tpu.memory_space<vmem_shared>> -> memref<1600x16xf32, #tpu.memory_space<vmem_shared>>
      %dma_wait3A_36 = arith.constant 0 : i32
      %dma_wait3A_37 = tpu.memref_slice %arg12[%multiple_of3A, %dma_wait3A_36] : memref<51200x16xf32, #tpu.memory_space<vmem_shared>> -> memref<1600x16xf32, #tpu.memory_space<vmem_shared>>
      tpu.wait_dma2 semaphore(%run_scoped3A : memref<!tpu.dma_semaphore, #tpu.memory_space<semaphore_mem>>) src(%arg6 : memref<1600x16xf32, #tpu.memory_space<vmem>>) dst(%dma_wait3A_37 : memref<1600x16xf32, #tpu.memory_space<vmem_shared>>)
      tpu.yield
    }) : () -> ()
    %mul3A_8 = arith.constant 3200 : i32
    %mul3A_9 = arith.muli %arg1, %mul3A_8 : i32
    %add3A_10 = arith.constant 1600 : i32
    %add3A_11 = arith.addi %mul3A_9, %add3A_10 : i32
    %multiple_of3A_12 = tpu.assume_multiple %add3A_11, 8 : i32
    "tpu.region"() ({
      %run_scoped3A = tpu.sem_alloc : memref<!tpu.dma_semaphore, #tpu.memory_space<semaphore_mem>>
      %dma_start3A = arith.constant 0 : i32
      %dma_start3A_32 = tpu.memref_slice %arg12[%multiple_of3A_12, %dma_start3A] : memref<51200x16xf32, #tpu.memory_space<vmem_shared>> -> memref<1600x16xf32, #tpu.memory_space<vmem_shared>>
      %dma_start3A_33 = arith.constant 0 : i32
      %dma_start3A_34 = tpu.memref_slice %arg12[%multiple_of3A_12, %dma_start3A_33] : memref<51200x16xf32, #tpu.memory_space<vmem_shared>> -> memref<1600x16xf32, #tpu.memory_space<vmem_shared>>
      tpu.enqueue_dma source(%arg6 : memref<1600x16xf32, #tpu.memory_space<vmem>>) target(%dma_start3A_34 : memref<1600x16xf32, #tpu.memory_space<vmem_shared>>) target_semaphore(%run_scoped3A : memref<!tpu.dma_semaphore, #tpu.memory_space<semaphore_mem>>)
      %dma_wait3A = arith.constant 0 : i32
      %dma_wait3A_35 = tpu.memref_slice %arg12[%multiple_of3A_12, %dma_wait3A] : memref<51200x16xf32, #tpu.memory_space<vmem_shared>> -> memref<1600x16xf32, #tpu.memory_space<vmem_shared>>
      %dma_wait3A_36 = arith.constant 0 : i32
      %dma_wait3A_37 = tpu.memref_slice %arg12[%multiple_of3A_12, %dma_wait3A_36] : memref<51200x16xf32, #tpu.memory_space<vmem_shared>> -> memref<1600x16xf32, #tpu.memory_space<vmem_shared>>
      tpu.wait_dma2 semaphore(%run_scoped3A : memref<!tpu.dma_semaphore, #tpu.memory_space<semaphore_mem>>) src(%arg6 : memref<1600x16xf32, #tpu.memory_space<vmem>>) dst(%dma_wait3A_37 : memref<1600x16xf32, #tpu.memory_space<vmem_shared>>)
      tpu.yield
    }) : () -> ()
    %barrier3A = arith.constant 0 : index
    tpu.barrier barrier_id(%barrier3A)
    %mul3A_13 = arith.constant 51200 : i32
    %mul3A_14 = arith.muli %arg1, %mul3A_13 : i32
    %scan3A_15 = arith.constant 0 : i32
    %scan3A_16 = arith.constant 0 : i32
    %scan3A_17 = arith.constant 16 : i32
    %scan3A_18 = arith.addi %scan3A_16, %scan3A_17 : i32
    %scan3A_19 = arith.constant 1 : i32
    scf.for %scan3A_32 = %scan3A_16 to %scan3A_18 step %scan3A_19  : i32 {
      %mul3A_33 = arith.constant 2 : i32
      %mul3A_34 = arith.muli %mul3A_33, %scan3A_32 : i32
      %mul3A_35 = arith.constant 1600 : i32
      %mul3A_36 = arith.muli %mul3A_34, %mul3A_35 : i32
      %add3A_37 = arith.addi %mul3A_14, %mul3A_36 : i32
      %multiple_of3A_38 = tpu.assume_multiple %add3A_37, 8 : i32
      "tpu.region"() ({
        %run_scoped3A = tpu.sem_alloc : memref<!tpu.dma_semaphore, #tpu.memory_space<semaphore_mem>>
        %dma_start3A_57 = tpu.memref_slice %arg3[%arg0, %multiple_of3A_38] : memref<2x819200xi32, #tpu.memory_space<hbm>> -> memref<1x1600xi32, #tpu.memory_space<hbm>>
        %dma_start3A_58 = tpu.memref_squeeze %dma_start3A_57 : memref<1x1600xi32, #tpu.memory_space<hbm>> -> memref<1600xi32, #tpu.memory_space<hbm>>
        %dma_start3A_59 = tpu.memref_slice %arg3[%arg0, %multiple_of3A_38] : memref<2x819200xi32, #tpu.memory_space<hbm>> -> memref<1x1600xi32, #tpu.memory_space<hbm>>
        %dma_start3A_60 = tpu.memref_squeeze %dma_start3A_59 : memref<1x1600xi32, #tpu.memory_space<hbm>> -> memref<1600xi32, #tpu.memory_space<hbm>>
        tpu.enqueue_dma source(%dma_start3A_60 : memref<1600xi32, #tpu.memory_space<hbm>>) target(%arg8 : memref<1600xi32, #tpu.memory_space<vmem>>) target_semaphore(%run_scoped3A : memref<!tpu.dma_semaphore, #tpu.memory_space<semaphore_mem>>)
        %dma_wait3A_61 = tpu.memref_slice %arg3[%arg0, %multiple_of3A_38] : memref<2x819200xi32, #tpu.memory_space<hbm>> -> memref<1x1600xi32, #tpu.memory_space<hbm>>
        %dma_wait3A_62 = tpu.memref_squeeze %dma_wait3A_61 : memref<1x1600xi32, #tpu.memory_space<hbm>> -> memref<1600xi32, #tpu.memory_space<hbm>>
        %dma_wait3A_63 = tpu.memref_slice %arg3[%arg0, %multiple_of3A_38] : memref<2x819200xi32, #tpu.memory_space<hbm>> -> memref<1x1600xi32, #tpu.memory_space<hbm>>
        %dma_wait3A_64 = tpu.memref_squeeze %dma_wait3A_63 : memref<1x1600xi32, #tpu.memory_space<hbm>> -> memref<1600xi32, #tpu.memory_space<hbm>>
        tpu.wait_dma2 semaphore(%run_scoped3A : memref<!tpu.dma_semaphore, #tpu.memory_space<semaphore_mem>>) src(%dma_wait3A_64 : memref<1600xi32, #tpu.memory_space<hbm>>) dst(%arg8 : memref<1600xi32, #tpu.memory_space<vmem>>)
        tpu.yield
      }) : () -> ()
      "tpu.region"() ({
        %run_scoped3A = tpu.sem_alloc : memref<!tpu.dma_semaphore, #tpu.memory_space<semaphore_mem>>
        %dma_start3A_57 = tpu.memref_slice %arg4[%multiple_of3A_38] : memref<819200xi32, #tpu.memory_space<hbm>> -> memref<1600xi32, #tpu.memory_space<hbm>>
        %dma_start3A_58 = tpu.memref_slice %arg4[%multiple_of3A_38] : memref<819200xi32, #tpu.memory_space<hbm>> -> memref<1600xi32, #tpu.memory_space<hbm>>
        tpu.enqueue_dma source(%dma_start3A_58 : memref<1600xi32, #tpu.memory_space<hbm>>) target(%arg10 : memref<1600xi32, #tpu.memory_space<vmem>>) target_semaphore(%run_scoped3A : memref<!tpu.dma_semaphore, #tpu.memory_space<semaphore_mem>>)
        %dma_wait3A_59 = tpu.memref_slice %arg4[%multiple_of3A_38] : memref<819200xi32, #tpu.memory_space<hbm>> -> memref<1600xi32, #tpu.memory_space<hbm>>
        %dma_wait3A_60 = tpu.memref_slice %arg4[%multiple_of3A_38] : memref<819200xi32, #tpu.memory_space<hbm>> -> memref<1600xi32, #tpu.memory_space<hbm>>
        tpu.wait_dma2 semaphore(%run_scoped3A : memref<!tpu.dma_semaphore, #tpu.memory_space<semaphore_mem>>) src(%dma_wait3A_60 : memref<1600xi32, #tpu.memory_space<hbm>>) dst(%arg10 : memref<1600xi32, #tpu.memory_space<vmem>>)
        tpu.yield
      }) : () -> ()
      %dma_start3A = arith.constant 0 : i32
      %dma_start3A_39 = arith.constant 0 : i32
      %dma_start3A_40 = tpu.memref_slice %arg2[%dma_start3A, %dma_start3A_39] : memref<409600x16xf32, #tpu.memory_space<hbm>> -> memref<409600x16xf32, #tpu.memory_space<hbm>>
      tpu.enqueue_indirect_dma source(%dma_start3A_40 : memref<409600x16xf32, #tpu.memory_space<hbm>>) target(%arg6 : memref<1600x16xf32, #tpu.memory_space<vmem>>) offsets(%arg8 : memref<1600xi32, #tpu.memory_space<vmem>>) semaphore(%arg13 : memref<!tpu.dma_semaphore, #tpu.memory_space<semaphore_mem>>)
      %mul3A_41 = arith.constant 2 : i32
      %mul3A_42 = arith.muli %mul3A_41, %scan3A_32 : i32
      %add3A_43 = arith.constant 1 : i32
      %add3A_44 = arith.addi %mul3A_42, %add3A_43 : i32
      %mul3A_45 = arith.constant 1600 : i32
      %mul3A_46 = arith.muli %add3A_44, %mul3A_45 : i32
      %add3A_47 = arith.addi %mul3A_14, %mul3A_46 : i32
      %multiple_of3A_48 = tpu.assume_multiple %add3A_47, 8 : i32
      "tpu.region"() ({
        %run_scoped3A = tpu.sem_alloc : memref<!tpu.dma_semaphore, #tpu.memory_space<semaphore_mem>>
        %dma_start3A_57 = tpu.memref_slice %arg3[%arg0, %multiple_of3A_48] : memref<2x819200xi32, #tpu.memory_space<hbm>> -> memref<1x1600xi32, #tpu.memory_space<hbm>>
        %dma_start3A_58 = tpu.memref_squeeze %dma_start3A_57 : memref<1x1600xi32, #tpu.memory_space<hbm>> -> memref<1600xi32, #tpu.memory_space<hbm>>
        %dma_start3A_59 = tpu.memref_slice %arg3[%arg0, %multiple_of3A_48] : memref<2x819200xi32, #tpu.memory_space<hbm>> -> memref<1x1600xi32, #tpu.memory_space<hbm>>
        %dma_start3A_60 = tpu.memref_squeeze %dma_start3A_59 : memref<1x1600xi32, #tpu.memory_space<hbm>> -> memref<1600xi32, #tpu.memory_space<hbm>>
        tpu.enqueue_dma source(%dma_start3A_60 : memref<1600xi32, #tpu.memory_space<hbm>>) target(%arg9 : memref<1600xi32, #tpu.memory_space<vmem>>) target_semaphore(%run_scoped3A : memref<!tpu.dma_semaphore, #tpu.memory_space<semaphore_mem>>)
        %dma_wait3A_61 = tpu.memref_slice %arg3[%arg0, %multiple_of3A_48] : memref<2x819200xi32, #tpu.memory_space<hbm>> -> memref<1x1600xi32, #tpu.memory_space<hbm>>
        %dma_wait3A_62 = tpu.memref_squeeze %dma_wait3A_61 : memref<1x1600xi32, #tpu.memory_space<hbm>> -> memref<1600xi32, #tpu.memory_space<hbm>>
        %dma_wait3A_63 = tpu.memref_slice %arg3[%arg0, %multiple_of3A_48] : memref<2x819200xi32, #tpu.memory_space<hbm>> -> memref<1x1600xi32, #tpu.memory_space<hbm>>
        %dma_wait3A_64 = tpu.memref_squeeze %dma_wait3A_63 : memref<1x1600xi32, #tpu.memory_space<hbm>> -> memref<1600xi32, #tpu.memory_space<hbm>>
        tpu.wait_dma2 semaphore(%run_scoped3A : memref<!tpu.dma_semaphore, #tpu.memory_space<semaphore_mem>>) src(%dma_wait3A_64 : memref<1600xi32, #tpu.memory_space<hbm>>) dst(%arg9 : memref<1600xi32, #tpu.memory_space<vmem>>)
        tpu.yield
      }) : () -> ()
      "tpu.region"() ({
        %run_scoped3A = tpu.sem_alloc : memref<!tpu.dma_semaphore, #tpu.memory_space<semaphore_mem>>
        %dma_start3A_57 = tpu.memref_slice %arg4[%multiple_of3A_48] : memref<819200xi32, #tpu.memory_space<hbm>> -> memref<1600xi32, #tpu.memory_space<hbm>>
        %dma_start3A_58 = tpu.memref_slice %arg4[%multiple_of3A_48] : memref<819200xi32, #tpu.memory_space<hbm>> -> memref<1600xi32, #tpu.memory_space<hbm>>
        tpu.enqueue_dma source(%dma_start3A_58 : memref<1600xi32, #tpu.memory_space<hbm>>) target(%arg11 : memref<1600xi32, #tpu.memory_space<vmem>>) target_semaphore(%run_scoped3A : memref<!tpu.dma_semaphore, #tpu.memory_space<semaphore_mem>>)
        %dma_wait3A_59 = tpu.memref_slice %arg4[%multiple_of3A_48] : memref<819200xi32, #tpu.memory_space<hbm>> -> memref<1600xi32, #tpu.memory_space<hbm>>
        %dma_wait3A_60 = tpu.memref_slice %arg4[%multiple_of3A_48] : memref<819200xi32, #tpu.memory_space<hbm>> -> memref<1600xi32, #tpu.memory_space<hbm>>
        tpu.wait_dma2 semaphore(%run_scoped3A : memref<!tpu.dma_semaphore, #tpu.memory_space<semaphore_mem>>) src(%dma_wait3A_60 : memref<1600xi32, #tpu.memory_space<hbm>>) dst(%arg11 : memref<1600xi32, #tpu.memory_space<vmem>>)
        tpu.yield
      }) : () -> ()
      %dma_start3A_49 = arith.constant 0 : i32
      %dma_start3A_50 = arith.constant 0 : i32
      %dma_start3A_51 = tpu.memref_slice %arg2[%dma_start3A_49, %dma_start3A_50] : memref<409600x16xf32, #tpu.memory_space<hbm>> -> memref<409600x16xf32, #tpu.memory_space<hbm>>
      tpu.enqueue_indirect_dma source(%dma_start3A_51 : memref<409600x16xf32, #tpu.memory_space<hbm>>) target(%arg7 : memref<1600x16xf32, #tpu.memory_space<vmem>>) offsets(%arg9 : memref<1600xi32, #tpu.memory_space<vmem>>) semaphore(%arg14 : memref<!tpu.dma_semaphore, #tpu.memory_space<semaphore_mem>>)
      %dma_wait3A = arith.constant 0 : i32
      %dma_wait3A_52 = arith.constant 0 : i32
      %dma_wait3A_53 = tpu.memref_slice %arg2[%dma_wait3A, %dma_wait3A_52] : memref<409600x16xf32, #tpu.memory_space<hbm>> -> memref<409600x16xf32, #tpu.memory_space<hbm>>
      tpu.wait_indirect_dma semaphore(%arg13 : memref<!tpu.dma_semaphore, #tpu.memory_space<semaphore_mem>>) src(%dma_wait3A_53 : memref<409600x16xf32, #tpu.memory_space<hbm>>) dst(%arg6 : memref<1600x16xf32, #tpu.memory_space<vmem>>)
      "tpu.region"() ({
        %run_scoped3A = tpu.sem_alloc : memref<!tpu.dma_semaphore, #tpu.memory_space<semaphore_mem>>
        %dma_start3A_57 = arith.constant 0 : i32
        %dma_start3A_58 = arith.constant 0 : i32
        %dma_start3A_59 = tpu.memref_slice %arg12[%dma_start3A_57, %dma_start3A_58] : memref<51200x16xf32, #tpu.memory_space<vmem_shared>> -> memref<51200x16xf32, #tpu.memory_space<vmem_shared>>
        tpu.enqueue_indirect_dma source(%arg6 : memref<1600x16xf32, #tpu.memory_space<vmem>>) target(%dma_start3A_59 : memref<51200x16xf32, #tpu.memory_space<vmem_shared>>) offsets(%arg10 : memref<1600xi32, #tpu.memory_space<vmem>>) semaphore(%run_scoped3A : memref<!tpu.dma_semaphore, #tpu.memory_space<semaphore_mem>>) {add = true}
        %dma_wait3A_60 = arith.constant 0 : i32
        %dma_wait3A_61 = arith.constant 0 : i32
        %dma_wait3A_62 = tpu.memref_slice %arg12[%dma_wait3A_60, %dma_wait3A_61] : memref<51200x16xf32, #tpu.memory_space<vmem_shared>> -> memref<51200x16xf32, #tpu.memory_space<vmem_shared>>
        tpu.wait_indirect_dma semaphore(%run_scoped3A : memref<!tpu.dma_semaphore, #tpu.memory_space<semaphore_mem>>) src(%arg6 : memref<1600x16xf32, #tpu.memory_space<vmem>>) dst(%dma_wait3A_62 : memref<51200x16xf32, #tpu.memory_space<vmem_shared>>)
        tpu.yield
      }) : () -> ()
      %dma_wait3A_54 = arith.constant 0 : i32
      %dma_wait3A_55 = arith.constant 0 : i32
      %dma_wait3A_56 = tpu.memref_slice %arg2[%dma_wait3A_54, %dma_wait3A_55] : memref<409600x16xf32, #tpu.memory_space<hbm>> -> memref<409600x16xf32, #tpu.memory_space<hbm>>
      tpu.wait_indirect_dma semaphore(%arg14 : memref<!tpu.dma_semaphore, #tpu.memory_space<semaphore_mem>>) src(%dma_wait3A_56 : memref<409600x16xf32, #tpu.memory_space<hbm>>) dst(%arg7 : memref<1600x16xf32, #tpu.memory_space<vmem>>)
      "tpu.region"() ({
        %run_scoped3A = tpu.sem_alloc : memref<!tpu.dma_semaphore, #tpu.memory_space<semaphore_mem>>
        %dma_start3A_57 = arith.constant 0 : i32
        %dma_start3A_58 = arith.constant 0 : i32
        %dma_start3A_59 = tpu.memref_slice %arg12[%dma_start3A_57, %dma_start3A_58] : memref<51200x16xf32, #tpu.memory_space<vmem_shared>> -> memref<51200x16xf32, #tpu.memory_space<vmem_shared>>
        tpu.enqueue_indirect_dma source(%arg7 : memref<1600x16xf32, #tpu.memory_space<vmem>>) target(%dma_start3A_59 : memref<51200x16xf32, #tpu.memory_space<vmem_shared>>) offsets(%arg11 : memref<1600xi32, #tpu.memory_space<vmem>>) semaphore(%run_scoped3A : memref<!tpu.dma_semaphore, #tpu.memory_space<semaphore_mem>>) {add = true}
        %dma_wait3A_60 = arith.constant 0 : i32
        %dma_wait3A_61 = arith.constant 0 : i32
        %dma_wait3A_62 = tpu.memref_slice %arg12[%dma_wait3A_60, %dma_wait3A_61] : memref<51200x16xf32, #tpu.memory_space<vmem_shared>> -> memref<51200x16xf32, #tpu.memory_space<vmem_shared>>
        tpu.wait_indirect_dma semaphore(%run_scoped3A : memref<!tpu.dma_semaphore, #tpu.memory_space<semaphore_mem>>) src(%arg7 : memref<1600x16xf32, #tpu.memory_space<vmem>>) dst(%dma_wait3A_62 : memref<51200x16xf32, #tpu.memory_space<vmem_shared>>)
        tpu.yield
      }) : () -> ()
    }
    %scan3A_20 = arith.constant 16 : i32
    %barrier3A_21 = arith.constant 0 : index
    tpu.barrier barrier_id(%barrier3A_21)
    %mul3A_22 = arith.constant 3200 : i32
    %mul3A_23 = arith.muli %arg1, %mul3A_22 : i32
    %add3A_24 = arith.constant 0 : i32
    %add3A_25 = arith.addi %mul3A_23, %add3A_24 : i32
    %multiple_of3A_26 = tpu.assume_multiple %add3A_25, 8 : i32
    "tpu.region"() ({
      %run_scoped3A = tpu.sem_alloc : memref<!tpu.dma_semaphore, #tpu.memory_space<semaphore_mem>>
      %dma_start3A = arith.constant 0 : i32
      %dma_start3A_32 = tpu.memref_slice %arg12[%multiple_of3A_26, %dma_start3A] : memref<51200x16xf32, #tpu.memory_space<vmem_shared>> -> memref<1600x16xf32, #tpu.memory_space<vmem_shared>>
      %dma_start3A_33 = arith.constant 0 : i32
      %dma_start3A_34 = tpu.memref_slice %arg12[%multiple_of3A_26, %dma_start3A_33] : memref<51200x16xf32, #tpu.memory_space<vmem_shared>> -> memref<1600x16xf32, #tpu.memory_space<vmem_shared>>
      tpu.enqueue_dma source(%dma_start3A_34 : memref<1600x16xf32, #tpu.memory_space<vmem_shared>>) target(%arg6 : memref<1600x16xf32, #tpu.memory_space<vmem>>) target_semaphore(%run_scoped3A : memref<!tpu.dma_semaphore, #tpu.memory_space<semaphore_mem>>)
      %dma_wait3A = arith.constant 0 : i32
      %dma_wait3A_35 = tpu.memref_slice %arg12[%multiple_of3A_26, %dma_wait3A] : memref<51200x16xf32, #tpu.memory_space<vmem_shared>> -> memref<1600x16xf32, #tpu.memory_space<vmem_shared>>
      %dma_wait3A_36 = arith.constant 0 : i32
      %dma_wait3A_37 = tpu.memref_slice %arg12[%multiple_of3A_26, %dma_wait3A_36] : memref<51200x16xf32, #tpu.memory_space<vmem_shared>> -> memref<1600x16xf32, #tpu.memory_space<vmem_shared>>
      tpu.wait_dma2 semaphore(%run_scoped3A : memref<!tpu.dma_semaphore, #tpu.memory_space<semaphore_mem>>) src(%dma_wait3A_37 : memref<1600x16xf32, #tpu.memory_space<vmem_shared>>) dst(%arg6 : memref<1600x16xf32, #tpu.memory_space<vmem>>)
      tpu.yield
    }) : () -> ()
    "tpu.region"() ({
      %run_scoped3A = tpu.sem_alloc : memref<!tpu.dma_semaphore, #tpu.memory_space<semaphore_mem>>
      %dma_start3A = arith.constant 0 : i32
      %dma_start3A_32 = tpu.memref_slice %arg5[%arg0, %multiple_of3A_26, %dma_start3A] : memref<2x51200x16xf32, #tpu.memory_space<hbm>> -> memref<1x1600x16xf32, #tpu.memory_space<hbm>>
      %dma_start3A_33 = tpu.memref_squeeze %dma_start3A_32 : memref<1x1600x16xf32, #tpu.memory_space<hbm>> -> memref<1600x16xf32, #tpu.memory_space<hbm>>
      %dma_start3A_34 = arith.constant 0 : i32
      %dma_start3A_35 = tpu.memref_slice %arg5[%arg0, %multiple_of3A_26, %dma_start3A_34] : memref<2x51200x16xf32, #tpu.memory_space<hbm>> -> memref<1x1600x16xf32, #tpu.memory_space<hbm>>
      %dma_start3A_36 = tpu.memref_squeeze %dma_start3A_35 : memref<1x1600x16xf32, #tpu.memory_space<hbm>> -> memref<1600x16xf32, #tpu.memory_space<hbm>>
      tpu.enqueue_dma source(%arg6 : memref<1600x16xf32, #tpu.memory_space<vmem>>) target(%dma_start3A_36 : memref<1600x16xf32, #tpu.memory_space<hbm>>) target_semaphore(%run_scoped3A : memref<!tpu.dma_semaphore, #tpu.memory_space<semaphore_mem>>)
      %dma_wait3A = arith.constant 0 : i32
      %dma_wait3A_37 = tpu.memref_slice %arg5[%arg0, %multiple_of3A_26, %dma_wait3A] : memref<2x51200x16xf32, #tpu.memory_space<hbm>> -> memref<1x1600x16xf32, #tpu.memory_space<hbm>>
      %dma_wait3A_38 = tpu.memref_squeeze %dma_wait3A_37 : memref<1x1600x16xf32, #tpu.memory_space<hbm>> -> memref<1600x16xf32, #tpu.memory_space<hbm>>
      %dma_wait3A_39 = arith.constant 0 : i32
      %dma_wait3A_40 = tpu.memref_slice %arg5[%arg0, %multiple_of3A_26, %dma_wait3A_39] : memref<2x51200x16xf32, #tpu.memory_space<hbm>> -> memref<1x1600x16xf32, #tpu.memory_space<hbm>>
      %dma_wait3A_41 = tpu.memref_squeeze %dma_wait3A_40 : memref<1x1600x16xf32, #tpu.memory_space<hbm>> -> memref<1600x16xf32, #tpu.memory_space<hbm>>
      tpu.wait_dma2 semaphore(%run_scoped3A : memref<!tpu.dma_semaphore, #tpu.memory_space<semaphore_mem>>) src(%arg6 : memref<1600x16xf32, #tpu.memory_space<vmem>>) dst(%dma_wait3A_41 : memref<1600x16xf32, #tpu.memory_space<hbm>>)
      tpu.yield
    }) : () -> ()
    %mul3A_27 = arith.constant 3200 : i32
    %mul3A_28 = arith.muli %arg1, %mul3A_27 : i32
    %add3A_29 = arith.constant 1600 : i32
    %add3A_30 = arith.addi %mul3A_28, %add3A_29 : i32
    %multiple_of3A_31 = tpu.assume_multiple %add3A_30, 8 : i32
    "tpu.region"() ({
      %run_scoped3A = tpu.sem_alloc : memref<!tpu.dma_semaphore, #tpu.memory_space<semaphore_mem>>
      %dma_start3A = arith.constant 0 : i32
      %dma_start3A_32 = tpu.memref_slice %arg12[%multiple_of3A_31, %dma_start3A] : memref<51200x16xf32, #tpu.memory_space<vmem_shared>> -> memref<1600x16xf32, #tpu.memory_space<vmem_shared>>
      %dma_start3A_33 = arith.constant 0 : i32
      %dma_start3A_34 = tpu.memref_slice %arg12[%multiple_of3A_31, %dma_start3A_33] : memref<51200x16xf32, #tpu.memory_space<vmem_shared>> -> memref<1600x16xf32, #tpu.memory_space<vmem_shared>>
      tpu.enqueue_dma source(%dma_start3A_34 : memref<1600x16xf32, #tpu.memory_space<vmem_shared>>) target(%arg6 : memref<1600x16xf32, #tpu.memory_space<vmem>>) target_semaphore(%run_scoped3A : memref<!tpu.dma_semaphore, #tpu.memory_space<semaphore_mem>>)
      %dma_wait3A = arith.constant 0 : i32
      %dma_wait3A_35 = tpu.memref_slice %arg12[%multiple_of3A_31, %dma_wait3A] : memref<51200x16xf32, #tpu.memory_space<vmem_shared>> -> memref<1600x16xf32, #tpu.memory_space<vmem_shared>>
      %dma_wait3A_36 = arith.constant 0 : i32
      %dma_wait3A_37 = tpu.memref_slice %arg12[%multiple_of3A_31, %dma_wait3A_36] : memref<51200x16xf32, #tpu.memory_space<vmem_shared>> -> memref<1600x16xf32, #tpu.memory_space<vmem_shared>>
      tpu.wait_dma2 semaphore(%run_scoped3A : memref<!tpu.dma_semaphore, #tpu.memory_space<semaphore_mem>>) src(%dma_wait3A_37 : memref<1600x16xf32, #tpu.memory_space<vmem_shared>>) dst(%arg6 : memref<1600x16xf32, #tpu.memory_space<vmem>>)
      tpu.yield
    }) : () -> ()
    "tpu.region"() ({
      %run_scoped3A = tpu.sem_alloc : memref<!tpu.dma_semaphore, #tpu.memory_space<semaphore_mem>>
      %dma_start3A = arith.constant 0 : i32
      %dma_start3A_32 = tpu.memref_slice %arg5[%arg0, %multiple_of3A_31, %dma_start3A] : memref<2x51200x16xf32, #tpu.memory_space<hbm>> -> memref<1x1600x16xf32, #tpu.memory_space<hbm>>
      %dma_start3A_33 = tpu.memref_squeeze %dma_start3A_32 : memref<1x1600x16xf32, #tpu.memory_space<hbm>> -> memref<1600x16xf32, #tpu.memory_space<hbm>>
      %dma_start3A_34 = arith.constant 0 : i32
      %dma_start3A_35 = tpu.memref_slice %arg5[%arg0, %multiple_of3A_31, %dma_start3A_34] : memref<2x51200x16xf32, #tpu.memory_space<hbm>> -> memref<1x1600x16xf32, #tpu.memory_space<hbm>>
      %dma_start3A_36 = tpu.memref_squeeze %dma_start3A_35 : memref<1x1600x16xf32, #tpu.memory_space<hbm>> -> memref<1600x16xf32, #tpu.memory_space<hbm>>
      tpu.enqueue_dma source(%arg6 : memref<1600x16xf32, #tpu.memory_space<vmem>>) target(%dma_start3A_36 : memref<1600x16xf32, #tpu.memory_space<hbm>>) target_semaphore(%run_scoped3A : memref<!tpu.dma_semaphore, #tpu.memory_space<semaphore_mem>>)
      %dma_wait3A = arith.constant 0 : i32
      %dma_wait3A_37 = tpu.memref_slice %arg5[%arg0, %multiple_of3A_31, %dma_wait3A] : memref<2x51200x16xf32, #tpu.memory_space<hbm>> -> memref<1x1600x16xf32, #tpu.memory_space<hbm>>
      %dma_wait3A_38 = tpu.memref_squeeze %dma_wait3A_37 : memref<1x1600x16xf32, #tpu.memory_space<hbm>> -> memref<1600x16xf32, #tpu.memory_space<hbm>>
      %dma_wait3A_39 = arith.constant 0 : i32
      %dma_wait3A_40 = tpu.memref_slice %arg5[%arg0, %multiple_of3A_31, %dma_wait3A_39] : memref<2x51200x16xf32, #tpu.memory_space<hbm>> -> memref<1x1600x16xf32, #tpu.memory_space<hbm>>
      %dma_wait3A_41 = tpu.memref_squeeze %dma_wait3A_40 : memref<1x1600x16xf32, #tpu.memory_space<hbm>> -> memref<1600x16xf32, #tpu.memory_space<hbm>>
      tpu.wait_dma2 semaphore(%run_scoped3A : memref<!tpu.dma_semaphore, #tpu.memory_space<semaphore_mem>>) src(%arg6 : memref<1600x16xf32, #tpu.memory_space<vmem>>) dst(%dma_wait3A_41 : memref<1600x16xf32, #tpu.memory_space<hbm>>)
      tpu.yield
    }) : () -> ()
    return
  }
}

module attributes {stable_mosaic.version = 14 : i64} {
  func.func @_tc_a_body(%arg0: i32, %arg1: memref<2048x2xf32, #tpu.memory_space<vmem>>, %arg2: memref<2048x2xf32, #tpu.memory_space<vmem>>, %arg3: memref<2x32xf32, #tpu.memory_space<vmem>>, %arg4: memref<1x32xf32, #tpu.memory_space<vmem>>, %arg5: memref<2048x1xf32, #tpu.memory_space<vmem>>, %arg6: memref<2048x32xf32, #tpu.memory_space<vmem>>, %arg7: memref<2048x128xf32, #tpu.memory_space<vmem>>) attributes {dimension_semantics = [#tpu.dimension_semantics<arbitrary>], iteration_bounds = array<i64: 25>, scalar_prefetch = 0 : i64, scratch_operands = 0 : i64, tpu.core_type = #tpu.core_type<tc>, window_params = [{transform_indices = @transform_0, window_bounds = array<i64: 2048, 2>}, {transform_indices = @transform_1, window_bounds = array<i64: 2048, 2>}, {pipeline_mode = #tpu.pipeline_mode<synchronous>, transform_indices = @transform_2, window_bounds = array<i64: 2, 32>}, {pipeline_mode = #tpu.pipeline_mode<synchronous>, transform_indices = @transform_3, window_bounds = array<i64: 1, 32>}, {transform_indices = @transform_4, window_bounds = array<i64: 2048, 1>}, {transform_indices = @transform_5, window_bounds = array<i64: 2048, 32>}, {transform_indices = @transform_6, window_bounds = array<i64: 2048, 128>}]} {
    %get3A = arith.constant 0 : index
    %get3A_0 = arith.constant 0 : index
    %get3A_1 = vector.load %arg1[%get3A, %get3A_0] : memref<2048x2xf32, #tpu.memory_space<vmem>>, vector<2048x2xf32>
    %slice3A = vector.extract_strided_slice %get3A_1 {offsets = [0, 0], sizes = [2048, 1], strides = [1, 1]} : vector<2048x2xf32> to vector<2048x1xf32>
    %slice3A_2 = vector.extract_strided_slice %get3A_1 {offsets = [0, 1], sizes = [2048, 1], strides = [1, 1]} : vector<2048x2xf32> to vector<2048x1xf32>
    %add3A = arith.addf %slice3A, %slice3A_2 : vector<2048x1xf32>
    %add3A_3 = arith.constant 1.000000e+00 : f32
    %add3A_4 = vector.broadcast %add3A_3 : f32 to vector<2048x1xf32>
    %add3A_5 = arith.addf %add3A, %add3A_4 : vector<2048x1xf32>
    %rsqrt3A = math.rsqrt %add3A_5 : vector<2048x1xf32>
    %get3A_6 = arith.constant 0 : index
    %get3A_7 = arith.constant 0 : index
    %get3A_8 = vector.load %arg2[%get3A_6, %get3A_7] : memref<2048x2xf32, #tpu.memory_space<vmem>>, vector<2048x2xf32>
    %get3A_9 = arith.constant 0 : index
    %get3A_10 = arith.constant 0 : index
    %get3A_11 = vector.load %arg3[%get3A_9, %get3A_10] : memref<2x32xf32, #tpu.memory_space<vmem>>, vector<2x32xf32>
    %dot_general3A = arith.constant dense<0.000000e+00> : vector<2048x32xf32>
    %dot_general3A_12 = tpu.matmul %get3A_8, %get3A_11, %dot_general3A {dimension_numbers = #tpu.dot_dimension_numbers<[1], [0], [0], [1], [0, 0, 1, 1], [], []>, transpose_lhs_hint = false} : vector<2048x2xf32>, vector<2x32xf32>, vector<2048x32xf32> -> vector<2048x32xf32>
    %get3A_13 = arith.constant 0 : index
    %get3A_14 = arith.constant 0 : index
    %get3A_15 = vector.load %arg4[%get3A_13, %get3A_14] : memref<1x32xf32, #tpu.memory_space<vmem>>, vector<1x32xf32>
    %add3A_16 = vector.broadcast %get3A_15 : vector<1x32xf32> to vector<2048x32xf32>
    %add3A_17 = arith.addf %dot_general3A_12, %add3A_16 : vector<2048x32xf32>
    %max3A = arith.constant 0.000000e+00 : f32
    %max3A_18 = vector.broadcast %max3A : f32 to vector<2048x32xf32>
    %max3A_19 = arith.maximumf %add3A_17, %max3A_18 : vector<2048x32xf32>
    %mul3A = vector.broadcast %rsqrt3A : vector<2048x1xf32> to vector<2048x32xf32>
    %mul3A_20 = arith.mulf %max3A_19, %mul3A : vector<2048x32xf32>
    %swap3A = arith.constant 0 : index
    %swap3A_21 = arith.constant 0 : index
    %swap3A_22 = vector.load %arg5[%swap3A, %swap3A_21] : memref<2048x1xf32, #tpu.memory_space<vmem>>, vector<2048x1xf32>
    tpu.vector_store %arg5[%swap3A, %swap3A_21], %rsqrt3A {strides = array<i32>} : memref<2048x1xf32, #tpu.memory_space<vmem>>, vector<2048x1xf32>,
    %swap3A_23 = arith.constant 0 : index
    %swap3A_24 = arith.constant 0 : index
    %swap3A_25 = vector.load %arg6[%swap3A_23, %swap3A_24] : memref<2048x32xf32, #tpu.memory_space<vmem>>, vector<2048x32xf32>
    tpu.vector_store %arg6[%swap3A_23, %swap3A_24], %max3A_19 {strides = array<i32>} : memref<2048x32xf32, #tpu.memory_space<vmem>>, vector<2048x32xf32>,
    %broadcast_in_dim3A = arith.constant 0.000000e+00 : f32
    %broadcast_in_dim3A_26 = vector.broadcast %broadcast_in_dim3A : f32 to vector<2048x96xf32>
    %concatenate3A = tpu.concatenate %mul3A_20, %broadcast_in_dim3A_26 in 1 : vector<2048x32xf32>, vector<2048x96xf32> -> vector<2048x128xf32>
    %swap3A_27 = arith.constant 0 : index
    %swap3A_28 = arith.constant 0 : index
    %swap3A_29 = vector.load %arg7[%swap3A_27, %swap3A_28] : memref<2048x128xf32, #tpu.memory_space<vmem>>, vector<2048x128xf32>
    tpu.vector_store %arg7[%swap3A_27, %swap3A_28], %concatenate3A {strides = array<i32>} : memref<2048x128xf32, #tpu.memory_space<vmem>>, vector<2048x128xf32>,
    return
  }
  func.func @transform_0(%arg0: i32) -> (i32, i32) {
    %c0_i32 = arith.constant 0 : i32
    %c0_i32_0 = arith.constant 0 : i32
    return %arg0, %c0_i32 : i32, i32
  }
  func.func @transform_1(%arg0: i32) -> (i32, i32) {
    %c0_i32 = arith.constant 0 : i32
    %c0_i32_0 = arith.constant 0 : i32
    return %arg0, %c0_i32 : i32, i32
  }
  func.func @transform_2(%arg0: i32) -> (i32, i32) {
    %c0_i32 = arith.constant 0 : i32
    %c0_i32_0 = arith.constant 0 : i32
    %c0_i32_1 = arith.constant 0 : i32
    return %c0_i32, %c0_i32_0 : i32, i32
  }
  func.func @transform_3(%arg0: i32) -> (i32, i32) {
    %c0_i32 = arith.constant 0 : i32
    %c0_i32_0 = arith.constant 0 : i32
    %c0_i32_1 = arith.constant 0 : i32
    return %c0_i32, %c0_i32_0 : i32, i32
  }
  func.func @transform_4(%arg0: i32) -> (i32, i32) {
    %c0_i32 = arith.constant 0 : i32
    %c0_i32_0 = arith.constant 0 : i32
    return %arg0, %c0_i32 : i32, i32
  }
  func.func @transform_5(%arg0: i32) -> (i32, i32) {
    %c0_i32 = arith.constant 0 : i32
    %c0_i32_0 = arith.constant 0 : i32
    return %arg0, %c0_i32 : i32, i32
  }
  func.func @transform_6(%arg0: i32) -> (i32, i32) {
    %c0_i32 = arith.constant 0 : i32
    %c0_i32_0 = arith.constant 0 : i32
    return %arg0, %c0_i32 : i32, i32
  }
}

module attributes {stable_mosaic.version = 14 : i64} {
  func.func @_tc_b_body(%arg0: i32, %arg1: memref<2x2048x16xf32, #tpu.memory_space<vmem>>, %arg2: memref<2048x32xf32, #tpu.memory_space<vmem>>, %arg3: memref<2048x1xf32, #tpu.memory_space<vmem>>, %arg4: memref<32x64xf32, #tpu.memory_space<vmem>>, %arg5: memref<1x64xf32, #tpu.memory_space<vmem>>, %arg6: memref<2048x64xf32, #tpu.memory_space<vmem>>, %arg7: memref<2048x128xf32, #tpu.memory_space<vmem>>) attributes {dimension_semantics = [#tpu.dimension_semantics<arbitrary>], iteration_bounds = array<i64: 25>, scalar_prefetch = 0 : i64, scratch_operands = 0 : i64, tpu.core_type = #tpu.core_type<tc>, window_params = [{transform_indices = @transform_0, window_bounds = array<i64: 2, 2048, 16>}, {transform_indices = @transform_1, window_bounds = array<i64: 2048, 32>}, {transform_indices = @transform_2, window_bounds = array<i64: 2048, 1>}, {pipeline_mode = #tpu.pipeline_mode<synchronous>, transform_indices = @transform_3, window_bounds = array<i64: 32, 64>}, {pipeline_mode = #tpu.pipeline_mode<synchronous>, transform_indices = @transform_4, window_bounds = array<i64: 1, 64>}, {transform_indices = @transform_5, window_bounds = array<i64: 2048, 64>}, {transform_indices = @transform_6, window_bounds = array<i64: 2048, 128>}]} {
    %get3A = arith.constant 0 : index
    %get3A_0 = arith.constant 0 : index
    %get3A_1 = arith.constant 0 : index
    %get3A_2 = vector.load %arg1[%get3A, %get3A_0, %get3A_1] : memref<2x2048x16xf32, #tpu.memory_space<vmem>>, vector<1x2048x16xf32>
    %get3A_3 = vector.shape_cast %get3A_2 : vector<1x2048x16xf32> to vector<2048x16xf32>
    %get3A_4 = arith.constant 1 : index
    %get3A_5 = arith.constant 0 : index
    %get3A_6 = arith.constant 0 : index
    %get3A_7 = vector.load %arg1[%get3A_4, %get3A_5, %get3A_6] : memref<2x2048x16xf32, #tpu.memory_space<vmem>>, vector<1x2048x16xf32>
    %get3A_8 = vector.shape_cast %get3A_7 : vector<1x2048x16xf32> to vector<2048x16xf32>
    %concatenate3A = tpu.concatenate %get3A_3, %get3A_8 in 1 : vector<2048x16xf32>, vector<2048x16xf32> -> vector<2048x32xf32>
    %get3A_9 = arith.constant 0 : index
    %get3A_10 = arith.constant 0 : index
    %get3A_11 = vector.load %arg3[%get3A_9, %get3A_10] : memref<2048x1xf32, #tpu.memory_space<vmem>>, vector<2048x1xf32>
    %mul3A = vector.broadcast %get3A_11 : vector<2048x1xf32> to vector<2048x32xf32>
    %mul3A_12 = arith.mulf %mul3A, %concatenate3A : vector<2048x32xf32>
    %mul3A_13 = arith.mulf %get3A_11, %get3A_11 : vector<2048x1xf32>
    %get3A_14 = arith.constant 0 : index
    %get3A_15 = arith.constant 0 : index
    %get3A_16 = vector.load %arg2[%get3A_14, %get3A_15] : memref<2048x32xf32, #tpu.memory_space<vmem>>, vector<2048x32xf32>
    %mul3A_17 = vector.broadcast %mul3A_13 : vector<2048x1xf32> to vector<2048x32xf32>
    %mul3A_18 = arith.mulf %mul3A_17, %get3A_16 : vector<2048x32xf32>
    %add3A = arith.addf %mul3A_12, %mul3A_18 : vector<2048x32xf32>
    %get3A_19 = arith.constant 0 : index
    %get3A_20 = arith.constant 0 : index
    %get3A_21 = vector.load %arg4[%get3A_19, %get3A_20] : memref<32x64xf32, #tpu.memory_space<vmem>>, vector<32x64xf32>
    %dot_general3A = arith.constant dense<0.000000e+00> : vector<2048x64xf32>
    %dot_general3A_22 = tpu.matmul %add3A, %get3A_21, %dot_general3A {dimension_numbers = #tpu.dot_dimension_numbers<[1], [0], [0], [1], [0, 0, 1, 1], [], []>, transpose_lhs_hint = false} : vector<2048x32xf32>, vector<32x64xf32>, vector<2048x64xf32> -> vector<2048x64xf32>
    %get3A_23 = arith.constant 0 : index
    %get3A_24 = arith.constant 0 : index
    %get3A_25 = vector.load %arg5[%get3A_23, %get3A_24] : memref<1x64xf32, #tpu.memory_space<vmem>>, vector<1x64xf32>
    %add3A_26 = vector.broadcast %get3A_25 : vector<1x64xf32> to vector<2048x64xf32>
    %add3A_27 = arith.addf %dot_general3A_22, %add3A_26 : vector<2048x64xf32>
    %max3A = arith.constant 0.000000e+00 : f32
    %max3A_28 = vector.broadcast %max3A : f32 to vector<2048x64xf32>
    %max3A_29 = arith.maximumf %add3A_27, %max3A_28 : vector<2048x64xf32>
    %swap3A = arith.constant 0 : index
    %swap3A_30 = arith.constant 0 : index
    %swap3A_31 = vector.load %arg6[%swap3A, %swap3A_30] : memref<2048x64xf32, #tpu.memory_space<vmem>>, vector<2048x64xf32>
    tpu.vector_store %arg6[%swap3A, %swap3A_30], %max3A_29 {strides = array<i32>} : memref<2048x64xf32, #tpu.memory_space<vmem>>, vector<2048x64xf32>,
    %mul3A_32 = vector.broadcast %get3A_11 : vector<2048x1xf32> to vector<2048x64xf32>
    %mul3A_33 = arith.mulf %max3A_29, %mul3A_32 : vector<2048x64xf32>
    %broadcast_in_dim3A = arith.constant 0.000000e+00 : f32
    %broadcast_in_dim3A_34 = vector.broadcast %broadcast_in_dim3A : f32 to vector<2048x64xf32>
    %concatenate3A_35 = tpu.concatenate %mul3A_33, %broadcast_in_dim3A_34 in 1 : vector<2048x64xf32>, vector<2048x64xf32> -> vector<2048x128xf32>
    %swap3A_36 = arith.constant 0 : index
    %swap3A_37 = arith.constant 0 : index
    %swap3A_38 = vector.load %arg7[%swap3A_36, %swap3A_37] : memref<2048x128xf32, #tpu.memory_space<vmem>>, vector<2048x128xf32>
    tpu.vector_store %arg7[%swap3A_36, %swap3A_37], %concatenate3A_35 {strides = array<i32>} : memref<2048x128xf32, #tpu.memory_space<vmem>>, vector<2048x128xf32>,
    return
  }
  func.func @transform_0(%arg0: i32) -> (i32, i32, i32) {
    %c0_i32 = arith.constant 0 : i32
    %c0_i32_0 = arith.constant 0 : i32
    %c0_i32_1 = arith.constant 0 : i32
    return %c0_i32, %arg0, %c0_i32_0 : i32, i32, i32
  }
  func.func @transform_1(%arg0: i32) -> (i32, i32) {
    %c0_i32 = arith.constant 0 : i32
    %c0_i32_0 = arith.constant 0 : i32
    return %arg0, %c0_i32 : i32, i32
  }
  func.func @transform_2(%arg0: i32) -> (i32, i32) {
    %c0_i32 = arith.constant 0 : i32
    %c0_i32_0 = arith.constant 0 : i32
    return %arg0, %c0_i32 : i32, i32
  }
  func.func @transform_3(%arg0: i32) -> (i32, i32) {
    %c0_i32 = arith.constant 0 : i32
    %c0_i32_0 = arith.constant 0 : i32
    %c0_i32_1 = arith.constant 0 : i32
    return %c0_i32, %c0_i32_0 : i32, i32
  }
  func.func @transform_4(%arg0: i32) -> (i32, i32) {
    %c0_i32 = arith.constant 0 : i32
    %c0_i32_0 = arith.constant 0 : i32
    %c0_i32_1 = arith.constant 0 : i32
    return %c0_i32, %c0_i32_0 : i32, i32
  }
  func.func @transform_5(%arg0: i32) -> (i32, i32) {
    %c0_i32 = arith.constant 0 : i32
    %c0_i32_0 = arith.constant 0 : i32
    return %arg0, %c0_i32 : i32, i32
  }
  func.func @transform_6(%arg0: i32) -> (i32, i32) {
    %c0_i32 = arith.constant 0 : i32
    %c0_i32_0 = arith.constant 0 : i32
    return %arg0, %c0_i32 : i32, i32
  }
}

module attributes {stable_mosaic.version = 14 : i64} {
  func.func @_tc_c_body(%arg0: i32, %arg1: memref<2x2048x16xf32, #tpu.memory_space<vmem>>, %arg2: memref<2x2048x16xf32, #tpu.memory_space<vmem>>, %arg3: memref<2048x64xf32, #tpu.memory_space<vmem>>, %arg4: memref<2048x1xf32, #tpu.memory_space<vmem>>, %arg5: memref<2048x1xi32, #tpu.memory_space<vmem>>, %arg6: memref<64x64xf32, #tpu.memory_space<vmem>>, %arg7: memref<1x64xf32, #tpu.memory_space<vmem>>, %arg8: memref<64x32xf32, #tpu.memory_space<vmem>>, %arg9: memref<1x32xf32, #tpu.memory_space<vmem>>, %arg10: memref<32x1xf32, #tpu.memory_space<vmem>>, %arg11: memref<1x1xf32, #tpu.memory_space<vmem>>, %arg12: memref<64x1xf32, #tpu.memory_space<vmem>>, %arg13: memref<64x64xf32, #tpu.memory_space<vmem>>, %arg14: memref<64x1xf32, #tpu.memory_space<vmem>>) attributes {dimension_semantics = [#tpu.dimension_semantics<arbitrary>], iteration_bounds = array<i64: 25>, scalar_prefetch = 0 : i64, scratch_operands = 2 : i64, tpu.core_type = #tpu.core_type<tc>, window_params = [{transform_indices = @transform_0, window_bounds = array<i64: 2, 2048, 16>}, {transform_indices = @transform_1, window_bounds = array<i64: 2, 2048, 16>}, {transform_indices = @transform_2, window_bounds = array<i64: 2048, 64>}, {transform_indices = @transform_3, window_bounds = array<i64: 2048, 1>}, {transform_indices = @transform_4, window_bounds = array<i64: 2048, 1>}, {pipeline_mode = #tpu.pipeline_mode<synchronous>, transform_indices = @transform_5, window_bounds = array<i64: 64, 64>}, {pipeline_mode = #tpu.pipeline_mode<synchronous>, transform_indices = @transform_6, window_bounds = array<i64: 1, 64>}, {pipeline_mode = #tpu.pipeline_mode<synchronous>, transform_indices = @transform_7, window_bounds = array<i64: 64, 32>}, {pipeline_mode = #tpu.pipeline_mode<synchronous>, transform_indices = @transform_8, window_bounds = array<i64: 1, 32>}, {pipeline_mode = #tpu.pipeline_mode<synchronous>, transform_indices = @transform_9, window_bounds = array<i64: 32, 1>}, {pipeline_mode = #tpu.pipeline_mode<synchronous>, transform_indices = @transform_10, window_bounds = array<i64: 1, 1>}, {pipeline_mode = #tpu.pipeline_mode<synchronous>, transform_indices = @transform_11, window_bounds = array<i64: 64, 1>}]} {
    %eq3A = arith.constant 0 : i32
    %eq3A_0 = arith.cmpi eq, %arg0, %eq3A : i32
    %convert_element_type3A = arith.extui %eq3A_0 : i1 to i32
    %cond3A = arith.constant 0 : i32
    %cond3A_1 = arith.cmpi ne, %convert_element_type3A, %cond3A : i32
    scf.if %cond3A_1 {
      %broadcast_in_dim3A_73 = arith.constant 0.000000e+00 : f32
      %broadcast_in_dim3A_74 = vector.broadcast %broadcast_in_dim3A_73 : f32 to vector<64x64xf32>
      %swap3A_75 = arith.constant 0 : index
      %swap3A_76 = arith.constant 0 : index
      %swap3A_77 = vector.load %arg13[%swap3A_75, %swap3A_76] : memref<64x64xf32, #tpu.memory_space<vmem>>, vector<64x64xf32>
      tpu.vector_store %arg13[%swap3A_75, %swap3A_76], %broadcast_in_dim3A_74 {strides = array<i32>} : memref<64x64xf32, #tpu.memory_space<vmem>>, vector<64x64xf32>,
      %broadcast_in_dim3A_78 = arith.constant 0.000000e+00 : f32
      %broadcast_in_dim3A_79 = vector.broadcast %broadcast_in_dim3A_78 : f32 to vector<64x1xf32>
      %swap3A_80 = arith.constant 0 : index
      %swap3A_81 = arith.constant 0 : index
      %swap3A_82 = vector.load %arg14[%swap3A_80, %swap3A_81] : memref<64x1xf32, #tpu.memory_space<vmem>>, vector<64x1xf32>
      tpu.vector_store %arg14[%swap3A_80, %swap3A_81], %broadcast_in_dim3A_79 {strides = array<i32>} : memref<64x1xf32, #tpu.memory_space<vmem>>, vector<64x1xf32>,
    } else {
    }
    %get3A = arith.constant 0 : index
    %get3A_2 = arith.constant 0 : index
    %get3A_3 = arith.constant 0 : index
    %get3A_4 = vector.load %arg1[%get3A, %get3A_2, %get3A_3] : memref<2x2048x16xf32, #tpu.memory_space<vmem>>, vector<1x2048x16xf32>
    %get3A_5 = vector.shape_cast %get3A_4 : vector<1x2048x16xf32> to vector<2048x16xf32>
    %get3A_6 = arith.constant 1 : index
    %get3A_7 = arith.constant 0 : index
    %get3A_8 = arith.constant 0 : index
    %get3A_9 = vector.load %arg1[%get3A_6, %get3A_7, %get3A_8] : memref<2x2048x16xf32, #tpu.memory_space<vmem>>, vector<1x2048x16xf32>
    %get3A_10 = vector.shape_cast %get3A_9 : vector<1x2048x16xf32> to vector<2048x16xf32>
    %get3A_11 = arith.constant 0 : index
    %get3A_12 = arith.constant 0 : index
    %get3A_13 = arith.constant 0 : index
    %get3A_14 = vector.load %arg2[%get3A_11, %get3A_12, %get3A_13] : memref<2x2048x16xf32, #tpu.memory_space<vmem>>, vector<1x2048x16xf32>
    %get3A_15 = vector.shape_cast %get3A_14 : vector<1x2048x16xf32> to vector<2048x16xf32>
    %get3A_16 = arith.constant 1 : index
    %get3A_17 = arith.constant 0 : index
    %get3A_18 = arith.constant 0 : index
    %get3A_19 = vector.load %arg2[%get3A_16, %get3A_17, %get3A_18] : memref<2x2048x16xf32, #tpu.memory_space<vmem>>, vector<1x2048x16xf32>
    %get3A_20 = vector.shape_cast %get3A_19 : vector<1x2048x16xf32> to vector<2048x16xf32>
    %concatenate3A = tpu.concatenate %get3A_5, %get3A_10, %get3A_15, %get3A_20 in 1 : vector<2048x16xf32>, vector<2048x16xf32>, vector<2048x16xf32>, vector<2048x16xf32> -> vector<2048x64xf32>
    %get3A_21 = arith.constant 0 : index
    %get3A_22 = arith.constant 0 : index
    %get3A_23 = vector.load %arg4[%get3A_21, %get3A_22] : memref<2048x1xf32, #tpu.memory_space<vmem>>, vector<2048x1xf32>
    %mul3A = vector.broadcast %get3A_23 : vector<2048x1xf32> to vector<2048x64xf32>
    %mul3A_24 = arith.mulf %mul3A, %concatenate3A : vector<2048x64xf32>
    %mul3A_25 = arith.mulf %get3A_23, %get3A_23 : vector<2048x1xf32>
    %get3A_26 = arith.constant 0 : index
    %get3A_27 = arith.constant 0 : index
    %get3A_28 = vector.load %arg3[%get3A_26, %get3A_27] : memref<2048x64xf32, #tpu.memory_space<vmem>>, vector<2048x64xf32>
    %mul3A_29 = vector.broadcast %mul3A_25 : vector<2048x1xf32> to vector<2048x64xf32>
    %mul3A_30 = arith.mulf %mul3A_29, %get3A_28 : vector<2048x64xf32>
    %add3A = arith.addf %mul3A_24, %mul3A_30 : vector<2048x64xf32>
    %get3A_31 = arith.constant 0 : index
    %get3A_32 = arith.constant 0 : index
    %get3A_33 = vector.load %arg6[%get3A_31, %get3A_32] : memref<64x64xf32, #tpu.memory_space<vmem>>, vector<64x64xf32>
    %dot_general3A = arith.constant dense<0.000000e+00> : vector<2048x64xf32>
    %dot_general3A_34 = tpu.matmul %add3A, %get3A_33, %dot_general3A {dimension_numbers = #tpu.dot_dimension_numbers<[1], [0], [0], [1], [0, 0, 1, 1], [], []>, transpose_lhs_hint = false} : vector<2048x64xf32>, vector<64x64xf32>, vector<2048x64xf32> -> vector<2048x64xf32>
    %get3A_35 = arith.constant 0 : index
    %get3A_36 = arith.constant 0 : index
    %get3A_37 = vector.load %arg7[%get3A_35, %get3A_36] : memref<1x64xf32, #tpu.memory_space<vmem>>, vector<1x64xf32>
    %add3A_38 = vector.broadcast %get3A_37 : vector<1x64xf32> to vector<2048x64xf32>
    %add3A_39 = arith.addf %dot_general3A_34, %add3A_38 : vector<2048x64xf32>
    %max3A = arith.constant 0.000000e+00 : f32
    %max3A_40 = vector.broadcast %max3A : f32 to vector<2048x64xf32>
    %max3A_41 = arith.maximumf %add3A_39, %max3A_40 : vector<2048x64xf32>
    %get3A_42 = arith.constant 0 : index
    %get3A_43 = arith.constant 0 : index
    %get3A_44 = vector.load %arg5[%get3A_42, %get3A_43] : memref<2048x1xi32, #tpu.memory_space<vmem>>, vector<2048x1xi32>
    %iota3A = tpu.iota {dimensions = array<i32: 1>} : vector<1x64xi32>
    %eq3A_45 = vector.broadcast %get3A_44 : vector<2048x1xi32> to vector<2048x64xi32>
    %eq3A_46 = vector.broadcast %iota3A : vector<1x64xi32> to vector<2048x64xi32>
    %eq3A_47 = arith.cmpi eq, %eq3A_45, %eq3A_46 : vector<2048x64xi32>
    %convert_element_type3A_48 = arith.extui %eq3A_47 : vector<2048x64xi1> to vector<2048x64xi32>
    %convert_element_type3A_49 = arith.sitofp %convert_element_type3A_48 : vector<2048x64xi32> to vector<2048x64xf32>
    %get3A_50 = arith.constant 0 : index
    %get3A_51 = arith.constant 0 : index
    %get3A_52 = vector.load %arg13[%get3A_50, %get3A_51] : memref<64x64xf32, #tpu.memory_space<vmem>>, vector<64x64xf32>
    %dot_general3A_53 = arith.constant dense<0.000000e+00> : vector<64x64xf32>
    %dot_general3A_54 = tpu.matmul %convert_element_type3A_49, %max3A_41, %dot_general3A_53 {dimension_numbers = #tpu.dot_dimension_numbers<[0], [0], [1], [1], [0, 1, 1, 1], [], []>, transpose_lhs_hint = false} : vector<2048x64xf32>, vector<2048x64xf32>, vector<64x64xf32> -> vector<64x64xf32>
    %add3A_55 = arith.addf %get3A_52, %dot_general3A_54 : vector<64x64xf32>
    %swap3A = arith.constant 0 : index
    %swap3A_56 = arith.constant 0 : index
    %swap3A_57 = vector.load %arg13[%swap3A, %swap3A_56] : memref<64x64xf32, #tpu.memory_space<vmem>>, vector<64x64xf32>
    tpu.vector_store %arg13[%swap3A, %swap3A_56], %add3A_55 {strides = array<i32>} : memref<64x64xf32, #tpu.memory_space<vmem>>, vector<64x64xf32>,
    %broadcast_in_dim3A = arith.constant 1.000000e+00 : f32
    %broadcast_in_dim3A_58 = vector.broadcast %broadcast_in_dim3A : f32 to vector<2048x1xf32>
    %get3A_59 = arith.constant 0 : index
    %get3A_60 = arith.constant 0 : index
    %get3A_61 = vector.load %arg14[%get3A_59, %get3A_60] : memref<64x1xf32, #tpu.memory_space<vmem>>, vector<64x1xf32>
    %dot_general3A_62 = arith.constant dense<0.000000e+00> : vector<64x1xf32>
    %dot_general3A_63 = tpu.matmul %convert_element_type3A_49, %broadcast_in_dim3A_58, %dot_general3A_62 {dimension_numbers = #tpu.dot_dimension_numbers<[0], [0], [1], [1], [0, 1, 1, 1], [], []>, transpose_lhs_hint = false} : vector<2048x64xf32>, vector<2048x1xf32>, vector<64x1xf32> -> vector<64x1xf32>
    %add3A_64 = arith.addf %get3A_61, %dot_general3A_63 : vector<64x1xf32>
    %swap3A_65 = arith.constant 0 : index
    %swap3A_66 = arith.constant 0 : index
    %swap3A_67 = vector.load %arg14[%swap3A_65, %swap3A_66] : memref<64x1xf32, #tpu.memory_space<vmem>>, vector<64x1xf32>
    tpu.vector_store %arg14[%swap3A_65, %swap3A_66], %add3A_64 {strides = array<i32>} : memref<64x1xf32, #tpu.memory_space<vmem>>, vector<64x1xf32>,
    %eq3A_68 = arith.constant 24 : i32
    %eq3A_69 = arith.cmpi eq, %arg0, %eq3A_68 : i32
    %convert_element_type3A_70 = arith.extui %eq3A_69 : i1 to i32
    %cond3A_71 = arith.constant 0 : i32
    %cond3A_72 = arith.cmpi ne, %convert_element_type3A_70, %cond3A_71 : i32
    scf.if %cond3A_72 {
      %get3A_73 = arith.constant 0 : index
      %get3A_74 = arith.constant 0 : index
      %get3A_75 = vector.load %arg13[%get3A_73, %get3A_74] : memref<64x64xf32, #tpu.memory_space<vmem>>, vector<64x64xf32>
      %get3A_76 = arith.constant 0 : index
      %get3A_77 = arith.constant 0 : index
      %get3A_78 = vector.load %arg14[%get3A_76, %get3A_77] : memref<64x1xf32, #tpu.memory_space<vmem>>, vector<64x1xf32>
      %max3A_79 = arith.constant 1.000000e+00 : f32
      %max3A_80 = vector.broadcast %max3A_79 : f32 to vector<64x1xf32>
      %max3A_81 = arith.maximumf %get3A_78, %max3A_80 : vector<64x1xf32>
      %div3A = vector.broadcast %max3A_81 : vector<64x1xf32> to vector<64x64xf32>
      %div3A_82 = arith.divf %get3A_75, %div3A : vector<64x64xf32>
      %get3A_83 = arith.constant 0 : index
      %get3A_84 = arith.constant 0 : index
      %get3A_85 = vector.load %arg8[%get3A_83, %get3A_84] : memref<64x32xf32, #tpu.memory_space<vmem>>, vector<64x32xf32>
      %dot_general3A_86 = arith.constant dense<0.000000e+00> : vector<64x32xf32>
      %dot_general3A_87 = tpu.matmul %div3A_82, %get3A_85, %dot_general3A_86 {dimension_numbers = #tpu.dot_dimension_numbers<[1], [0], [0], [1], [0, 0, 1, 1], [], []>, transpose_lhs_hint = false} : vector<64x64xf32>, vector<64x32xf32>, vector<64x32xf32> -> vector<64x32xf32>
      %get3A_88 = arith.constant 0 : index
      %get3A_89 = arith.constant 0 : index
      %get3A_90 = vector.load %arg9[%get3A_88, %get3A_89] : memref<1x32xf32, #tpu.memory_space<vmem>>, vector<1x32xf32>
      %add3A_91 = vector.broadcast %get3A_90 : vector<1x32xf32> to vector<64x32xf32>
      %add3A_92 = arith.addf %dot_general3A_87, %add3A_91 : vector<64x32xf32>
      %max3A_93 = arith.constant 0.000000e+00 : f32
      %max3A_94 = vector.broadcast %max3A_93 : f32 to vector<64x32xf32>
      %max3A_95 = arith.maximumf %add3A_92, %max3A_94 : vector<64x32xf32>
      %get3A_96 = arith.constant 0 : index
      %get3A_97 = arith.constant 0 : index
      %get3A_98 = vector.load %arg10[%get3A_96, %get3A_97] : memref<32x1xf32, #tpu.memory_space<vmem>>, vector<32x1xf32>
      %dot_general3A_99 = arith.constant dense<0.000000e+00> : vector<64x1xf32>
      %dot_general3A_100 = tpu.matmul %max3A_95, %get3A_98, %dot_general3A_99 {dimension_numbers = #tpu.dot_dimension_numbers<[1], [0], [0], [1], [0, 0, 1, 1], [], []>, transpose_lhs_hint = false} : vector<64x32xf32>, vector<32x1xf32>, vector<64x1xf32> -> vector<64x1xf32>
      %get3A_101 = arith.constant 0 : index
      %get3A_102 = arith.constant 0 : index
      %get3A_103 = vector.load %arg11[%get3A_101, %get3A_102] : memref<1x1xf32, #tpu.memory_space<vmem>>, vector<1x1xf32>
      %add3A_104 = vector.broadcast %get3A_103 : vector<1x1xf32> to vector<64x1xf32>
      %add3A_105 = arith.addf %dot_general3A_100, %add3A_104 : vector<64x1xf32>
      %swap3A_106 = arith.constant 0 : index
      %swap3A_107 = arith.constant 0 : index
      %swap3A_108 = vector.load %arg12[%swap3A_106, %swap3A_107] : memref<64x1xf32, #tpu.memory_space<vmem>>, vector<64x1xf32>
      tpu.vector_store %arg12[%swap3A_106, %swap3A_107], %add3A_105 {strides = array<i32>} : memref<64x1xf32, #tpu.memory_space<vmem>>, vector<64x1xf32>,
    } else {
    }
    return
  }
  func.func @transform_0(%arg0: i32) -> (i32, i32, i32) {
    %c0_i32 = arith.constant 0 : i32
    %c0_i32_0 = arith.constant 0 : i32
    %c0_i32_1 = arith.constant 0 : i32
    return %c0_i32, %arg0, %c0_i32_0 : i32, i32, i32
  }
  func.func @transform_1(%arg0: i32) -> (i32, i32, i32) {
    %c0_i32 = arith.constant 0 : i32
    %c0_i32_0 = arith.constant 0 : i32
    %c0_i32_1 = arith.constant 0 : i32
    return %c0_i32, %arg0, %c0_i32_0 : i32, i32, i32
  }
  func.func @transform_2(%arg0: i32) -> (i32, i32) {
    %c0_i32 = arith.constant 0 : i32
    %c0_i32_0 = arith.constant 0 : i32
    return %arg0, %c0_i32 : i32, i32
  }
  func.func @transform_3(%arg0: i32) -> (i32, i32) {
    %c0_i32 = arith.constant 0 : i32
    %c0_i32_0 = arith.constant 0 : i32
    return %arg0, %c0_i32 : i32, i32
  }
  func.func @transform_4(%arg0: i32) -> (i32, i32) {
    %c0_i32 = arith.constant 0 : i32
    %c0_i32_0 = arith.constant 0 : i32
    return %arg0, %c0_i32 : i32, i32
  }
  func.func @transform_5(%arg0: i32) -> (i32, i32) {
    %c0_i32 = arith.constant 0 : i32
    %c0_i32_0 = arith.constant 0 : i32
    %c0_i32_1 = arith.constant 0 : i32
    return %c0_i32, %c0_i32_0 : i32, i32
  }
  func.func @transform_6(%arg0: i32) -> (i32, i32) {
    %c0_i32 = arith.constant 0 : i32
    %c0_i32_0 = arith.constant 0 : i32
    %c0_i32_1 = arith.constant 0 : i32
    return %c0_i32, %c0_i32_0 : i32, i32
  }
  func.func @transform_7(%arg0: i32) -> (i32, i32) {
    %c0_i32 = arith.constant 0 : i32
    %c0_i32_0 = arith.constant 0 : i32
    %c0_i32_1 = arith.constant 0 : i32
    return %c0_i32, %c0_i32_0 : i32, i32
  }
  func.func @transform_8(%arg0: i32) -> (i32, i32) {
    %c0_i32 = arith.constant 0 : i32
    %c0_i32_0 = arith.constant 0 : i32
    %c0_i32_1 = arith.constant 0 : i32
    return %c0_i32, %c0_i32_0 : i32, i32
  }
  func.func @transform_9(%arg0: i32) -> (i32, i32) {
    %c0_i32 = arith.constant 0 : i32
    %c0_i32_0 = arith.constant 0 : i32
    %c0_i32_1 = arith.constant 0 : i32
    return %c0_i32, %c0_i32_0 : i32, i32
  }
  func.func @transform_10(%arg0: i32) -> (i32, i32) {
    %c0_i32 = arith.constant 0 : i32
    %c0_i32_0 = arith.constant 0 : i32
    %c0_i32_1 = arith.constant 0 : i32
    return %c0_i32, %c0_i32_0 : i32, i32
  }
  func.func @transform_11(%arg0: i32) -> (i32, i32) {
    %c0_i32 = arith.constant 0 : i32
    %c0_i32_0 = arith.constant 0 : i32
    %c0_i32_1 = arith.constant 0 : i32
    return %c0_i32, %c0_i32_0 : i32, i32
  }
}

</mosaic_0001>

<sc_bundles>
// kernel: kernel.12.cloned.1.call-start
scs
__scs_entry_jumppad:
0x0: {  	(pc) =	sbr.rel $0x88, $3  }
0x1: {  	(tag) =	ssettag $0x0;
	lr =	simm.s32 $0x1  }
0x2: {  	[smem:$0x3F94] =	sst lr;
	_ =	strace $0xD0000000  }
0x3: {  	_ = 	snop  }
0x4: {  	_ = 	snop  }
0x5: {  	_ = 	snop  }
0x6: {  	_ = 	snop  }
0x7: {  	_ = 	snop  }
__scs_overlays_trampoline_lowered:
0x8: {  	[smem:$0x3FA3] =	sst s0  }
0x9: {  	[smem:$0x3FA4] =	sst s1  }
0xa: {  	[smem:$0x3FA5] =	sst s2  }
0xb: {  	[smem:$0x3FA6] =	sst s3  }
0xc: {  	[smem:$0x3FA7] =	sst s4  }
0xd: {  	[smem:$0x3FA8] =	sst s5  }
0xe: {  	[smem:$0x3FA9] =	sst s6  }
0xf: {  	[smem:$0x3FAA] =	sst s7  }
0x10: {  	[smem:$0x3FAB] =	sst s8  }
0x11: {  	[smem:$0x3FAC] =	sst s9;
	s0 =	simm.s32 @!p0 $0x0  }
0x12: {  	s1 =	sld [smem:$0x3F92];
	s0 =	simm.s32 @p0 $0x1  }
0x13: {  	[smem:$0x3FAD] =	sst s0;
	s0 =	simm.s32 @!p1 $0x0  }
0x14: {  	s2 =	sld [smem:$0x3F91];
	s0 =	simm.s32 @p1 $0x1  }
0x15: {  	[smem:$0x3FAE] =	sst s0;
	s0 =	simm.s32 @!p2 $0x0  }
0x16: {  	s3 =	sld [smem:$0x3FDB];
	s0 =	simm.s32 @p2 $0x1  }
0x17: {  	s4 =	simm.s32 $0x1BF5;
	[smem:$0x3FB0] =	sst s0  }
0x18: {  	s0 =	sld [smem:$0x3F93];
	_ =	swait.ge [sflag:s4], $0x0  }
0x19: {  	s7 =	sld [smem:$0x3F94]  }
0x1a: {  	s8 =	sadd.s32 $0xFFFFE003, lr  }
0x1b: {  	s9 =	sadd.s32 $0xFFFFFEF7, lr;
	s5 =	simm.s32 $0xFFFFFFFF;
	p2 =	slt.u32 s8, $0xFFFFF086  }
0x1c: {  	p1 =	slt.u32 s9, $0xF7A;
	s5 =	simm.s32 @!p2 $0x0  }
0x1d: {  	s5 =	simm.s32 @p1 $0x1;
	p0 =	seq.s32 s7, s2  }
0x1e: {  	s7 =	smul.u32 @!p0 $0xF7A, s2;
	p2 =	seq.s32 @!p0 s5, $0x0  }
0x1f: {  	s9 =	smul.u32 $0xF7A, s1;
	s8 =	simm.s32 @!p0 $0x1BF5;
	p2 =	por !p2, p0  }
0x20: {  	[sflag:s8] =	ssyncset.s32 @!p0 $0xFFFFF086;
	s6 =	sadd.s32 @!p0 s3, s7;
	s7 =	simm.s32 @!p0 $0x108  }
0x21: {  	s3 =	sadd.s32 s3, s9;
	s6 =	sadd.s32 @!p0 $0x88, s6;
	s7 =	simm.s32 @p2 $0x1082  }
0x22: {  	[simem:s7], [sflag:s8] =	dma.local @!p0 [hbm:s6], $0xF7A  }
0x23: {  	s9 =	sor.u32 $0xD0000000, s2;
	s6 =	simm.s32 $0x108;
	_ =	swait.ge @!p0 [sflag:s8], $0x0  }
0x24: {  	s3 =	sadd.s32 $0x88, s3;
	s6 =	simm.s32 @!p1 $0x1082;
	[sflag:s4] =	ssyncset.s32 $0xFFFFF086  }
0x25: {  	[simem:s6], [sflag:s4] =	dma.local [hbm:s3], $0xF7A  }
0x26: {  	[smem:$0x3F94] =	sst s1;
	(tag) =	ssettag s2;
	_ =	strace s9  }
0x27: {  	s1 =	sld [smem:$0x3FA4]  }
0x28: {  	s2 =	sld [smem:$0x3FA5]  }
0x29: {  	s4 =	sld [smem:$0x3FA7]  }
0x2a: {  	p0 =	seq.s32 s5, $0x0;
	s5 =	sld [smem:$0x3FA8]  }
0x2b: {  	s6 =	sld [smem:$0x3FA9]  }
0x2c: {  	s7 =	sld [smem:$0x3FAA]  }
0x2d: {  	s3 =	simm.s32 $0x108;
	s8 =	sld [smem:$0x3FAB]  }
0x2e: {  	s3 =	simm.s32 @!p0 $0x1082;
	s9 =	sld [smem:$0x3FAC]  }
0x2f: {  	lr =	sadd.s32 s0, s3;
	s0 =	sld [smem:$0x3FA3]  }
0x30: {  	s3 =	sld [smem:$0x3FA6]  }
0x31: {  	[smem:$0x3FAF] =	sst s10  }
0x32: {  	s10 =	sld [smem:$0x3FAD];
	_ =	sdelay $0x3  }
0x33: {  	p0 =	seq.s32 s10, $0x1;
	s10 =	sld [smem:$0x3FAF];
	_ =	sdelay $0x3  }
0x34: {  	[smem:$0x3FAF] =	sst s10  }
0x35: {  	s10 =	sld [smem:$0x3FAE];
	_ =	sdelay $0x3  }
0x36: {  	p1 =	seq.s32 s10, $0x1;
	s10 =	sld [smem:$0x3FAF];
	_ =	sdelay $0x3  }
0x37: {  	[smem:$0x3FAF] =	sst s10  }
0x38: {  	s10 =	sld [smem:$0x3FB0]  }
0x39: {  	_ = 	snop;
	(pc) =	sbr.ind lr, $3  }
0x3a: {  	_ = 	snop  }
0x3b: {  	_ = 	snop  }
0x3c: {  	p2 =	seq.s32 s10, $0x1;
	s10 =	sld [smem:$0x3FAF]  }
0x3d: {  	_ =	shalt  }
0x3e: {  	_ =	shalt  }
0x3f: {  	_ =	shalt  }
0x40: {  	_ =	shalt  }
0x41: {  	_ =	shalt  }
0x42: {  	_ =	shalt  }
0x43: {  	_ =	shalt  }
0x44: {  	_ =	shalt  }
0x45: {  	_ =	shalt  }
0x46: {  	_ =	shalt  }
0x47: {  	_ =	shalt  }
0x48: {  	_ =	shalt  }
0x49: {  	_ =	shalt  }
0x4a: {  	_ =	shalt  }
0x4b: {  	_ =	shalt  }
0x4c: {  	_ =	shalt  }
0x4d: {  	_ =	shalt  }
0x4e: {  	_ =	shalt  }
0x4f: {  	_ =	shalt  }
0x50: {  	_ =	shalt  }
0x51: {  	_ =	shalt  }
0x52: {  	_ =	shalt  }
0x53: {  	_ =	shalt  }
0x54: {  	_ =	shalt  }
0x55: {  	_ =	shalt  }
0x56: {  	_ =	shalt  }
0x57: {  	_ =	shalt  }
0x58: {  	_ =	shalt  }
0x59: {  	_ =	shalt  }
0x5a: {  	_ =	shalt  }
0x5b: {  	_ =	shalt  }
0x5c: {  	_ =	shalt  }
0x5d: {  	_ =	shalt  }
0x5e: {  	_ =	shalt  }
0x5f: {  	_ =	shalt  }
0x60: {  	_ =	shalt  }
0x61: {  	_ =	shalt  }
0x62: {  	_ =	shalt  }
0x63: {  	_ =	shalt  }
0x64: {  	_ =	shalt  }
0x65: {  	_ =	shalt  }
0x66: {  	_ =	shalt  }
0x67: {  	_ =	shalt  }
0x68: {  	_ =	shalt  }
0x69: {  	_ =	shalt  }
0x6a: {  	_ =	shalt  }
0x6b: {  	_ =	shalt  }
0x6c: {  	_ =	shalt  }
0x6d: {  	_ =	shalt  }
0x6e: {  	_ =	shalt  }
0x6f: {  	_ =	shalt  }
0x70: {  	_ =	shalt  }
0x71: {  	_ =	shalt  }
0x72: {  	_ =	shalt  }
0x73: {  	_ =	shalt  }
0x74: {  	_ =	shalt  }
0x75: {  	_ =	shalt  }
0x76: {  	_ =	shalt  }
0x77: {  	_ =	shalt  }
0x78: {  	_ =	shalt  }
0x79: {  	_ =	shalt  }
0x7a: {  	_ =	shalt  }
0x7b: {  	_ =	shalt  }
0x7c: {  	_ =	shalt  }
0x7d: {  	_ =	shalt  }
0x7e: {  	_ =	shalt  }
0x7f: {  	_ =	shalt  }
0x80: {  	_ =	shalt  }
0x81: {  	_ =	shalt  }
0x82: {  	_ =	shalt  }
0x83: {  	_ =	shalt  }
0x84: {  	_ =	shalt  }
0x85: {  	_ =	shalt  }
0x86: {  	_ =	shalt  }
0x87: {  	_ =	shalt  }
.Lfunc_end0:
.L_simem_size_0:
called_computation.1_lowered:
.L_overlay_start_0:
0x88: {  	s2 =	sld [smem:$0x3FD9]  }
0x89: {  	s3 =	sld [smem:$0x3FFE];
	_ =	sdelay $0x1  }
0x8a: {  	s1 =	srdreg.scid  }
0x8b: {  	s0 =	sand.u32 $0x1, s1  }
0x8c: {  	s16 =	sshll.u32 s0, $0xA;
	s2 =	sadd.s32 s3, s2  }
0x8d: {  	s2 =	sadd.s32 s2, s16  }
0x8e: {  	[smem:$0x3FBB] =	sst s2  }
0x8f: {  	_ = 	snop  }
0x90: {  	(tm) =	ssettm $0x1  }
0x91: {  	s17 =	sld [smem:$0x3FFB];
	_ =	sdelay $0x3  }
0x92: {  	_ =	strace s17  }
0x93: {  	s2 =	sld [smem:$0x3FFC];
	_ =	sdelay $0x3  }
0x94: {  	_ =	strace s2  }
0x95: {  	s2 =	sld [smem:$0x3FFD];
	_ =	sdelay $0x3  }
0x96: {  	_ =	strace s2  }
0x97: {  	_ =	strace $0x8FFFFFFF  }
0x98: {  	s18 =	sld [smem:$0x3FDB];
	_ =	sdelay $0x1  }
0x99: {  	s19 =	simm.s32 $_scs_section_size  }
0x9a: {  	s4 =	simm.s32 $_size__tile_overlayer_lowered;
	s5 =	simm.s32 $_tile_overlayer_lowered  }
0x9b: {  	s22 =	simm.s32 $0x1BFF;
	s21 =	sshll.u32 s5, $0x1;
	s2 =	sadd.s32 s19, s18  }
0x9c: {  	s6 =	simm.s32 $0x0;
	s20 =	sshll.u32 s4, $0x1;
	s4 =	sadd.s32 s21, s2  }
0x9d: {  	[timem:s6], [sflag:s22] =	dma.local [hbm:s4], s20  }
0x9e: {  	_ =	swait.ge [sflag:s22], s20  }
0x9f: {  	s3 =	ssub.s32 $0x0, s20;
	[sflag:s22] =	ssyncset.done $0x0  }
0xa0: {  	[sflag:s22] =	ssyncadd.s32 s3;
	_ =	sdelay $0x1  }
0xa1: {  	s23 =	simm.s32 $0x1B8B  }
0xa2: {  	_ =	swait.ge [sflag:s23], $0x1  }
0xa3: {  	[sflag:s23] =	ssyncset.done $0x0  }
0xa4: {  	s25 =	simm.s32 $0x1B8E;
	s24 =	sld [smem:$0x3FFE];
	[sflag:s23] =	ssyncadd.s32 $0xFFFFFFFF  }
0xa5: {  	s26 =	simm.s32 $execute0_lowered;
	[smem:$0x3FD2] =	sst s25  }
0xa6: {  	s4 =	sshll.u32 s26, $0x1;
	_ =	strace $0x80000049;
	[dreg:$0x1] =	wrdreg $0xFFFFFFFF  }
0xa7: {  	s28 =	simm.s32 $_size_execute0_lowered;
	s2 =	sadd.s32 s2, s4;
	[dreg:$0x0] =	wrdreg $0x0  }
0xa8: {  	s4 =	sshll.u32 s28, $0x1;
	[dreg:$0x2] =	wrdreg s2  }
0xa9: {  	[dreg:$0x3] =	wrdreg s4  }
0xaa: {  	[dreg:$0x4] =	wrdreg $0xC0  }
0xab: {  	_ =	task [dreg:s6], $0x5FFFF  }
0xac: {  	[dreg:$0x1] =	wrdreg $0xFFFFFFFF  }
0xad: {  	[dreg:$0x0] =	wrdreg $0x60  }
0xae: {  	[dreg:$0x2] =	wrdreg s24  }
0xaf: {  	[dreg:$0x3] =	wrdreg $0xE1000  }
0xb0: {  	[dreg:$0x4] =	wrdreg $0x9  }
0xb1: {  	_ =	task.clear_ibuf [dreg:s6], $0x5FFFF;
	_ =	strace $0x90000049  }
0xb2: {  	s29 =	simm.s32 $0x9;
	_ =	strace $0x8000004B  }
0xb3: {  	_ =	swait.ge [sflag:s29], $0x1  }
0xb4: {  	[sflag:s29] =	ssyncadd.s32 $0xFFFFFFFF  }
0xb5: {  	_ =	strace $0x9000004B  }
0xb6: {  	_ =	sfence  }
0xb7: {  	s30 =	sld [smem:$0x0];
	_ =	sdelay $0x2  }
0xb8: {  	s31 =	sshll.u32 s1, $0xD;
	s1 =	sshrl.u32 s1, $0x2  }
0xb9: {  	s3 =	sand.u32 $0x4000, s31;
	s1 =	sadd.s32 s1, s30  }
0xba: {  	s0 =	sor.u32 s3, s0;
	s1 =	sshll.u32 s1, $0x11  }
0xbb: {  	s0 =	sor.u32 s1, s0  }
0xbc: {  	s0 =	sadd.s32 $0x8F2B, s0  }
0xbd: {  	[sflag:s0] =	ssyncadd.remote.s32 $0x1  }
0xbe: {  	_ =	sfence.sel $0xFFFF  }
0xbf: {  	[dreg:$0x0] =	wrdreg $0xFFFFFFFF;
	(pc) =	sbr.abs _section_cstart, $3  }
0xc0: {  	[dreg:$0x1] =	wrdreg $0xFFFFFFFF  }
0xc1: {  	_ =	task.clear_ibuf [dreg:s6], $0x2FFFF;
	_ =	strace $0x9FFFFFFF  }
0xc2: {  	(tm) =	ssettm $0x7FFFFFFF  }
0xc3: {  	_ =	shalt  }
tec
execute0_lowered:
.L_overlay_start_1:
0x0: {  	(tag) =	ssettag $0x1  }
0x1: {  	s5 =	rddreg [dreg:$0x0]  }
0x2: {  	s1 =	rddreg [dreg:$0x1]  }
0x3: {  	s0 =	rddreg [dreg:$0x2];
	s3 =	simm.s32 $0x0;
	s2 =	stileid.u32  }
0x4: {  	s6 =	srdreg.scid;
	s15 =	simm.s32 $0xD480;
	s16 =	simm.s32 $0x640  }
0x5: {  	s17 =	simm.s32 $0xCE40;
	s18 =	simm.s32 $0xDAC0;
	s19 =	simm.s32 $0x6400  }
0x6: {  	s20 =	simm.s32 $0x1;
	s21 =	simm.s32 $0x2;
	s22 =	simm.s32 $0x0  }
0x7: {  	[smem:$0x7FF] =	sst s3;
	s4 =	sadd.s32 $0x213800, s5;
	s7 =	smul.u32 $0x1900, s2  }
0x8: {  	s6 =	sand.u32 $0x1, s6;
	s12 =	sadd.s32 $0x51800, s5;
	s9 =	smul.u32 $0xC800, s2  }
0x9: {  	s11 =	sadd.s32 $0x83800, s5;
	_ =	strace $0x8000004A;
	s8 =	ssub.s32 $0x2, s6  }
0xa: {  	s6 =	smul.u32 $0xC8000, s6;
	s10 =	sadd.s32 s7, s5;
	s28 =	sshrl.u32 s8, $0x1  }
0xb: {  	s29 =	sadd.s32 $0x6400, s9;
	s5 =	sadd.s32 s9, s1;
	s13 =	ssub.s32 s8, s28  }
0xc: {  	s9 =	sadd.s32 s9, s6;
	s30 =	sadd.s32 s6, s29;
	s6 =	sadd.s32 s29, s1  }
0xd: {  	s10 =	sadd.s32 $0x3600, s10;
	s14 =	sshrl.u32 s9, $0x3;
	s8 =	sshrl.u32 s30, $0x3  }
0xe: {  	s31 =	sor.u32 $0x640, s9;
	s9 =	smax.u32 s13, $0x1;
	s13 =	simm.s32 $0x3  }
0xf: {  	s7 =	sadd.s32 s11, s14;
	s8 =	sadd.s32 s11, s8;
	s11 =	sshrl.u32 s31, $0x3  }
0x10: {  	v0 =	vimm.f32 $0.0e+00;
	s11 =	sadd.s32 s11, s12;
	s12 =	sadd.s32 s14, s12;
	s14 =	simm.s32 $0xC800  }
.LBB2_1:
0x11: {  	s23 =	simm.s32 $0x40;
	s24 =	simm.s32 $0x0  }
.LBB2_2:
0x12: {  	p0 =	sne.s32 s23, $0x18FC0;
	[tilespmem:s24+$0x0] =	vst v0;
	s24 =	smov.u32 s23;
	s23 =	sadd.s32 $0x40, s23  }
.Ltmp0:
0x13: {  	(pc) =	sbr.rel @p0 .LBB2_2-.Ltmp0, $2  }
0x14: {  	_ =	sdelay $0x2  }
0x15: {  	s24 =	sshra.s32 s24, $0x2  }
0x16: {  	[tilespmem:s24+$0x0] =	vst v0;
	s23 =	simm.s32 $0x0  }
0x17: {  	[spmem:s5] =	stream.linear.scatter [tilespmem:s23], [sflag:$0x3], $0x6400, $0x38;
	[tilespmem:$0x1A900] =	vst v63  }
0x18: {  	_ =	swait.ge [sflag:s13], $0x6400  }
0x19: {  	[sflag:s13] =	ssyncset.done $0x0  }
0x1a: {  	[sflag:s13] =	ssyncadd.s32 $0xFFFF9C00  }
0x1b: {  	[spmem:s6] =	stream.linear.scatter [tilespmem:s23], [sflag:$0x3], $0x6400, $0x38;
	[tilespmem:$0x1A900] =	vst v63  }
0x1c: {  	_ =	swait.ge [sflag:s13], $0x6400  }
0x1d: {  	[sflag:s13] =	ssyncset.done $0x0  }
0x1e: {  	[sflag:s13] =	ssyncadd.s32 $0xFFFF9C00  }
0x1f: {  	s29 =	sadd.s32 $0x0, s12;
	[bflag:$0x0] =	sbarrier.arrive $0xFFFF  }
0x20: {  	[tilespmem:s14], [sflag:$0x3] =	stream.linear.gather [hbm4b:s29+s3], $0x640, $0x38;
	[tilespmem:$0x1A900] =	vst v63  }
0x21: {  	_ =	swait.ge [sflag:s13], $0x640  }
0x22: {  	[sflag:s13] =	ssyncset.done $0x0  }
0x23: {  	s30 =	sadd.s32 $0x0, s10;
	[sflag:s13] =	ssyncadd.s32 $0xFFFFF9C0  }
0x24: {  	[tilespmem:s15], [sflag:$0x3] =	stream.linear.gather [hbm4b:s30+s3], $0x640, $0x38;
	[tilespmem:$0x1A900] =	vst v63  }
0x25: {  	_ =	swait.ge [sflag:s13], $0x640  }
0x26: {  	[sflag:s13] =	ssyncset.done $0x0  }
0x27: {  	[sflag:s13] =	ssyncadd.s32 $0xFFFFF9C0  }
0x28: {  	[tilespmem:s3], [sflag:$0x1] =	stream.indirect.gather [hbm4b:s4+s16], $0x10, s14, s16, $0xb8;
	[tilespmem:$0x1A900] =	vst v63  }
0x29: {  	s31 =	sadd.s32 $0x0, s11  }
0x2a: {  	[tilespmem:s17], [sflag:$0x3] =	stream.linear.gather [hbm4b:s31+s3], $0x640, $0x38;
	[tilespmem:$0x1A900] =	vst v63  }
0x2b: {  	_ =	swait.ge [sflag:s13], $0x640  }
0x2c: {  	[sflag:s13] =	ssyncset.done $0x0  }
0x2d: {  	s23 =	sadd.s32 $0xC8, s30;
	[sflag:s13] =	ssyncadd.s32 $0xFFFFF9C0  }
0x2e: {  	[tilespmem:s18], [sflag:$0x3] =	stream.linear.gather [hbm4b:s23+s3], $0x640, $0x38;
	[tilespmem:$0x1A900] =	vst v63  }
0x2f: {  	_ =	swait.ge [sflag:s13], $0x640  }
0x30: {  	[sflag:s13] =	ssyncset.done $0x0  }
0x31: {  	[sflag:s13] =	ssyncadd.s32 $0xFFFFF9C0  }
0x32: {  	[tilespmem:s19], [sflag:$0x2] =	stream.indirect.gather [hbm4b:s4+s16], $0x10, s17, s16, $0xb8;
	[tilespmem:$0x1A900] =	vst v63  }
0x33: {  	_ =	swait.ge [sflag:s20], $0x6400  }
0x34: {  	[sflag:s20] =	ssyncset.done $0x0  }
0x35: {  	[sflag:s20] =	ssyncadd.s32 $0xFFFF9C00  }
0x36: {  	[spmem:s1] =	stream.indirect.scatter.add.f32 [tilespmem:s3], [sflag:$0x3], $0x10, s15, s16, $0xb8;
	[tilespmem:$0x1A900] =	vst v63  }
0x37: {  	_ =	swait.ge [sflag:s13], $0x6400  }
0x38: {  	[sflag:s13] =	ssyncset.done $0x0  }
0x39: {  	[sflag:s13] =	ssyncadd.s32 $0xFFFF9C00  }
0x3a: {  	_ =	swait.ge [sflag:s21], $0x6400  }
0x3b: {  	[sflag:s21] =	ssyncset.done $0x0  }
0x3c: {  	[sflag:s21] =	ssyncadd.s32 $0xFFFF9C00  }
0x3d: {  	[spmem:s1] =	stream.indirect.scatter.add.f32 [tilespmem:s19], [sflag:$0x3], $0x10, s18, s16, $0xb8;
	[tilespmem:$0x1A900] =	vst v63  }
0x3e: {  	_ =	swait.ge [sflag:s13], $0x6400  }
0x3f: {  	s25 =	simm.s32 $0x320;
	s23 =	simm.s32 $0x190;
	[sflag:s13] =	ssyncset.done $0x0  }
.LBB2_4:
0x40: {  	s26 =	sadd.s32 s23, s12  }
0x41: {  	[sflag:s13] =	ssyncadd.s32 $0xFFFF9C00;
	s28 =	smov.u32 s25;
	s24 =	sadd.s32 $0x190, s25  }
0x42: {  	[tilespmem:s14], [sflag:$0x3] =	stream.linear.gather [hbm4b:s26+s3], $0x640, $0x38;
	[tilespmem:$0x1A900] =	vst v63  }
0x43: {  	p0 =	sne.s32 s25, $0x1770;
	_ =	swait.ge [sflag:s13], $0x640  }
0x44: {  	[sflag:s13] =	ssyncset.done $0x0  }
0x45: {  	s25 =	sadd.s32 s23, s10;
	[sflag:s13] =	ssyncadd.s32 $0xFFFFF9C0  }
0x46: {  	[tilespmem:s15], [sflag:$0x3] =	stream.linear.gather [hbm4b:s25+s3], $0x640, $0x38;
	[tilespmem:$0x1A900] =	vst v63  }
0x47: {  	_ =	swait.ge [sflag:s13], $0x640  }
0x48: {  	[sflag:s13] =	ssyncset.done $0x0  }
0x49: {  	[sflag:s13] =	ssyncadd.s32 $0xFFFFF9C0  }
0x4a: {  	[tilespmem:s3], [sflag:$0x1] =	stream.indirect.gather [hbm4b:s4+s16], $0x10, s14, s16, $0xb8;
	[tilespmem:$0x1A900] =	vst v63  }
0x4b: {  	s26 =	sadd.s32 s23, s11;
	s23 =	smov.u32 s28  }
0x4c: {  	[tilespmem:s17], [sflag:$0x3] =	stream.linear.gather [hbm4b:s26+s3], $0x640, $0x38;
	[tilespmem:$0x1A900] =	vst v63  }
0x4d: {  	_ =	swait.ge [sflag:s13], $0x640  }
0x4e: {  	[sflag:s13] =	ssyncset.done $0x0  }
0x4f: {  	s25 =	sadd.s32 $0xC8, s25;
	[sflag:s13] =	ssyncadd.s32 $0xFFFFF9C0  }
0x50: {  	[tilespmem:s18], [sflag:$0x3] =	stream.linear.gather [hbm4b:s25+s3], $0x640, $0x38;
	[tilespmem:$0x1A900] =	vst v63  }
0x51: {  	_ =	swait.ge [sflag:s13], $0x640  }
0x52: {  	[sflag:s13] =	ssyncset.done $0x0  }
0x53: {  	[sflag:s13] =	ssyncadd.s32 $0xFFFFF9C0  }
0x54: {  	[tilespmem:s19], [sflag:$0x2] =	stream.indirect.gather [hbm4b:s4+s16], $0x10, s17, s16, $0xb8;
	[tilespmem:$0x1A900] =	vst v63  }
0x55: {  	_ =	swait.ge [sflag:s20], $0x6400  }
0x56: {  	[sflag:s20] =	ssyncset.done $0x0  }
0x57: {  	[sflag:s20] =	ssyncadd.s32 $0xFFFF9C00  }
0x58: {  	[spmem:s1] =	stream.indirect.scatter.add.f32 [tilespmem:s3], [sflag:$0x3], $0x10, s15, s16, $0xb8;
	[tilespmem:$0x1A900] =	vst v63  }
0x59: {  	_ =	swait.ge [sflag:s13], $0x6400  }
0x5a: {  	[sflag:s13] =	ssyncset.done $0x0  }
0x5b: {  	[sflag:s13] =	ssyncadd.s32 $0xFFFF9C00  }
0x5c: {  	_ =	swait.ge [sflag:s21], $0x6400  }
.Ltmp1:
0x5d: {  	[sflag:s21] =	ssyncset.done $0x0;
	(pc) =	sbr.rel @p0 .LBB2_4-.Ltmp1, $4  }
0x5e: {  	[sflag:s21] =	ssyncadd.s32 $0xFFFF9C00  }
0x5f: {  	[spmem:s1] =	stream.indirect.scatter.add.f32 [tilespmem:s19], [sflag:$0x3], $0x10, s18, s16, $0xb8;
	[tilespmem:$0x1A900] =	vst v63  }
0x60: {  	_ =	swait.ge [sflag:s13], $0x6400  }
0x61: {  	s25 =	smov.u32 s24;
	[sflag:s13] =	ssyncset.done $0x0  }
0x62: {  	s24 =	sadd.s32 s23, s12;
	[sflag:s13] =	ssyncadd.s32 $0xFFFF9C00  }
0x63: {  	[tilespmem:s14], [sflag:$0x3] =	stream.linear.gather [hbm4b:s24+s3], $0x640, $0x38;
	[tilespmem:$0x1A900] =	vst v63  }
0x64: {  	_ =	swait.ge [sflag:s13], $0x640  }
0x65: {  	[sflag:s13] =	ssyncset.done $0x0  }
0x66: {  	s29 =	sadd.s32 s23, s10;
	[sflag:s13] =	ssyncadd.s32 $0xFFFFF9C0  }
0x67: {  	[tilespmem:s15], [sflag:$0x3] =	stream.linear.gather [hbm4b:s29+s3], $0x640, $0x38;
	[tilespmem:$0x1A900] =	vst v63  }
0x68: {  	_ =	swait.ge [sflag:s13], $0x640  }
0x69: {  	[sflag:s13] =	ssyncset.done $0x0  }
0x6a: {  	[sflag:s13] =	ssyncadd.s32 $0xFFFFF9C0  }
0x6b: {  	[tilespmem:s3], [sflag:$0x1] =	stream.indirect.gather [hbm4b:s4+s16], $0x10, s14, s16, $0xb8;
	[tilespmem:$0x1A900] =	vst v63  }
0x6c: {  	s30 =	sadd.s32 s23, s11  }
0x6d: {  	[tilespmem:s17], [sflag:$0x3] =	stream.linear.gather [hbm4b:s30+s3], $0x640, $0x38;
	[tilespmem:$0x1A900] =	vst v63  }
0x6e: {  	_ =	swait.ge [sflag:s13], $0x640  }
0x6f: {  	[sflag:s13] =	ssyncset.done $0x0  }
0x70: {  	s31 =	sadd.s32 $0xC8, s29;
	[sflag:s13] =	ssyncadd.s32 $0xFFFFF9C0  }
0x71: {  	[tilespmem:s18], [sflag:$0x3] =	stream.linear.gather [hbm4b:s31+s3], $0x640, $0x38;
	[tilespmem:$0x1A900] =	vst v63  }
0x72: {  	_ =	swait.ge [sflag:s13], $0x640  }
0x73: {  	[sflag:s13] =	ssyncset.done $0x0  }
0x74: {  	[sflag:s13] =	ssyncadd.s32 $0xFFFFF9C0  }
0x75: {  	[tilespmem:s19], [sflag:$0x2] =	stream.indirect.gather [hbm4b:s4+s16], $0x10, s17, s16, $0xb8;
	[tilespmem:$0x1A900] =	vst v63  }
0x76: {  	_ =	swait.ge [sflag:s20], $0x6400  }
0x77: {  	[sflag:s20] =	ssyncset.done $0x0  }
0x78: {  	[sflag:s20] =	ssyncadd.s32 $0xFFFF9C00  }
0x79: {  	[spmem:s1] =	stream.indirect.scatter.add.f32 [tilespmem:s3], [sflag:$0x3], $0x10, s15, s16, $0xb8;
	[tilespmem:$0x1A900] =	vst v63  }
0x7a: {  	_ =	swait.ge [sflag:s13], $0x6400  }
0x7b: {  	[sflag:s13] =	ssyncset.done $0x0  }
0x7c: {  	[sflag:s13] =	ssyncadd.s32 $0xFFFF9C00  }
0x7d: {  	_ =	swait.ge [sflag:s21], $0x6400  }
0x7e: {  	[sflag:s21] =	ssyncset.done $0x0  }
0x7f: {  	[sflag:s21] =	ssyncadd.s32 $0xFFFF9C00  }
0x80: {  	[spmem:s1] =	stream.indirect.scatter.add.f32 [tilespmem:s19], [sflag:$0x3], $0x10, s18, s16, $0xb8;
	[tilespmem:$0x1A900] =	vst v63  }
0x81: {  	_ =	swait.ge [sflag:s13], $0x6400  }
0x82: {  	[sflag:s13] =	ssyncset.done $0x0  }
0x83: {  	[sflag:s13] =	ssyncadd.s32 $0xFFFF9C00  }
0x84: {  	[bflag:$0x0] =	sbarrier.arrive $0xFFFF  }
0x85: {  	[tilespmem:s3], [sflag:$0x3] =	stream.linear.gather [spmem:s5], $0x6400, $0x38;
	[tilespmem:$0x1A900] =	vst v63  }
0x86: {  	_ =	swait.ge [sflag:s13], $0x6400  }
0x87: {  	[sflag:s13] =	ssyncset.done $0x0  }
0x88: {  	[sflag:s13] =	ssyncadd.s32 $0xFFFF9C00  }
0x89: {  	[hbm4b:s7+s3] =	stream.linear.scatter [tilespmem:s3], [sflag:$0x3], $0x6400, $0x38;
	[tilespmem:$0x1A900] =	vst v63  }
0x8a: {  	_ =	swait.ge [sflag:s13], $0x6400  }
0x8b: {  	[sflag:s13] =	ssyncset.done $0x0  }
0x8c: {  	[sflag:s13] =	ssyncadd.s32 $0xFFFF9C00  }
0x8d: {  	[tilespmem:s3], [sflag:$0x3] =	stream.linear.gather [spmem:s6], $0x6400, $0x38;
	[tilespmem:$0x1A900] =	vst v63  }
0x8e: {  	s22 =	sadd.s32 $0x1, s22;
	_ =	swait.ge [sflag:s13], $0x6400  }
0x8f: {  	p0 =	sne.s32 s22, s9;
	[sflag:s13] =	ssyncset.done $0x0  }
.Ltmp2:
0x90: {  	[sflag:s13] =	ssyncadd.s32 $0xFFFF9C00;
	(pc) =	sbr.rel @p0 .LBB2_1-.Ltmp2, $4  }
0x91: {  	[hbm4b:s8+s3] =	stream.linear.scatter [tilespmem:s3], [sflag:$0x3], $0x6400, $0x38;
	[tilespmem:$0x1A900] =	vst v63  }
0x92: {  	_ =	swait.ge [sflag:s13], $0x6400  }
0x93: {  	[sflag:s13] =	ssyncset.done $0x0  }
0x94: {  	[sflag:s13] =	ssyncadd.s32 $0xFFFF9C00  }
0x95: {  	_ =	sfence.sel $0x180000  }
0x96: {  	[bflag:$0x0] =	sbarrier.arrive $0xFFFF  }
0x97: {  	p0 =	sne.s32 s2, $0x0;
	_ =	strace $0x9000004A  }
0x98: {  	s0 =	sadd.s32 @!p0 $0x100000, s0;
	[bflag:$0x2] =	sbarrier.arrive $0xFFFF  }
0x99: {  	[sflag:s0] =	ssyncadd.tile.s32 @!p0 $0x1;
	_ =	shalt  }
.Lfunc_end2:
_tile_overlayer_lowered:
.L_overlay_start_2:
0x9a: {  	(tag) =	ssettag $0x2  }
0x9b: {  	s0 =	rddreg [dreg:$0x0];
	s2 =	stileid.u32  }
0x9c: {  	s1 =	rddreg [dreg:$0x1];
	p0 =	sne.s32 s2, $0x0  }
0x9d: {  	s3 =	rddreg [dreg:$0x2];
	[bflag:$0x3] =	sbarrier.arrive $0xFFFF;
	s2 =	simm.s32 @!p0 $0x1C03  }
0x9e: {  	[timem:s3], [sflag:s2] =	dma.local @!p0 [hbm:s0], s1  }
0x9f: {  	s0 =	simm.s32 @!p0 $0x3  }
0xa0: {  	_ =	swait.ge @!p0 [sflag:s0], s1  }
0xa1: {  	s1 =	ssub.s32 @!p0 $0x0, s1;
	[sflag:s0] =	ssyncset.done @!p0 $0x0  }
0xa2: {  	[sflag:s0] =	ssyncadd.s32 @!p0 s1  }
0xa3: {  	[bflag:$0x3] =	sbarrier.arrive $0xFFFF  }
0xa4: {  	_ =	shalt  }

// kernel: kernel.15.cloned.1.call-start
scs
__scs_entry_jumppad:
0x0: {  	(pc) =	sbr.rel $0x88, $3  }
0x1: {  	(tag) =	ssettag $0x0;
	lr =	simm.s32 $0x1  }
0x2: {  	[smem:$0x3F94] =	sst lr;
	_ =	strace $0xD0000000  }
0x3: {  	_ = 	snop  }
0x4: {  	_ = 	snop  }
0x5: {  	_ = 	snop  }
0x6: {  	_ = 	snop  }
0x7: {  	_ = 	snop  }
__scs_overlays_trampoline_lowered:
0x8: {  	[smem:$0x3FA3] =	sst s0  }
0x9: {  	[smem:$0x3FA4] =	sst s1  }
0xa: {  	[smem:$0x3FA5] =	sst s2  }
0xb: {  	[smem:$0x3FA6] =	sst s3  }
0xc: {  	[smem:$0x3FA7] =	sst s4  }
0xd: {  	[smem:$0x3FA8] =	sst s5  }
0xe: {  	[smem:$0x3FA9] =	sst s6  }
0xf: {  	[smem:$0x3FAA] =	sst s7  }
0x10: {  	[smem:$0x3FAB] =	sst s8  }
0x11: {  	[smem:$0x3FAC] =	sst s9;
	s0 =	simm.s32 @!p0 $0x0  }
0x12: {  	s1 =	sld [smem:$0x3F92];
	s0 =	simm.s32 @p0 $0x1  }
0x13: {  	[smem:$0x3FAD] =	sst s0;
	s0 =	simm.s32 @!p1 $0x0  }
0x14: {  	s2 =	sld [smem:$0x3F91];
	s0 =	simm.s32 @p1 $0x1  }
0x15: {  	[smem:$0x3FAE] =	sst s0;
	s0 =	simm.s32 @!p2 $0x0  }
0x16: {  	s3 =	sld [smem:$0x3FDB];
	s0 =	simm.s32 @p2 $0x1  }
0x17: {  	s4 =	simm.s32 $0x1BF5;
	[smem:$0x3FB0] =	sst s0  }
0x18: {  	s0 =	sld [smem:$0x3F93];
	_ =	swait.ge [sflag:s4], $0x0  }
0x19: {  	s7 =	sld [smem:$0x3F94]  }
0x1a: {  	s8 =	sadd.s32 $0xFFFFE003, lr  }
0x1b: {  	s9 =	sadd.s32 $0xFFFFFEF7, lr;
	s5 =	simm.s32 $0xFFFFFFFF;
	p2 =	slt.u32 s8, $0xFFFFF086  }
0x1c: {  	p1 =	slt.u32 s9, $0xF7A;
	s5 =	simm.s32 @!p2 $0x0  }
0x1d: {  	s5 =	simm.s32 @p1 $0x1;
	p0 =	seq.s32 s7, s2  }
0x1e: {  	s7 =	smul.u32 @!p0 $0xF7A, s2;
	p2 =	seq.s32 @!p0 s5, $0x0  }
0x1f: {  	s9 =	smul.u32 $0xF7A, s1;
	s8 =	simm.s32 @!p0 $0x1BF5;
	p2 =	por !p2, p0  }
0x20: {  	[sflag:s8] =	ssyncset.s32 @!p0 $0xFFFFF086;
	s6 =	sadd.s32 @!p0 s3, s7;
	s7 =	simm.s32 @!p0 $0x108  }
0x21: {  	s3 =	sadd.s32 s3, s9;
	s6 =	sadd.s32 @!p0 $0x88, s6;
	s7 =	simm.s32 @p2 $0x1082  }
0x22: {  	[simem:s7], [sflag:s8] =	dma.local @!p0 [hbm:s6], $0xF7A  }
0x23: {  	s9 =	sor.u32 $0xD0000000, s2;
	s6 =	simm.s32 $0x108;
	_ =	swait.ge @!p0 [sflag:s8], $0x0  }
0x24: {  	s3 =	sadd.s32 $0x88, s3;
	s6 =	simm.s32 @!p1 $0x1082;
	[sflag:s4] =	ssyncset.s32 $0xFFFFF086  }
0x25: {  	[simem:s6], [sflag:s4] =	dma.local [hbm:s3], $0xF7A  }
0x26: {  	[smem:$0x3F94] =	sst s1;
	(tag) =	ssettag s2;
	_ =	strace s9  }
0x27: {  	s1 =	sld [smem:$0x3FA4]  }
0x28: {  	s2 =	sld [smem:$0x3FA5]  }
0x29: {  	s4 =	sld [smem:$0x3FA7]  }
0x2a: {  	p0 =	seq.s32 s5, $0x0;
	s5 =	sld [smem:$0x3FA8]  }
0x2b: {  	s6 =	sld [smem:$0x3FA9]  }
0x2c: {  	s7 =	sld [smem:$0x3FAA]  }
0x2d: {  	s3 =	simm.s32 $0x108;
	s8 =	sld [smem:$0x3FAB]  }
0x2e: {  	s3 =	simm.s32 @!p0 $0x1082;
	s9 =	sld [smem:$0x3FAC]  }
0x2f: {  	lr =	sadd.s32 s0, s3;
	s0 =	sld [smem:$0x3FA3]  }
0x30: {  	s3 =	sld [smem:$0x3FA6]  }
0x31: {  	[smem:$0x3FAF] =	sst s10  }
0x32: {  	s10 =	sld [smem:$0x3FAD];
	_ =	sdelay $0x3  }
0x33: {  	p0 =	seq.s32 s10, $0x1;
	s10 =	sld [smem:$0x3FAF];
	_ =	sdelay $0x3  }
0x34: {  	[smem:$0x3FAF] =	sst s10  }
0x35: {  	s10 =	sld [smem:$0x3FAE];
	_ =	sdelay $0x3  }
0x36: {  	p1 =	seq.s32 s10, $0x1;
	s10 =	sld [smem:$0x3FAF];
	_ =	sdelay $0x3  }
0x37: {  	[smem:$0x3FAF] =	sst s10  }
0x38: {  	s10 =	sld [smem:$0x3FB0]  }
0x39: {  	_ = 	snop;
	(pc) =	sbr.ind lr, $3  }
0x3a: {  	_ = 	snop  }
0x3b: {  	_ = 	snop  }
0x3c: {  	p2 =	seq.s32 s10, $0x1;
	s10 =	sld [smem:$0x3FAF]  }
0x3d: {  	_ =	shalt  }
0x3e: {  	_ =	shalt  }
0x3f: {  	_ =	shalt  }
0x40: {  	_ =	shalt  }
0x41: {  	_ =	shalt  }
0x42: {  	_ =	shalt  }
0x43: {  	_ =	shalt  }
0x44: {  	_ =	shalt  }
0x45: {  	_ =	shalt  }
0x46: {  	_ =	shalt  }
0x47: {  	_ =	shalt  }
0x48: {  	_ =	shalt  }
0x49: {  	_ =	shalt  }
0x4a: {  	_ =	shalt  }
0x4b: {  	_ =	shalt  }
0x4c: {  	_ =	shalt  }
0x4d: {  	_ =	shalt  }
0x4e: {  	_ =	shalt  }
0x4f: {  	_ =	shalt  }
0x50: {  	_ =	shalt  }
0x51: {  	_ =	shalt  }
0x52: {  	_ =	shalt  }
0x53: {  	_ =	shalt  }
0x54: {  	_ =	shalt  }
0x55: {  	_ =	shalt  }
0x56: {  	_ =	shalt  }
0x57: {  	_ =	shalt  }
0x58: {  	_ =	shalt  }
0x59: {  	_ =	shalt  }
0x5a: {  	_ =	shalt  }
0x5b: {  	_ =	shalt  }
0x5c: {  	_ =	shalt  }
0x5d: {  	_ =	shalt  }
0x5e: {  	_ =	shalt  }
0x5f: {  	_ =	shalt  }
0x60: {  	_ =	shalt  }
0x61: {  	_ =	shalt  }
0x62: {  	_ =	shalt  }
0x63: {  	_ =	shalt  }
0x64: {  	_ =	shalt  }
0x65: {  	_ =	shalt  }
0x66: {  	_ =	shalt  }
0x67: {  	_ =	shalt  }
0x68: {  	_ =	shalt  }
0x69: {  	_ =	shalt  }
0x6a: {  	_ =	shalt  }
0x6b: {  	_ =	shalt  }
0x6c: {  	_ =	shalt  }
0x6d: {  	_ =	shalt  }
0x6e: {  	_ =	shalt  }
0x6f: {  	_ =	shalt  }
0x70: {  	_ =	shalt  }
0x71: {  	_ =	shalt  }
0x72: {  	_ =	shalt  }
0x73: {  	_ =	shalt  }
0x74: {  	_ =	shalt  }
0x75: {  	_ =	shalt  }
0x76: {  	_ =	shalt  }
0x77: {  	_ =	shalt  }
0x78: {  	_ =	shalt  }
0x79: {  	_ =	shalt  }
0x7a: {  	_ =	shalt  }
0x7b: {  	_ =	shalt  }
0x7c: {  	_ =	shalt  }
0x7d: {  	_ =	shalt  }
0x7e: {  	_ =	shalt  }
0x7f: {  	_ =	shalt  }
0x80: {  	_ =	shalt  }
0x81: {  	_ =	shalt  }
0x82: {  	_ =	shalt  }
0x83: {  	_ =	shalt  }
0x84: {  	_ =	shalt  }
0x85: {  	_ =	shalt  }
0x86: {  	_ =	shalt  }
0x87: {  	_ =	shalt  }
.Lfunc_end0:
.L_simem_size_0:
called_computation.2_lowered:
.L_overlay_start_0:
0x88: {  	s2 =	sld [smem:$0x3FD9]  }
0x89: {  	s3 =	sld [smem:$0x3FFE];
	_ =	sdelay $0x1  }
0x8a: {  	s1 =	srdreg.scid  }
0x8b: {  	s0 =	sand.u32 $0x1, s1  }
0x8c: {  	s16 =	sshll.u32 s0, $0xA;
	s2 =	sadd.s32 s3, s2  }
0x8d: {  	s2 =	sadd.s32 s2, s16  }
0x8e: {  	[smem:$0x3FBB] =	sst s2  }
0x8f: {  	_ = 	snop  }
0x90: {  	(tm) =	ssettm $0x1  }
0x91: {  	s17 =	sld [smem:$0x3FFB];
	_ =	sdelay $0x3  }
0x92: {  	_ =	strace s17  }
0x93: {  	s2 =	sld [smem:$0x3FFC];
	_ =	sdelay $0x3  }
0x94: {  	_ =	strace s2  }
0x95: {  	s2 =	sld [smem:$0x3FFD];
	_ =	sdelay $0x3  }
0x96: {  	_ =	strace s2  }
0x97: {  	_ =	strace $0x8FFFFFFF  }
0x98: {  	s18 =	sld [smem:$0x3FDB];
	_ =	sdelay $0x1  }
0x99: {  	s19 =	simm.s32 $_scs_section_size  }
0x9a: {  	s4 =	simm.s32 $_size__tile_overlayer_lowered;
	s5 =	simm.s32 $_tile_overlayer_lowered  }
0x9b: {  	s22 =	simm.s32 $0x1BFF;
	s21 =	sshll.u32 s5, $0x1;
	s2 =	sadd.s32 s19, s18  }
0x9c: {  	s6 =	simm.s32 $0x0;
	s20 =	sshll.u32 s4, $0x1;
	s4 =	sadd.s32 s21, s2  }
0x9d: {  	[timem:s6], [sflag:s22] =	dma.local [hbm:s4], s20  }
0x9e: {  	_ =	swait.ge [sflag:s22], s20  }
0x9f: {  	s3 =	ssub.s32 $0x0, s20;
	[sflag:s22] =	ssyncset.done $0x0  }
0xa0: {  	[sflag:s22] =	ssyncadd.s32 s3;
	_ =	sdelay $0x1  }
0xa1: {  	s23 =	simm.s32 $0x1B8B  }
0xa2: {  	_ =	swait.ge [sflag:s23], $0x1  }
0xa3: {  	[sflag:s23] =	ssyncset.done $0x0  }
0xa4: {  	s25 =	simm.s32 $0x1B8E;
	s24 =	sld [smem:$0x3FFE];
	[sflag:s23] =	ssyncadd.s32 $0xFFFFFFFF  }
0xa5: {  	s26 =	simm.s32 $execute0_lowered;
	[smem:$0x3FD2] =	sst s25  }
0xa6: {  	s4 =	sshll.u32 s26, $0x1;
	_ =	strace $0x8000004C;
	[dreg:$0x1] =	wrdreg $0xFFFFFFFF  }
0xa7: {  	s28 =	simm.s32 $_size_execute0_lowered;
	s2 =	sadd.s32 s2, s4;
	[dreg:$0x0] =	wrdreg $0x0  }
0xa8: {  	s4 =	sshll.u32 s28, $0x1;
	[dreg:$0x2] =	wrdreg s2  }
0xa9: {  	[dreg:$0x3] =	wrdreg s4  }
0xaa: {  	[dreg:$0x4] =	wrdreg $0xC0  }
0xab: {  	_ =	task [dreg:s6], $0x5FFFF  }
0xac: {  	[dreg:$0x1] =	wrdreg $0xFFFFFFFF  }
0xad: {  	[dreg:$0x0] =	wrdreg $0x60  }
0xae: {  	[dreg:$0x2] =	wrdreg s24  }
0xaf: {  	[dreg:$0x3] =	wrdreg $0xE1000  }
0xb0: {  	[dreg:$0x4] =	wrdreg $0x9  }
0xb1: {  	_ =	task.clear_ibuf [dreg:s6], $0x5FFFF;
	_ =	strace $0x9000004C  }
0xb2: {  	s29 =	simm.s32 $0x9;
	_ =	strace $0x8000004E  }
0xb3: {  	_ =	swait.ge [sflag:s29], $0x1  }
0xb4: {  	[sflag:s29] =	ssyncadd.s32 $0xFFFFFFFF  }
0xb5: {  	_ =	strace $0x9000004E  }
0xb6: {  	_ =	sfence  }
0xb7: {  	s30 =	sld [smem:$0x0];
	_ =	sdelay $0x2  }
0xb8: {  	s31 =	sshll.u32 s1, $0xD;
	s1 =	sshrl.u32 s1, $0x2  }
0xb9: {  	s3 =	sand.u32 $0x4000, s31;
	s1 =	sadd.s32 s1, s30  }
0xba: {  	s0 =	sor.u32 s3, s0;
	s1 =	sshll.u32 s1, $0x11  }
0xbb: {  	s0 =	sor.u32 s1, s0  }
0xbc: {  	s0 =	sadd.s32 $0x8F2B, s0  }
0xbd: {  	[sflag:s0] =	ssyncadd.remote.s32 $0x1  }
0xbe: {  	_ =	sfence.sel $0xFFFF  }
0xbf: {  	[dreg:$0x0] =	wrdreg $0xFFFFFFFF;
	(pc) =	sbr.abs _section_cstart, $3  }
0xc0: {  	[dreg:$0x1] =	wrdreg $0xFFFFFFFF  }
0xc1: {  	_ =	task.clear_ibuf [dreg:s6], $0x2FFFF;
	_ =	strace $0x9FFFFFFF  }
0xc2: {  	(tm) =	ssettm $0x7FFFFFFF  }
0xc3: {  	_ =	shalt  }
tec
execute0_lowered:
.L_overlay_start_1:
0x0: {  	(tag) =	ssettag $0x1  }
0x1: {  	s5 =	rddreg [dreg:$0x0]  }
0x2: {  	s1 =	rddreg [dreg:$0x1]  }
0x3: {  	s0 =	rddreg [dreg:$0x2];
	s3 =	simm.s32 $0x0;
	s2 =	stileid.u32  }
0x4: {  	s6 =	srdreg.scid;
	s15 =	simm.s32 $0xD480;
	s16 =	simm.s32 $0x640  }
0x5: {  	s17 =	simm.s32 $0xCE40;
	s18 =	simm.s32 $0xDAC0;
	s19 =	simm.s32 $0x6400  }
0x6: {  	s20 =	simm.s32 $0x1;
	s21 =	simm.s32 $0x2;
	s22 =	simm.s32 $0x0  }
0x7: {  	[smem:$0x7FF] =	sst s3;
	s4 =	sadd.s32 $0x46B800, s5;
	s7 =	smul.u32 $0x1900, s2  }
0x8: {  	s6 =	sand.u32 $0x1, s6;
	s12 =	sadd.s32 $0x51800, s5;
	s9 =	smul.u32 $0xC800, s2  }
0x9: {  	s11 =	sadd.s32 $0x83800, s5;
	_ =	strace $0x8000004D;
	s8 =	ssub.s32 $0x2, s6  }
0xa: {  	s6 =	smul.u32 $0xC8000, s6;
	s10 =	sadd.s32 s7, s5;
	s28 =	sshrl.u32 s8, $0x1  }
0xb: {  	s29 =	sadd.s32 $0x6400, s9;
	s5 =	sadd.s32 s9, s1;
	s13 =	ssub.s32 s8, s28  }
0xc: {  	s9 =	sadd.s32 s9, s6;
	s30 =	sadd.s32 s6, s29;
	s6 =	sadd.s32 s29, s1  }
0xd: {  	s10 =	sadd.s32 $0x3600, s10;
	s14 =	sshrl.u32 s9, $0x3;
	s8 =	sshrl.u32 s30, $0x3  }
0xe: {  	s31 =	sor.u32 $0x640, s9;
	s9 =	smax.u32 s13, $0x1;
	s13 =	simm.s32 $0x3  }
0xf: {  	s7 =	sadd.s32 s11, s14;
	s8 =	sadd.s32 s11, s8;
	s11 =	sshrl.u32 s31, $0x3  }
0x10: {  	v0 =	vimm.f32 $0.0e+00;
	s11 =	sadd.s32 s11, s12;
	s12 =	sadd.s32 s14, s12;
	s14 =	simm.s32 $0xC800  }
.LBB2_1:
0x11: {  	s23 =	simm.s32 $0x40;
	s24 =	simm.s32 $0x0  }
.LBB2_2:
0x12: {  	p0 =	sne.s32 s23, $0x18FC0;
	[tilespmem:s24+$0x0] =	vst v0;
	s24 =	smov.u32 s23;
	s23 =	sadd.s32 $0x40, s23  }
.Ltmp0:
0x13: {  	(pc) =	sbr.rel @p0 .LBB2_2-.Ltmp0, $2  }
0x14: {  	_ =	sdelay $0x2  }
0x15: {  	s24 =	sshra.s32 s24, $0x2  }
0x16: {  	[tilespmem:s24+$0x0] =	vst v0;
	s23 =	simm.s32 $0x0  }
0x17: {  	[spmem:s5] =	stream.linear.scatter [tilespmem:s23], [sflag:$0x3], $0x6400, $0x38;
	[tilespmem:$0x1A900] =	vst v63  }
0x18: {  	_ =	swait.ge [sflag:s13], $0x6400  }
0x19: {  	[sflag:s13] =	ssyncset.done $0x0  }
0x1a: {  	[sflag:s13] =	ssyncadd.s32 $0xFFFF9C00  }
0x1b: {  	[spmem:s6] =	stream.linear.scatter [tilespmem:s23], [sflag:$0x3], $0x6400, $0x38;
	[tilespmem:$0x1A900] =	vst v63  }
0x1c: {  	_ =	swait.ge [sflag:s13], $0x6400  }
0x1d: {  	[sflag:s13] =	ssyncset.done $0x0  }
0x1e: {  	[sflag:s13] =	ssyncadd.s32 $0xFFFF9C00  }
0x1f: {  	s29 =	sadd.s32 $0x0, s12;
	[bflag:$0x0] =	sbarrier.arrive $0xFFFF  }
0x20: {  	[tilespmem:s14], [sflag:$0x3] =	stream.linear.gather [hbm4b:s29+s3], $0x640, $0x38;
	[tilespmem:$0x1A900] =	vst v63  }
0x21: {  	_ =	swait.ge [sflag:s13], $0x640  }
0x22: {  	[sflag:s13] =	ssyncset.done $0x0  }
0x23: {  	s30 =	sadd.s32 $0x0, s10;
	[sflag:s13] =	ssyncadd.s32 $0xFFFFF9C0  }
0x24: {  	[tilespmem:s15], [sflag:$0x3] =	stream.linear.gather [hbm4b:s30+s3], $0x640, $0x38;
	[tilespmem:$0x1A900] =	vst v63  }
0x25: {  	_ =	swait.ge [sflag:s13], $0x640  }
0x26: {  	[sflag:s13] =	ssyncset.done $0x0  }
0x27: {  	[sflag:s13] =	ssyncadd.s32 $0xFFFFF9C0  }
0x28: {  	[tilespmem:s3], [sflag:$0x1] =	stream.indirect.gather [hbm4b:s4+s16], $0x10, s14, s16, $0xb8;
	[tilespmem:$0x1A900] =	vst v63  }
0x29: {  	s31 =	sadd.s32 $0x0, s11  }
0x2a: {  	[tilespmem:s17], [sflag:$0x3] =	stream.linear.gather [hbm4b:s31+s3], $0x640, $0x38;
	[tilespmem:$0x1A900] =	vst v63  }
0x2b: {  	_ =	swait.ge [sflag:s13], $0x640  }
0x2c: {  	[sflag:s13] =	ssyncset.done $0x0  }
0x2d: {  	s23 =	sadd.s32 $0xC8, s30;
	[sflag:s13] =	ssyncadd.s32 $0xFFFFF9C0  }
0x2e: {  	[tilespmem:s18], [sflag:$0x3] =	stream.linear.gather [hbm4b:s23+s3], $0x640, $0x38;
	[tilespmem:$0x1A900] =	vst v63  }
0x2f: {  	_ =	swait.ge [sflag:s13], $0x640  }
0x30: {  	[sflag:s13] =	ssyncset.done $0x0  }
0x31: {  	[sflag:s13] =	ssyncadd.s32 $0xFFFFF9C0  }
0x32: {  	[tilespmem:s19], [sflag:$0x2] =	stream.indirect.gather [hbm4b:s4+s16], $0x10, s17, s16, $0xb8;
	[tilespmem:$0x1A900] =	vst v63  }
0x33: {  	_ =	swait.ge [sflag:s20], $0x6400  }
0x34: {  	[sflag:s20] =	ssyncset.done $0x0  }
0x35: {  	[sflag:s20] =	ssyncadd.s32 $0xFFFF9C00  }
0x36: {  	[spmem:s1] =	stream.indirect.scatter.add.f32 [tilespmem:s3], [sflag:$0x3], $0x10, s15, s16, $0xb8;
	[tilespmem:$0x1A900] =	vst v63  }
0x37: {  	_ =	swait.ge [sflag:s13], $0x6400  }
0x38: {  	[sflag:s13] =	ssyncset.done $0x0  }
0x39: {  	[sflag:s13] =	ssyncadd.s32 $0xFFFF9C00  }
0x3a: {  	_ =	swait.ge [sflag:s21], $0x6400  }
0x3b: {  	[sflag:s21] =	ssyncset.done $0x0  }
0x3c: {  	[sflag:s21] =	ssyncadd.s32 $0xFFFF9C00  }
0x3d: {  	[spmem:s1] =	stream.indirect.scatter.add.f32 [tilespmem:s19], [sflag:$0x3], $0x10, s18, s16, $0xb8;
	[tilespmem:$0x1A900] =	vst v63  }
0x3e: {  	_ =	swait.ge [sflag:s13], $0x6400  }
0x3f: {  	s25 =	simm.s32 $0x320;
	s23 =	simm.s32 $0x190;
	[sflag:s13] =	ssyncset.done $0x0  }
.LBB2_4:
0x40: {  	s26 =	sadd.s32 s23, s12  }
0x41: {  	[sflag:s13] =	ssyncadd.s32 $0xFFFF9C00;
	s28 =	smov.u32 s25;
	s24 =	sadd.s32 $0x190, s25  }
0x42: {  	[tilespmem:s14], [sflag:$0x3] =	stream.linear.gather [hbm4b:s26+s3], $0x640, $0x38;
	[tilespmem:$0x1A900] =	vst v63  }
0x43: {  	p0 =	sne.s32 s25, $0x1770;
	_ =	swait.ge [sflag:s13], $0x640  }
0x44: {  	[sflag:s13] =	ssyncset.done $0x0  }
0x45: {  	s25 =	sadd.s32 s23, s10;
	[sflag:s13] =	ssyncadd.s32 $0xFFFFF9C0  }
0x46: {  	[tilespmem:s15], [sflag:$0x3] =	stream.linear.gather [hbm4b:s25+s3], $0x640, $0x38;
	[tilespmem:$0x1A900] =	vst v63  }
0x47: {  	_ =	swait.ge [sflag:s13], $0x640  }
0x48: {  	[sflag:s13] =	ssyncset.done $0x0  }
0x49: {  	[sflag:s13] =	ssyncadd.s32 $0xFFFFF9C0  }
0x4a: {  	[tilespmem:s3], [sflag:$0x1] =	stream.indirect.gather [hbm4b:s4+s16], $0x10, s14, s16, $0xb8;
	[tilespmem:$0x1A900] =	vst v63  }
0x4b: {  	s26 =	sadd.s32 s23, s11;
	s23 =	smov.u32 s28  }
0x4c: {  	[tilespmem:s17], [sflag:$0x3] =	stream.linear.gather [hbm4b:s26+s3], $0x640, $0x38;
	[tilespmem:$0x1A900] =	vst v63  }
0x4d: {  	_ =	swait.ge [sflag:s13], $0x640  }
0x4e: {  	[sflag:s13] =	ssyncset.done $0x0  }
0x4f: {  	s25 =	sadd.s32 $0xC8, s25;
	[sflag:s13] =	ssyncadd.s32 $0xFFFFF9C0  }
0x50: {  	[tilespmem:s18], [sflag:$0x3] =	stream.linear.gather [hbm4b:s25+s3], $0x640, $0x38;
	[tilespmem:$0x1A900] =	vst v63  }
0x51: {  	_ =	swait.ge [sflag:s13], $0x640  }
0x52: {  	[sflag:s13] =	ssyncset.done $0x0  }
0x53: {  	[sflag:s13] =	ssyncadd.s32 $0xFFFFF9C0  }
0x54: {  	[tilespmem:s19], [sflag:$0x2] =	stream.indirect.gather [hbm4b:s4+s16], $0x10, s17, s16, $0xb8;
	[tilespmem:$0x1A900] =	vst v63  }
0x55: {  	_ =	swait.ge [sflag:s20], $0x6400  }
0x56: {  	[sflag:s20] =	ssyncset.done $0x0  }
0x57: {  	[sflag:s20] =	ssyncadd.s32 $0xFFFF9C00  }
0x58: {  	[spmem:s1] =	stream.indirect.scatter.add.f32 [tilespmem:s3], [sflag:$0x3], $0x10, s15, s16, $0xb8;
	[tilespmem:$0x1A900] =	vst v63  }
0x59: {  	_ =	swait.ge [sflag:s13], $0x6400  }
0x5a: {  	[sflag:s13] =	ssyncset.done $0x0  }
0x5b: {  	[sflag:s13] =	ssyncadd.s32 $0xFFFF9C00  }
0x5c: {  	_ =	swait.ge [sflag:s21], $0x6400  }
.Ltmp1:
0x5d: {  	[sflag:s21] =	ssyncset.done $0x0;
	(pc) =	sbr.rel @p0 .LBB2_4-.Ltmp1, $4  }
0x5e: {  	[sflag:s21] =	ssyncadd.s32 $0xFFFF9C00  }
0x5f: {  	[spmem:s1] =	stream.indirect.scatter.add.f32 [tilespmem:s19], [sflag:$0x3], $0x10, s18, s16, $0xb8;
	[tilespmem:$0x1A900] =	vst v63  }
0x60: {  	_ =	swait.ge [sflag:s13], $0x6400  }
0x61: {  	s25 =	smov.u32 s24;
	[sflag:s13] =	ssyncset.done $0x0  }
0x62: {  	s24 =	sadd.s32 s23, s12;
	[sflag:s13] =	ssyncadd.s32 $0xFFFF9C00  }
0x63: {  	[tilespmem:s14], [sflag:$0x3] =	stream.linear.gather [hbm4b:s24+s3], $0x640, $0x38;
	[tilespmem:$0x1A900] =	vst v63  }
0x64: {  	_ =	swait.ge [sflag:s13], $0x640  }
0x65: {  	[sflag:s13] =	ssyncset.done $0x0  }
0x66: {  	s29 =	sadd.s32 s23, s10;
	[sflag:s13] =	ssyncadd.s32 $0xFFFFF9C0  }
0x67: {  	[tilespmem:s15], [sflag:$0x3] =	stream.linear.gather [hbm4b:s29+s3], $0x640, $0x38;
	[tilespmem:$0x1A900] =	vst v63  }
0x68: {  	_ =	swait.ge [sflag:s13], $0x640  }
0x69: {  	[sflag:s13] =	ssyncset.done $0x0  }
0x6a: {  	[sflag:s13] =	ssyncadd.s32 $0xFFFFF9C0  }
0x6b: {  	[tilespmem:s3], [sflag:$0x1] =	stream.indirect.gather [hbm4b:s4+s16], $0x10, s14, s16, $0xb8;
	[tilespmem:$0x1A900] =	vst v63  }
0x6c: {  	s30 =	sadd.s32 s23, s11  }
0x6d: {  	[tilespmem:s17], [sflag:$0x3] =	stream.linear.gather [hbm4b:s30+s3], $0x640, $0x38;
	[tilespmem:$0x1A900] =	vst v63  }
0x6e: {  	_ =	swait.ge [sflag:s13], $0x640  }
0x6f: {  	[sflag:s13] =	ssyncset.done $0x0  }
0x70: {  	s31 =	sadd.s32 $0xC8, s29;
	[sflag:s13] =	ssyncadd.s32 $0xFFFFF9C0  }
0x71: {  	[tilespmem:s18], [sflag:$0x3] =	stream.linear.gather [hbm4b:s31+s3], $0x640, $0x38;
	[tilespmem:$0x1A900] =	vst v63  }
0x72: {  	_ =	swait.ge [sflag:s13], $0x640  }
0x73: {  	[sflag:s13] =	ssyncset.done $0x0  }
0x74: {  	[sflag:s13] =	ssyncadd.s32 $0xFFFFF9C0  }
0x75: {  	[tilespmem:s19], [sflag:$0x2] =	stream.indirect.gather [hbm4b:s4+s16], $0x10, s17, s16, $0xb8;
	[tilespmem:$0x1A900] =	vst v63  }
0x76: {  	_ =	swait.ge [sflag:s20], $0x6400  }
0x77: {  	[sflag:s20] =	ssyncset.done $0x0  }
0x78: {  	[sflag:s20] =	ssyncadd.s32 $0xFFFF9C00  }
0x79: {  	[spmem:s1] =	stream.indirect.scatter.add.f32 [tilespmem:s3], [sflag:$0x3], $0x10, s15, s16, $0xb8;
	[tilespmem:$0x1A900] =	vst v63  }
0x7a: {  	_ =	swait.ge [sflag:s13], $0x6400  }
0x7b: {  	[sflag:s13] =	ssyncset.done $0x0  }
0x7c: {  	[sflag:s13] =	ssyncadd.s32 $0xFFFF9C00  }
0x7d: {  	_ =	swait.ge [sflag:s21], $0x6400  }
0x7e: {  	[sflag:s21] =	ssyncset.done $0x0  }
0x7f: {  	[sflag:s21] =	ssyncadd.s32 $0xFFFF9C00  }
0x80: {  	[spmem:s1] =	stream.indirect.scatter.add.f32 [tilespmem:s19], [sflag:$0x3], $0x10, s18, s16, $0xb8;
	[tilespmem:$0x1A900] =	vst v63  }
0x81: {  	_ =	swait.ge [sflag:s13], $0x6400  }
0x82: {  	[sflag:s13] =	ssyncset.done $0x0  }
0x83: {  	[sflag:s13] =	ssyncadd.s32 $0xFFFF9C00  }
0x84: {  	[bflag:$0x0] =	sbarrier.arrive $0xFFFF  }
0x85: {  	[tilespmem:s3], [sflag:$0x3] =	stream.linear.gather [spmem:s5], $0x6400, $0x38;
	[tilespmem:$0x1A900] =	vst v63  }
0x86: {  	_ =	swait.ge [sflag:s13], $0x6400  }
0x87: {  	[sflag:s13] =	ssyncset.done $0x0  }
0x88: {  	[sflag:s13] =	ssyncadd.s32 $0xFFFF9C00  }
0x89: {  	[hbm4b:s7+s3] =	stream.linear.scatter [tilespmem:s3], [sflag:$0x3], $0x6400, $0x38;
	[tilespmem:$0x1A900] =	vst v63  }
0x8a: {  	_ =	swait.ge [sflag:s13], $0x6400  }
0x8b: {  	[sflag:s13] =	ssyncset.done $0x0  }
0x8c: {  	[sflag:s13] =	ssyncadd.s32 $0xFFFF9C00  }
0x8d: {  	[tilespmem:s3], [sflag:$0x3] =	stream.linear.gather [spmem:s6], $0x6400, $0x38;
	[tilespmem:$0x1A900] =	vst v63  }
0x8e: {  	s22 =	sadd.s32 $0x1, s22;
	_ =	swait.ge [sflag:s13], $0x6400  }
0x8f: {  	p0 =	sne.s32 s22, s9;
	[sflag:s13] =	ssyncset.done $0x0  }
.Ltmp2:
0x90: {  	[sflag:s13] =	ssyncadd.s32 $0xFFFF9C00;
	(pc) =	sbr.rel @p0 .LBB2_1-.Ltmp2, $4  }
0x91: {  	[hbm4b:s8+s3] =	stream.linear.scatter [tilespmem:s3], [sflag:$0x3], $0x6400, $0x38;
	[tilespmem:$0x1A900] =	vst v63  }
0x92: {  	_ =	swait.ge [sflag:s13], $0x6400  }
0x93: {  	[sflag:s13] =	ssyncset.done $0x0  }
0x94: {  	[sflag:s13] =	ssyncadd.s32 $0xFFFF9C00  }
0x95: {  	_ =	sfence.sel $0x180000  }
0x96: {  	[bflag:$0x0] =	sbarrier.arrive $0xFFFF  }
0x97: {  	p0 =	sne.s32 s2, $0x0;
	_ =	strace $0x9000004D  }
0x98: {  	s0 =	sadd.s32 @!p0 $0x100000, s0;
	[bflag:$0x2] =	sbarrier.arrive $0xFFFF  }
0x99: {  	[sflag:s0] =	ssyncadd.tile.s32 @!p0 $0x1;
	_ =	shalt  }
.Lfunc_end2:
_tile_overlayer_lowered:
.L_overlay_start_2:
0x9a: {  	(tag) =	ssettag $0x2  }
0x9b: {  	s0 =	rddreg [dreg:$0x0];
	s2 =	stileid.u32  }
0x9c: {  	s1 =	rddreg [dreg:$0x1];
	p0 =	sne.s32 s2, $0x0  }
0x9d: {  	s3 =	rddreg [dreg:$0x2];
	[bflag:$0x3] =	sbarrier.arrive $0xFFFF;
	s2 =	simm.s32 @!p0 $0x1C03  }
0x9e: {  	[timem:s3], [sflag:s2] =	dma.local @!p0 [hbm:s0], s1  }
0x9f: {  	s0 =	simm.s32 @!p0 $0x3  }
0xa0: {  	_ =	swait.ge @!p0 [sflag:s0], s1  }
0xa1: {  	s1 =	ssub.s32 @!p0 $0x0, s1;
	[sflag:s0] =	ssyncset.done @!p0 $0x0  }
0xa2: {  	[sflag:s0] =	ssyncadd.s32 @!p0 s1  }
0xa3: {  	[bflag:$0x3] =	sbarrier.arrive $0xFFFF  }
0xa4: {  	_ =	shalt  }

// kernel: kernel.18.cloned.1.call-start
scs
__scs_entry_jumppad:
0x0: {  	(pc) =	sbr.rel $0x88, $3  }
0x1: {  	(tag) =	ssettag $0x0;
	lr =	simm.s32 $0x1  }
0x2: {  	[smem:$0x3F94] =	sst lr;
	_ =	strace $0xD0000000  }
0x3: {  	_ = 	snop  }
0x4: {  	_ = 	snop  }
0x5: {  	_ = 	snop  }
0x6: {  	_ = 	snop  }
0x7: {  	_ = 	snop  }
__scs_overlays_trampoline_lowered:
0x8: {  	[smem:$0x3FA3] =	sst s0  }
0x9: {  	[smem:$0x3FA4] =	sst s1  }
0xa: {  	[smem:$0x3FA5] =	sst s2  }
0xb: {  	[smem:$0x3FA6] =	sst s3  }
0xc: {  	[smem:$0x3FA7] =	sst s4  }
0xd: {  	[smem:$0x3FA8] =	sst s5  }
0xe: {  	[smem:$0x3FA9] =	sst s6  }
0xf: {  	[smem:$0x3FAA] =	sst s7  }
0x10: {  	[smem:$0x3FAB] =	sst s8  }
0x11: {  	[smem:$0x3FAC] =	sst s9;
	s0 =	simm.s32 @!p0 $0x0  }
0x12: {  	s1 =	sld [smem:$0x3F92];
	s0 =	simm.s32 @p0 $0x1  }
0x13: {  	[smem:$0x3FAD] =	sst s0;
	s0 =	simm.s32 @!p1 $0x0  }
0x14: {  	s2 =	sld [smem:$0x3F91];
	s0 =	simm.s32 @p1 $0x1  }
0x15: {  	[smem:$0x3FAE] =	sst s0;
	s0 =	simm.s32 @!p2 $0x0  }
0x16: {  	s3 =	sld [smem:$0x3FDB];
	s0 =	simm.s32 @p2 $0x1  }
0x17: {  	s4 =	simm.s32 $0x1BF5;
	[smem:$0x3FB0] =	sst s0  }
0x18: {  	s0 =	sld [smem:$0x3F93];
	_ =	swait.ge [sflag:s4], $0x0  }
0x19: {  	s7 =	sld [smem:$0x3F94]  }
0x1a: {  	s8 =	sadd.s32 $0xFFFFE003, lr  }
0x1b: {  	s9 =	sadd.s32 $0xFFFFFEF7, lr;
	s5 =	simm.s32 $0xFFFFFFFF;
	p2 =	slt.u32 s8, $0xFFFFF086  }
0x1c: {  	p1 =	slt.u32 s9, $0xF7A;
	s5 =	simm.s32 @!p2 $0x0  }
0x1d: {  	s5 =	simm.s32 @p1 $0x1;
	p0 =	seq.s32 s7, s2  }
0x1e: {  	s7 =	smul.u32 @!p0 $0xF7A, s2;
	p2 =	seq.s32 @!p0 s5, $0x0  }
0x1f: {  	s9 =	smul.u32 $0xF7A, s1;
	s8 =	simm.s32 @!p0 $0x1BF5;
	p2 =	por !p2, p0  }
0x20: {  	[sflag:s8] =	ssyncset.s32 @!p0 $0xFFFFF086;
	s6 =	sadd.s32 @!p0 s3, s7;
	s7 =	simm.s32 @!p0 $0x108  }
0x21: {  	s3 =	sadd.s32 s3, s9;
	s6 =	sadd.s32 @!p0 $0x88, s6;
	s7 =	simm.s32 @p2 $0x1082  }
0x22: {  	[simem:s7], [sflag:s8] =	dma.local @!p0 [hbm:s6], $0xF7A  }
0x23: {  	s9 =	sor.u32 $0xD0000000, s2;
	s6 =	simm.s32 $0x108;
	_ =	swait.ge @!p0 [sflag:s8], $0x0  }
0x24: {  	s3 =	sadd.s32 $0x88, s3;
	s6 =	simm.s32 @!p1 $0x1082;
	[sflag:s4] =	ssyncset.s32 $0xFFFFF086  }
0x25: {  	[simem:s6], [sflag:s4] =	dma.local [hbm:s3], $0xF7A  }
0x26: {  	[smem:$0x3F94] =	sst s1;
	(tag) =	ssettag s2;
	_ =	strace s9  }
0x27: {  	s1 =	sld [smem:$0x3FA4]  }
0x28: {  	s2 =	sld [smem:$0x3FA5]  }
0x29: {  	s4 =	sld [smem:$0x3FA7]  }
0x2a: {  	p0 =	seq.s32 s5, $0x0;
	s5 =	sld [smem:$0x3FA8]  }
0x2b: {  	s6 =	sld [smem:$0x3FA9]  }
0x2c: {  	s7 =	sld [smem:$0x3FAA]  }
0x2d: {  	s3 =	simm.s32 $0x108;
	s8 =	sld [smem:$0x3FAB]  }
0x2e: {  	s3 =	simm.s32 @!p0 $0x1082;
	s9 =	sld [smem:$0x3FAC]  }
0x2f: {  	lr =	sadd.s32 s0, s3;
	s0 =	sld [smem:$0x3FA3]  }
0x30: {  	s3 =	sld [smem:$0x3FA6]  }
0x31: {  	[smem:$0x3FAF] =	sst s10  }
0x32: {  	s10 =	sld [smem:$0x3FAD];
	_ =	sdelay $0x3  }
0x33: {  	p0 =	seq.s32 s10, $0x1;
	s10 =	sld [smem:$0x3FAF];
	_ =	sdelay $0x3  }
0x34: {  	[smem:$0x3FAF] =	sst s10  }
0x35: {  	s10 =	sld [smem:$0x3FAE];
	_ =	sdelay $0x3  }
0x36: {  	p1 =	seq.s32 s10, $0x1;
	s10 =	sld [smem:$0x3FAF];
	_ =	sdelay $0x3  }
0x37: {  	[smem:$0x3FAF] =	sst s10  }
0x38: {  	s10 =	sld [smem:$0x3FB0]  }
0x39: {  	_ = 	snop;
	(pc) =	sbr.ind lr, $3  }
0x3a: {  	_ = 	snop  }
0x3b: {  	_ = 	snop  }
0x3c: {  	p2 =	seq.s32 s10, $0x1;
	s10 =	sld [smem:$0x3FAF]  }
0x3d: {  	_ =	shalt  }
0x3e: {  	_ =	shalt  }
0x3f: {  	_ =	shalt  }
0x40: {  	_ =	shalt  }
0x41: {  	_ =	shalt  }
0x42: {  	_ =	shalt  }
0x43: {  	_ =	shalt  }
0x44: {  	_ =	shalt  }
0x45: {  	_ =	shalt  }
0x46: {  	_ =	shalt  }
0x47: {  	_ =	shalt  }
0x48: {  	_ =	shalt  }
0x49: {  	_ =	shalt  }
0x4a: {  	_ =	shalt  }
0x4b: {  	_ =	shalt  }
0x4c: {  	_ =	shalt  }
0x4d: {  	_ =	shalt  }
0x4e: {  	_ =	shalt  }
0x4f: {  	_ =	shalt  }
0x50: {  	_ =	shalt  }
0x51: {  	_ =	shalt  }
0x52: {  	_ =	shalt  }
0x53: {  	_ =	shalt  }
0x54: {  	_ =	shalt  }
0x55: {  	_ =	shalt  }
0x56: {  	_ =	shalt  }
0x57: {  	_ =	shalt  }
0x58: {  	_ =	shalt  }
0x59: {  	_ =	shalt  }
0x5a: {  	_ =	shalt  }
0x5b: {  	_ =	shalt  }
0x5c: {  	_ =	shalt  }
0x5d: {  	_ =	shalt  }
0x5e: {  	_ =	shalt  }
0x5f: {  	_ =	shalt  }
0x60: {  	_ =	shalt  }
0x61: {  	_ =	shalt  }
0x62: {  	_ =	shalt  }
0x63: {  	_ =	shalt  }
0x64: {  	_ =	shalt  }
0x65: {  	_ =	shalt  }
0x66: {  	_ =	shalt  }
0x67: {  	_ =	shalt  }
0x68: {  	_ =	shalt  }
0x69: {  	_ =	shalt  }
0x6a: {  	_ =	shalt  }
0x6b: {  	_ =	shalt  }
0x6c: {  	_ =	shalt  }
0x6d: {  	_ =	shalt  }
0x6e: {  	_ =	shalt  }
0x6f: {  	_ =	shalt  }
0x70: {  	_ =	shalt  }
0x71: {  	_ =	shalt  }
0x72: {  	_ =	shalt  }
0x73: {  	_ =	shalt  }
0x74: {  	_ =	shalt  }
0x75: {  	_ =	shalt  }
0x76: {  	_ =	shalt  }
0x77: {  	_ =	shalt  }
0x78: {  	_ =	shalt  }
0x79: {  	_ =	shalt  }
0x7a: {  	_ =	shalt  }
0x7b: {  	_ =	shalt  }
0x7c: {  	_ =	shalt  }
0x7d: {  	_ =	shalt  }
0x7e: {  	_ =	shalt  }
0x7f: {  	_ =	shalt  }
0x80: {  	_ =	shalt  }
0x81: {  	_ =	shalt  }
0x82: {  	_ =	shalt  }
0x83: {  	_ =	shalt  }
0x84: {  	_ =	shalt  }
0x85: {  	_ =	shalt  }
0x86: {  	_ =	shalt  }
0x87: {  	_ =	shalt  }
.Lfunc_end0:
.L_simem_size_0:
called_computation.3_lowered:
.L_overlay_start_0:
0x88: {  	s2 =	sld [smem:$0x3FD9]  }
0x89: {  	s3 =	sld [smem:$0x3FFE];
	_ =	sdelay $0x1  }
0x8a: {  	s1 =	srdreg.scid  }
0x8b: {  	s0 =	sand.u32 $0x1, s1  }
0x8c: {  	s17 =	sshll.u32 s0, $0xA;
	s2 =	sadd.s32 s3, s2  }
0x8d: {  	s2 =	sadd.s32 s2, s17  }
0x8e: {  	[smem:$0x3FBB] =	sst s2  }
0x8f: {  	_ = 	snop  }
0x90: {  	(tm) =	ssettm $0x1  }
0x91: {  	s18 =	sld [smem:$0x3FFB];
	_ =	sdelay $0x3  }
0x92: {  	_ =	strace s18  }
0x93: {  	s2 =	sld [smem:$0x3FFC];
	_ =	sdelay $0x3  }
0x94: {  	_ =	strace s2  }
0x95: {  	s2 =	sld [smem:$0x3FFD];
	_ =	sdelay $0x3  }
0x96: {  	_ =	strace s2  }
0x97: {  	_ =	strace $0x8FFFFFFF  }
0x98: {  	s19 =	sld [smem:$0x3FDB];
	_ =	sdelay $0x1  }
0x99: {  	s20 =	simm.s32 $_scs_section_size  }
0x9a: {  	s4 =	simm.s32 $_size__tile_overlayer_lowered;
	s5 =	simm.s32 $_tile_overlayer_lowered  }
0x9b: {  	s6 =	simm.s32 $0x1BFF;
	s21 =	sshll.u32 s5, $0x1;
	s3 =	sadd.s32 s20, s19  }
0x9c: {  	s22 =	simm.s32 $0x0;
	s4 =	sshll.u32 s4, $0x1;
	s5 =	sadd.s32 s21, s3  }
0x9d: {  	[timem:s22], [sflag:s6] =	dma.local [hbm:s5], s4  }
0x9e: {  	_ =	swait.ge [sflag:s6], s4  }
0x9f: {  	s4 =	ssub.s32 $0x0, s4;
	[sflag:s6] =	ssyncset.done $0x0  }
0xa0: {  	[sflag:s6] =	ssyncadd.s32 s4;
	_ =	sdelay $0x1  }
0xa1: {  	s23 =	simm.s32 $0x1B8B  }
0xa2: {  	_ =	swait.ge [sflag:s23], $0x1  }
0xa3: {  	[sflag:s23] =	ssyncset.done $0x0  }
0xa4: {  	[sflag:s23] =	ssyncadd.s32 $0xFFFFFFFF  }
0xa5: {  	s4 =	sld [smem:$0x0]  }
0xa6: {  	s5 =	sand.u32 $0xFFFFFFFE, s1  }
0xa7: {  	p0 =	sne.s32 s1, s5  }
0xa8: {  	s5 =	sshll.u32 @p0 s5, $0xE  }
0xa9: {  	s5 =	sadd.s32 @p0 $0x11B8D, s5;
	s6 =	sshll.u32 @p0 s4, $0x11  }
0xaa: {  	s5 =	sor.u32 @p0 s6, s5  }
0xab: {  	[sflag:s5] =	ssyncadd.remote.s32 @p0 $0x1;
	_ =	sdelay $0x1  }
0xac: {  	s5 =	simm.s32 @p0 $0x1B8D  }
0xad: {  	_ =	swait.eq @p0 [sflag:s5], $0x1  }
0xae: {  	[sflag:s5] =	ssyncadd.s32 @p0 $0xFFFFFFFF  }
0xaf: {  	s6 =	sshll.u32 @!p0 s1, $0xE  }
0xb0: {  	s6 =	sor.u32 @!p0 $0x4000, s6;
	s5 =	simm.s32 @!p0 $0x1B8D  }
0xb1: {  	s4 =	sshll.u32 @!p0 s4, $0x11;
	s6 =	sadd.s32 @!p0 $0x11B8D, s6;
	_ =	swait.eq @!p0 [sflag:s5], $0x1  }
0xb2: {  	s4 =	sor.u32 @!p0 s4, s6;
	[sflag:s5] =	ssyncadd.s32 @!p0 $0xFFFFFFFF  }
0xb3: {  	s25 =	simm.s32 $0x1B8E;
	s24 =	sld [smem:$0x3FFE];
	[sflag:s4] =	ssyncadd.remote.s32 @!p0 $0x1  }
0xb4: {  	s26 =	simm.s32 $execute0_lowered;
	[smem:$0x3FD2] =	sst s25  }
0xb5: {  	s5 =	sshll.u32 s26, $0x1;
	_ =	strace $0x8000004F;
	[dreg:$0x1] =	wrdreg $0xFFFFFFFF  }
0xb6: {  	s28 =	simm.s32 $_size_execute0_lowered;
	s3 =	sadd.s32 s3, s5;
	[dreg:$0x0] =	wrdreg $0x0  }
0xb7: {  	s5 =	sshll.u32 s28, $0x1;
	[dreg:$0x2] =	wrdreg s3  }
0xb8: {  	[dreg:$0x3] =	wrdreg s5  }
0xb9: {  	[dreg:$0x4] =	wrdreg $0xC0  }
0xba: {  	_ =	task [dreg:s22], $0x5FFFF  }
0xbb: {  	[dreg:$0x1] =	wrdreg $0xFFFFFFFF  }
0xbc: {  	[dreg:$0x0] =	wrdreg $0x60  }
0xbd: {  	[dreg:$0x2] =	wrdreg s24  }
0xbe: {  	[dreg:$0x3] =	wrdreg $0xE1000  }
0xbf: {  	[dreg:$0x4] =	wrdreg $0xA  }
0xc0: {  	_ =	task.clear_ibuf [dreg:s22], $0x5FFFF;
	_ =	strace $0x9000004F  }
0xc1: {  	s29 =	simm.s32 $0xA;
	_ =	strace $0x80000051  }
0xc2: {  	_ =	swait.ge [sflag:s29], $0x1  }
0xc3: {  	[sflag:s29] =	ssyncadd.s32 $0xFFFFFFFF  }
0xc4: {  	_ =	strace $0x90000051  }
0xc5: {  	_ =	sfence  }
0xc6: {  	s30 =	sld [smem:$0x0];
	_ =	sdelay $0x2  }
0xc7: {  	s31 =	sshll.u32 s1, $0xD;
	s1 =	sshrl.u32 s1, $0x2  }
0xc8: {  	s4 =	sand.u32 $0x4000, s31;
	s1 =	sadd.s32 s1, s30  }
0xc9: {  	s0 =	sor.u32 s4, s0;
	s1 =	sshll.u32 s1, $0x11  }
0xca: {  	s0 =	sor.u32 s1, s0  }
0xcb: {  	s0 =	sadd.s32 $0x8F2B, s0  }
0xcc: {  	[sflag:s0] =	ssyncadd.remote.s32 $0x1  }
0xcd: {  	_ =	sfence.sel $0xFFFF  }
0xce: {  	[dreg:$0x0] =	wrdreg $0xFFFFFFFF;
	(pc) =	sbr.abs _section_cstart, $3  }
0xcf: {  	[dreg:$0x1] =	wrdreg $0xFFFFFFFF  }
0xd0: {  	_ =	task.clear_ibuf [dreg:s22], $0x2FFFF;
	_ =	strace $0x9FFFFFFF  }
0xd1: {  	(tm) =	ssettm $0x7FFFFFFF  }
tec
execute0_lowered:
.L_overlay_start_1:
0x0: {  	(tag) =	ssettag $0x1  }
0x1: {  	s5 =	rddreg [dreg:$0x0]  }
0x2: {  	s1 =	rddreg [dreg:$0x1]  }
0x3: {  	s0 =	rddreg [dreg:$0x2];
	s3 =	simm.s32 $0x0;
	s2 =	stileid.u32  }
0x4: {  	s6 =	srdreg.scid;
	s15 =	simm.s32 $0xD480;
	s16 =	simm.s32 $0x640  }
0x5: {  	s17 =	simm.s32 $0xCE40;
	s18 =	simm.s32 $0xDAC0;
	s19 =	simm.s32 $0x6400  }
0x6: {  	s20 =	simm.s32 $0x1;
	s21 =	simm.s32 $0x2;
	s22 =	simm.s32 $0x0  }
0x7: {  	[smem:$0x7FF] =	sst s3;
	s4 =	sadd.s32 $0x46B800, s5;
	s7 =	smul.u32 $0x1900, s2  }
0x8: {  	s6 =	sand.u32 $0x1, s6;
	s12 =	sadd.s32 $0x1C600, s5;
	s9 =	smul.u32 $0xC800, s2  }
0x9: {  	s11 =	sadd.s32 $0xB5800, s5;
	_ =	strace $0x80000050;
	s8 =	ssub.s32 $0x2, s6  }
0xa: {  	s6 =	smul.u32 $0xC8000, s6;
	s10 =	sadd.s32 s7, s5;
	s28 =	sshrl.u32 s8, $0x1  }
0xb: {  	s29 =	sadd.s32 $0x6400, s9;
	s5 =	sadd.s32 s9, s1;
	s13 =	ssub.s32 s8, s28  }
0xc: {  	s9 =	sadd.s32 s9, s6;
	s30 =	sadd.s32 s6, s29;
	s6 =	sadd.s32 s29, s1  }
0xd: {  	s10 =	sadd.s32 $0x3600, s10;
	s14 =	sshrl.u32 s9, $0x3;
	s8 =	sshrl.u32 s30, $0x3  }
0xe: {  	s31 =	sor.u32 $0x640, s9;
	s9 =	smax.u32 s13, $0x1;
	s13 =	simm.s32 $0x3  }
0xf: {  	s7 =	sadd.s32 s11, s14;
	s8 =	sadd.s32 s11, s8;
	s11 =	sshrl.u32 s31, $0x3  }
0x10: {  	v0 =	vimm.f32 $0.0e+00;
	s11 =	sadd.s32 s11, s12;
	s12 =	sadd.s32 s14, s12;
	s14 =	simm.s32 $0xC800  }
.LBB2_1:
0x11: {  	s23 =	simm.s32 $0x40;
	s24 =	simm.s32 $0x0  }
.LBB2_2:
0x12: {  	p0 =	sne.s32 s23, $0x18FC0;
	[tilespmem:s24+$0x0] =	vst v0;
	s24 =	smov.u32 s23;
	s23 =	sadd.s32 $0x40, s23  }
.Ltmp0:
0x13: {  	(pc) =	sbr.rel @p0 .LBB2_2-.Ltmp0, $2  }
0x14: {  	_ =	sdelay $0x2  }
0x15: {  	s24 =	sshra.s32 s24, $0x2  }
0x16: {  	[tilespmem:s24+$0x0] =	vst v0;
	s23 =	simm.s32 $0x0  }
0x17: {  	[spmem:s5] =	stream.linear.scatter [tilespmem:s23], [sflag:$0x3], $0x6400, $0x38;
	[tilespmem:$0x1A900] =	vst v63  }
0x18: {  	_ =	swait.ge [sflag:s13], $0x6400  }
0x19: {  	[sflag:s13] =	ssyncset.done $0x0  }
0x1a: {  	[sflag:s13] =	ssyncadd.s32 $0xFFFF9C00  }
0x1b: {  	[spmem:s6] =	stream.linear.scatter [tilespmem:s23], [sflag:$0x3], $0x6400, $0x38;
	[tilespmem:$0x1A900] =	vst v63  }
0x1c: {  	_ =	swait.ge [sflag:s13], $0x6400  }
0x1d: {  	[sflag:s13] =	ssyncset.done $0x0  }
0x1e: {  	[sflag:s13] =	ssyncadd.s32 $0xFFFF9C00  }
0x1f: {  	s29 =	sadd.s32 $0x0, s12;
	[bflag:$0x0] =	sbarrier.arrive $0xFFFF  }
0x20: {  	[tilespmem:s14], [sflag:$0x3] =	stream.linear.gather [hbm4b:s29+s3], $0x640, $0x38;
	[tilespmem:$0x1A900] =	vst v63  }
0x21: {  	_ =	swait.ge [sflag:s13], $0x640  }
0x22: {  	[sflag:s13] =	ssyncset.done $0x0  }
0x23: {  	s30 =	sadd.s32 $0x0, s10;
	[sflag:s13] =	ssyncadd.s32 $0xFFFFF9C0  }
0x24: {  	[tilespmem:s15], [sflag:$0x3] =	stream.linear.gather [hbm4b:s30+s3], $0x640, $0x38;
	[tilespmem:$0x1A900] =	vst v63  }
0x25: {  	_ =	swait.ge [sflag:s13], $0x640  }
0x26: {  	[sflag:s13] =	ssyncset.done $0x0  }
0x27: {  	[sflag:s13] =	ssyncadd.s32 $0xFFFFF9C0  }
0x28: {  	[tilespmem:s3], [sflag:$0x1] =	stream.indirect.gather [hbm4b:s4+s16], $0x10, s14, s16, $0xb8;
	[tilespmem:$0x1A900] =	vst v63  }
0x29: {  	s31 =	sadd.s32 $0x0, s11  }
0x2a: {  	[tilespmem:s17], [sflag:$0x3] =	stream.linear.gather [hbm4b:s31+s3], $0x640, $0x38;
	[tilespmem:$0x1A900] =	vst v63  }
0x2b: {  	_ =	swait.ge [sflag:s13], $0x640  }
0x2c: {  	[sflag:s13] =	ssyncset.done $0x0  }
0x2d: {  	s23 =	sadd.s32 $0xC8, s30;
	[sflag:s13] =	ssyncadd.s32 $0xFFFFF9C0  }
0x2e: {  	[tilespmem:s18], [sflag:$0x3] =	stream.linear.gather [hbm4b:s23+s3], $0x640, $0x38;
	[tilespmem:$0x1A900] =	vst v63  }
0x2f: {  	_ =	swait.ge [sflag:s13], $0x640  }
0x30: {  	[sflag:s13] =	ssyncset.done $0x0  }
0x31: {  	[sflag:s13] =	ssyncadd.s32 $0xFFFFF9C0  }
0x32: {  	[tilespmem:s19], [sflag:$0x2] =	stream.indirect.gather [hbm4b:s4+s16], $0x10, s17, s16, $0xb8;
	[tilespmem:$0x1A900] =	vst v63  }
0x33: {  	_ =	swait.ge [sflag:s20], $0x6400  }
0x34: {  	[sflag:s20] =	ssyncset.done $0x0  }
0x35: {  	[sflag:s20] =	ssyncadd.s32 $0xFFFF9C00  }
0x36: {  	[spmem:s1] =	stream.indirect.scatter.add.f32 [tilespmem:s3], [sflag:$0x3], $0x10, s15, s16, $0xb8;
	[tilespmem:$0x1A900] =	vst v63  }
0x37: {  	_ =	swait.ge [sflag:s13], $0x6400  }
0x38: {  	[sflag:s13] =	ssyncset.done $0x0  }
0x39: {  	[sflag:s13] =	ssyncadd.s32 $0xFFFF9C00  }
0x3a: {  	_ =	swait.ge [sflag:s21], $0x6400  }
0x3b: {  	[sflag:s21] =	ssyncset.done $0x0  }
0x3c: {  	[sflag:s21] =	ssyncadd.s32 $0xFFFF9C00  }
0x3d: {  	[spmem:s1] =	stream.indirect.scatter.add.f32 [tilespmem:s19], [sflag:$0x3], $0x10, s18, s16, $0xb8;
	[tilespmem:$0x1A900] =	vst v63  }
0x3e: {  	_ =	swait.ge [sflag:s13], $0x6400  }
0x3f: {  	s25 =	simm.s32 $0x320;
	s23 =	simm.s32 $0x190;
	[sflag:s13] =	ssyncset.done $0x0  }
.LBB2_4:
0x40: {  	s26 =	sadd.s32 s23, s12  }
0x41: {  	[sflag:s13] =	ssyncadd.s32 $0xFFFF9C00;
	s28 =	smov.u32 s25;
	s24 =	sadd.s32 $0x190, s25  }
0x42: {  	[tilespmem:s14], [sflag:$0x3] =	stream.linear.gather [hbm4b:s26+s3], $0x640, $0x38;
	[tilespmem:$0x1A900] =	vst v63  }
0x43: {  	p0 =	sne.s32 s25, $0x1770;
	_ =	swait.ge [sflag:s13], $0x640  }
0x44: {  	[sflag:s13] =	ssyncset.done $0x0  }
0x45: {  	s25 =	sadd.s32 s23, s10;
	[sflag:s13] =	ssyncadd.s32 $0xFFFFF9C0  }
0x46: {  	[tilespmem:s15], [sflag:$0x3] =	stream.linear.gather [hbm4b:s25+s3], $0x640, $0x38;
	[tilespmem:$0x1A900] =	vst v63  }
0x47: {  	_ =	swait.ge [sflag:s13], $0x640  }
0x48: {  	[sflag:s13] =	ssyncset.done $0x0  }
0x49: {  	[sflag:s13] =	ssyncadd.s32 $0xFFFFF9C0  }
0x4a: {  	[tilespmem:s3], [sflag:$0x1] =	stream.indirect.gather [hbm4b:s4+s16], $0x10, s14, s16, $0xb8;
	[tilespmem:$0x1A900] =	vst v63  }
0x4b: {  	s26 =	sadd.s32 s23, s11;
	s23 =	smov.u32 s28  }
0x4c: {  	[tilespmem:s17], [sflag:$0x3] =	stream.linear.gather [hbm4b:s26+s3], $0x640, $0x38;
	[tilespmem:$0x1A900] =	vst v63  }
0x4d: {  	_ =	swait.ge [sflag:s13], $0x640  }
0x4e: {  	[sflag:s13] =	ssyncset.done $0x0  }
0x4f: {  	s25 =	sadd.s32 $0xC8, s25;
	[sflag:s13] =	ssyncadd.s32 $0xFFFFF9C0  }
0x50: {  	[tilespmem:s18], [sflag:$0x3] =	stream.linear.gather [hbm4b:s25+s3], $0x640, $0x38;
	[tilespmem:$0x1A900] =	vst v63  }
0x51: {  	_ =	swait.ge [sflag:s13], $0x640  }
0x52: {  	[sflag:s13] =	ssyncset.done $0x0  }
0x53: {  	[sflag:s13] =	ssyncadd.s32 $0xFFFFF9C0  }
0x54: {  	[tilespmem:s19], [sflag:$0x2] =	stream.indirect.gather [hbm4b:s4+s16], $0x10, s17, s16, $0xb8;
	[tilespmem:$0x1A900] =	vst v63  }
0x55: {  	_ =	swait.ge [sflag:s20], $0x6400  }
0x56: {  	[sflag:s20] =	ssyncset.done $0x0  }
0x57: {  	[sflag:s20] =	ssyncadd.s32 $0xFFFF9C00  }
0x58: {  	[spmem:s1] =	stream.indirect.scatter.add.f32 [tilespmem:s3], [sflag:$0x3], $0x10, s15, s16, $0xb8;
	[tilespmem:$0x1A900] =	vst v63  }
0x59: {  	_ =	swait.ge [sflag:s13], $0x6400  }
0x5a: {  	[sflag:s13] =	ssyncset.done $0x0  }
0x5b: {  	[sflag:s13] =	ssyncadd.s32 $0xFFFF9C00  }
0x5c: {  	_ =	swait.ge [sflag:s21], $0x6400  }
.Ltmp1:
0x5d: {  	[sflag:s21] =	ssyncset.done $0x0;
	(pc) =	sbr.rel @p0 .LBB2_4-.Ltmp1, $4  }
0x5e: {  	[sflag:s21] =	ssyncadd.s32 $0xFFFF9C00  }
0x5f: {  	[spmem:s1] =	stream.indirect.scatter.add.f32 [tilespmem:s19], [sflag:$0x3], $0x10, s18, s16, $0xb8;
	[tilespmem:$0x1A900] =	vst v63  }
0x60: {  	_ =	swait.ge [sflag:s13], $0x6400  }
0x61: {  	s25 =	smov.u32 s24;
	[sflag:s13] =	ssyncset.done $0x0  }
0x62: {  	s24 =	sadd.s32 s23, s12;
	[sflag:s13] =	ssyncadd.s32 $0xFFFF9C00  }
0x63: {  	[tilespmem:s14], [sflag:$0x3] =	stream.linear.gather [hbm4b:s24+s3], $0x640, $0x38;
	[tilespmem:$0x1A900] =	vst v63  }
0x64: {  	_ =	swait.ge [sflag:s13], $0x640  }
0x65: {  	[sflag:s13] =	ssyncset.done $0x0  }
0x66: {  	s29 =	sadd.s32 s23, s10;
	[sflag:s13] =	ssyncadd.s32 $0xFFFFF9C0  }
0x67: {  	[tilespmem:s15], [sflag:$0x3] =	stream.linear.gather [hbm4b:s29+s3], $0x640, $0x38;
	[tilespmem:$0x1A900] =	vst v63  }
0x68: {  	_ =	swait.ge [sflag:s13], $0x640  }
0x69: {  	[sflag:s13] =	ssyncset.done $0x0  }
0x6a: {  	[sflag:s13] =	ssyncadd.s32 $0xFFFFF9C0  }
0x6b: {  	[tilespmem:s3], [sflag:$0x1] =	stream.indirect.gather [hbm4b:s4+s16], $0x10, s14, s16, $0xb8;
	[tilespmem:$0x1A900] =	vst v63  }
0x6c: {  	s30 =	sadd.s32 s23, s11  }
0x6d: {  	[tilespmem:s17], [sflag:$0x3] =	stream.linear.gather [hbm4b:s30+s3], $0x640, $0x38;
	[tilespmem:$0x1A900] =	vst v63  }
0x6e: {  	_ =	swait.ge [sflag:s13], $0x640  }
0x6f: {  	[sflag:s13] =	ssyncset.done $0x0  }
0x70: {  	s31 =	sadd.s32 $0xC8, s29;
	[sflag:s13] =	ssyncadd.s32 $0xFFFFF9C0  }
0x71: {  	[tilespmem:s18], [sflag:$0x3] =	stream.linear.gather [hbm4b:s31+s3], $0x640, $0x38;
	[tilespmem:$0x1A900] =	vst v63  }
0x72: {  	_ =	swait.ge [sflag:s13], $0x640  }
0x73: {  	[sflag:s13] =	ssyncset.done $0x0  }
0x74: {  	[sflag:s13] =	ssyncadd.s32 $0xFFFFF9C0  }
0x75: {  	[tilespmem:s19], [sflag:$0x2] =	stream.indirect.gather [hbm4b:s4+s16], $0x10, s17, s16, $0xb8;
	[tilespmem:$0x1A900] =	vst v63  }
0x76: {  	_ =	swait.ge [sflag:s20], $0x6400  }
0x77: {  	[sflag:s20] =	ssyncset.done $0x0  }
0x78: {  	[sflag:s20] =	ssyncadd.s32 $0xFFFF9C00  }
0x79: {  	[spmem:s1] =	stream.indirect.scatter.add.f32 [tilespmem:s3], [sflag:$0x3], $0x10, s15, s16, $0xb8;
	[tilespmem:$0x1A900] =	vst v63  }
0x7a: {  	_ =	swait.ge [sflag:s13], $0x6400  }
0x7b: {  	[sflag:s13] =	ssyncset.done $0x0  }
0x7c: {  	[sflag:s13] =	ssyncadd.s32 $0xFFFF9C00  }
0x7d: {  	_ =	swait.ge [sflag:s21], $0x6400  }
0x7e: {  	[sflag:s21] =	ssyncset.done $0x0  }
0x7f: {  	[sflag:s21] =	ssyncadd.s32 $0xFFFF9C00  }
0x80: {  	[spmem:s1] =	stream.indirect.scatter.add.f32 [tilespmem:s19], [sflag:$0x3], $0x10, s18, s16, $0xb8;
	[tilespmem:$0x1A900] =	vst v63  }
0x81: {  	_ =	swait.ge [sflag:s13], $0x6400  }
0x82: {  	[sflag:s13] =	ssyncset.done $0x0  }
0x83: {  	[sflag:s13] =	ssyncadd.s32 $0xFFFF9C00  }
0x84: {  	[bflag:$0x0] =	sbarrier.arrive $0xFFFF  }
0x85: {  	[tilespmem:s3], [sflag:$0x3] =	stream.linear.gather [spmem:s5], $0x6400, $0x38;
	[tilespmem:$0x1A900] =	vst v63  }
0x86: {  	_ =	swait.ge [sflag:s13], $0x6400  }
0x87: {  	[sflag:s13] =	ssyncset.done $0x0  }
0x88: {  	[sflag:s13] =	ssyncadd.s32 $0xFFFF9C00  }
0x89: {  	[hbm4b:s7+s3] =	stream.linear.scatter [tilespmem:s3], [sflag:$0x3], $0x6400, $0x38;
	[tilespmem:$0x1A900] =	vst v63  }
0x8a: {  	_ =	swait.ge [sflag:s13], $0x6400  }
0x8b: {  	[sflag:s13] =	ssyncset.done $0x0  }
0x8c: {  	[sflag:s13] =	ssyncadd.s32 $0xFFFF9C00  }
0x8d: {  	[tilespmem:s3], [sflag:$0x3] =	stream.linear.gather [spmem:s6], $0x6400, $0x38;
	[tilespmem:$0x1A900] =	vst v63  }
0x8e: {  	s22 =	sadd.s32 $0x1, s22;
	_ =	swait.ge [sflag:s13], $0x6400  }
0x8f: {  	p0 =	sne.s32 s22, s9;
	[sflag:s13] =	ssyncset.done $0x0  }
.Ltmp2:
0x90: {  	[sflag:s13] =	ssyncadd.s32 $0xFFFF9C00;
	(pc) =	sbr.rel @p0 .LBB2_1-.Ltmp2, $4  }
0x91: {  	[hbm4b:s8+s3] =	stream.linear.scatter [tilespmem:s3], [sflag:$0x3], $0x6400, $0x38;
	[tilespmem:$0x1A900] =	vst v63  }
0x92: {  	_ =	swait.ge [sflag:s13], $0x6400  }
0x93: {  	[sflag:s13] =	ssyncset.done $0x0  }
0x94: {  	[sflag:s13] =	ssyncadd.s32 $0xFFFF9C00  }
0x95: {  	_ =	sfence.sel $0x180000  }
0x96: {  	[bflag:$0x0] =	sbarrier.arrive $0xFFFF  }
0x97: {  	p0 =	sne.s32 s2, $0x0;
	_ =	strace $0x90000050  }
0x98: {  	s0 =	sadd.s32 @!p0 $0x100000, s0;
	[bflag:$0x2] =	sbarrier.arrive $0xFFFF  }
0x99: {  	[sflag:s0] =	ssyncadd.tile.s32 @!p0 $0x1;
	_ =	shalt  }
.Lfunc_end2:
_tile_overlayer_lowered:
.L_overlay_start_2:
0x9a: {  	(tag) =	ssettag $0x2  }
0x9b: {  	s0 =	rddreg [dreg:$0x0];
	s2 =	stileid.u32  }
0x9c: {  	s1 =	rddreg [dreg:$0x1];
	p0 =	sne.s32 s2, $0x0  }
0x9d: {  	s3 =	rddreg [dreg:$0x2];
	[bflag:$0x3] =	sbarrier.arrive $0xFFFF;
	s2 =	simm.s32 @!p0 $0x1C03  }
0x9e: {  	[timem:s3], [sflag:s2] =	dma.local @!p0 [hbm:s0], s1  }
0x9f: {  	s0 =	simm.s32 @!p0 $0x3  }
0xa0: {  	_ =	swait.ge @!p0 [sflag:s0], s1  }
0xa1: {  	s1 =	ssub.s32 @!p0 $0x0, s1;
	[sflag:s0] =	ssyncset.done @!p0 $0x0  }
0xa2: {  	[sflag:s0] =	ssyncadd.s32 @!p0 s1  }
0xa3: {  	[bflag:$0x3] =	sbarrier.arrive $0xFFFF  }
0xa4: {  	_ =	shalt  }

// kernel: kernel.9.cloned.1.call-start
scs
__scs_entry_jumppad:
0x0: {  	(pc) =	sbr.rel $0x88, $3  }
0x1: {  	(tag) =	ssettag $0x0;
	lr =	simm.s32 $0x1  }
0x2: {  	[smem:$0x3F94] =	sst lr;
	_ =	strace $0xD0000000  }
0x3: {  	_ = 	snop  }
0x4: {  	_ = 	snop  }
0x5: {  	_ = 	snop  }
0x6: {  	_ = 	snop  }
0x7: {  	_ = 	snop  }
__scs_overlays_trampoline_lowered:
0x8: {  	[smem:$0x3FA3] =	sst s0  }
0x9: {  	[smem:$0x3FA4] =	sst s1  }
0xa: {  	[smem:$0x3FA5] =	sst s2  }
0xb: {  	[smem:$0x3FA6] =	sst s3  }
0xc: {  	[smem:$0x3FA7] =	sst s4  }
0xd: {  	[smem:$0x3FA8] =	sst s5  }
0xe: {  	[smem:$0x3FA9] =	sst s6  }
0xf: {  	[smem:$0x3FAA] =	sst s7  }
0x10: {  	[smem:$0x3FAB] =	sst s8  }
0x11: {  	[smem:$0x3FAC] =	sst s9;
	s0 =	simm.s32 @!p0 $0x0  }
0x12: {  	s1 =	sld [smem:$0x3F92];
	s0 =	simm.s32 @p0 $0x1  }
0x13: {  	[smem:$0x3FAD] =	sst s0;
	s0 =	simm.s32 @!p1 $0x0  }
0x14: {  	s2 =	sld [smem:$0x3F91];
	s0 =	simm.s32 @p1 $0x1  }
0x15: {  	[smem:$0x3FAE] =	sst s0;
	s0 =	simm.s32 @!p2 $0x0  }
0x16: {  	s3 =	sld [smem:$0x3FDB];
	s0 =	simm.s32 @p2 $0x1  }
0x17: {  	s4 =	simm.s32 $0x1BF5;
	[smem:$0x3FB0] =	sst s0  }
0x18: {  	s0 =	sld [smem:$0x3F93];
	_ =	swait.ge [sflag:s4], $0x0  }
0x19: {  	s7 =	sld [smem:$0x3F94]  }
0x1a: {  	s8 =	sadd.s32 $0xFFFFE003, lr  }
0x1b: {  	s9 =	sadd.s32 $0xFFFFFEF7, lr;
	s5 =	simm.s32 $0xFFFFFFFF;
	p2 =	slt.u32 s8, $0xFFFFF086  }
0x1c: {  	p1 =	slt.u32 s9, $0xF7A;
	s5 =	simm.s32 @!p2 $0x0  }
0x1d: {  	s5 =	simm.s32 @p1 $0x1;
	p0 =	seq.s32 s7, s2  }
0x1e: {  	s7 =	smul.u32 @!p0 $0xF7A, s2;
	p2 =	seq.s32 @!p0 s5, $0x0  }
0x1f: {  	s9 =	smul.u32 $0xF7A, s1;
	s8 =	simm.s32 @!p0 $0x1BF5;
	p2 =	por !p2, p0  }
0x20: {  	[sflag:s8] =	ssyncset.s32 @!p0 $0xFFFFF086;
	s6 =	sadd.s32 @!p0 s3, s7;
	s7 =	simm.s32 @!p0 $0x108  }
0x21: {  	s3 =	sadd.s32 s3, s9;
	s6 =	sadd.s32 @!p0 $0x88, s6;
	s7 =	simm.s32 @p2 $0x1082  }
0x22: {  	[simem:s7], [sflag:s8] =	dma.local @!p0 [hbm:s6], $0xF7A  }
0x23: {  	s9 =	sor.u32 $0xD0000000, s2;
	s6 =	simm.s32 $0x108;
	_ =	swait.ge @!p0 [sflag:s8], $0x0  }
0x24: {  	s3 =	sadd.s32 $0x88, s3;
	s6 =	simm.s32 @!p1 $0x1082;
	[sflag:s4] =	ssyncset.s32 $0xFFFFF086  }
0x25: {  	[simem:s6], [sflag:s4] =	dma.local [hbm:s3], $0xF7A  }
0x26: {  	[smem:$0x3F94] =	sst s1;
	(tag) =	ssettag s2;
	_ =	strace s9  }
0x27: {  	s1 =	sld [smem:$0x3FA4]  }
0x28: {  	s2 =	sld [smem:$0x3FA5]  }
0x29: {  	s4 =	sld [smem:$0x3FA7]  }
0x2a: {  	p0 =	seq.s32 s5, $0x0;
	s5 =	sld [smem:$0x3FA8]  }
0x2b: {  	s6 =	sld [smem:$0x3FA9]  }
0x2c: {  	s7 =	sld [smem:$0x3FAA]  }
0x2d: {  	s3 =	simm.s32 $0x108;
	s8 =	sld [smem:$0x3FAB]  }
0x2e: {  	s3 =	simm.s32 @!p0 $0x1082;
	s9 =	sld [smem:$0x3FAC]  }
0x2f: {  	lr =	sadd.s32 s0, s3;
	s0 =	sld [smem:$0x3FA3]  }
0x30: {  	s3 =	sld [smem:$0x3FA6]  }
0x31: {  	[smem:$0x3FAF] =	sst s10  }
0x32: {  	s10 =	sld [smem:$0x3FAD];
	_ =	sdelay $0x3  }
0x33: {  	p0 =	seq.s32 s10, $0x1;
	s10 =	sld [smem:$0x3FAF];
	_ =	sdelay $0x3  }
0x34: {  	[smem:$0x3FAF] =	sst s10  }
0x35: {  	s10 =	sld [smem:$0x3FAE];
	_ =	sdelay $0x3  }
0x36: {  	p1 =	seq.s32 s10, $0x1;
	s10 =	sld [smem:$0x3FAF];
	_ =	sdelay $0x3  }
0x37: {  	[smem:$0x3FAF] =	sst s10  }
0x38: {  	s10 =	sld [smem:$0x3FB0]  }
0x39: {  	_ = 	snop;
	(pc) =	sbr.ind lr, $3  }
0x3a: {  	_ = 	snop  }
0x3b: {  	_ = 	snop  }
0x3c: {  	p2 =	seq.s32 s10, $0x1;
	s10 =	sld [smem:$0x3FAF]  }
0x3d: {  	_ =	shalt  }
0x3e: {  	_ =	shalt  }
0x3f: {  	_ =	shalt  }
0x40: {  	_ =	shalt  }
0x41: {  	_ =	shalt  }
0x42: {  	_ =	shalt  }
0x43: {  	_ =	shalt  }
0x44: {  	_ =	shalt  }
0x45: {  	_ =	shalt  }
0x46: {  	_ =	shalt  }
0x47: {  	_ =	shalt  }
0x48: {  	_ =	shalt  }
0x49: {  	_ =	shalt  }
0x4a: {  	_ =	shalt  }
0x4b: {  	_ =	shalt  }
0x4c: {  	_ =	shalt  }
0x4d: {  	_ =	shalt  }
0x4e: {  	_ =	shalt  }
0x4f: {  	_ =	shalt  }
0x50: {  	_ =	shalt  }
0x51: {  	_ =	shalt  }
0x52: {  	_ =	shalt  }
0x53: {  	_ =	shalt  }
0x54: {  	_ =	shalt  }
0x55: {  	_ =	shalt  }
0x56: {  	_ =	shalt  }
0x57: {  	_ =	shalt  }
0x58: {  	_ =	shalt  }
0x59: {  	_ =	shalt  }
0x5a: {  	_ =	shalt  }
0x5b: {  	_ =	shalt  }
0x5c: {  	_ =	shalt  }
0x5d: {  	_ =	shalt  }
0x5e: {  	_ =	shalt  }
0x5f: {  	_ =	shalt  }
0x60: {  	_ =	shalt  }
0x61: {  	_ =	shalt  }
0x62: {  	_ =	shalt  }
0x63: {  	_ =	shalt  }
0x64: {  	_ =	shalt  }
0x65: {  	_ =	shalt  }
0x66: {  	_ =	shalt  }
0x67: {  	_ =	shalt  }
0x68: {  	_ =	shalt  }
0x69: {  	_ =	shalt  }
0x6a: {  	_ =	shalt  }
0x6b: {  	_ =	shalt  }
0x6c: {  	_ =	shalt  }
0x6d: {  	_ =	shalt  }
0x6e: {  	_ =	shalt  }
0x6f: {  	_ =	shalt  }
0x70: {  	_ =	shalt  }
0x71: {  	_ =	shalt  }
0x72: {  	_ =	shalt  }
0x73: {  	_ =	shalt  }
0x74: {  	_ =	shalt  }
0x75: {  	_ =	shalt  }
0x76: {  	_ =	shalt  }
0x77: {  	_ =	shalt  }
0x78: {  	_ =	shalt  }
0x79: {  	_ =	shalt  }
0x7a: {  	_ =	shalt  }
0x7b: {  	_ =	shalt  }
0x7c: {  	_ =	shalt  }
0x7d: {  	_ =	shalt  }
0x7e: {  	_ =	shalt  }
0x7f: {  	_ =	shalt  }
0x80: {  	_ =	shalt  }
0x81: {  	_ =	shalt  }
0x82: {  	_ =	shalt  }
0x83: {  	_ =	shalt  }
0x84: {  	_ =	shalt  }
0x85: {  	_ =	shalt  }
0x86: {  	_ =	shalt  }
0x87: {  	_ =	shalt  }
.Lfunc_end0:
.L_simem_size_0:
called_computation_lowered:
.L_overlay_start_0:
0x88: {  	s2 =	sld [smem:$0x3FD9]  }
0x89: {  	s3 =	sld [smem:$0x3FFE];
	_ =	sdelay $0x1  }
0x8a: {  	s1 =	srdreg.scid  }
0x8b: {  	s0 =	sand.u32 $0x1, s1  }
0x8c: {  	s16 =	sshll.u32 s0, $0xA;
	s2 =	sadd.s32 s3, s2  }
0x8d: {  	s2 =	sadd.s32 s2, s16  }
0x8e: {  	[smem:$0x3FBB] =	sst s2  }
0x8f: {  	_ = 	snop  }
0x90: {  	(tm) =	ssettm $0x1  }
0x91: {  	s17 =	sld [smem:$0x3FFB];
	_ =	sdelay $0x3  }
0x92: {  	_ =	strace s17  }
0x93: {  	s2 =	sld [smem:$0x3FFC];
	_ =	sdelay $0x3  }
0x94: {  	_ =	strace s2  }
0x95: {  	s2 =	sld [smem:$0x3FFD];
	_ =	sdelay $0x3  }
0x96: {  	_ =	strace s2  }
0x97: {  	_ =	strace $0x8FFFFFFF  }
0x98: {  	s18 =	sld [smem:$0x3FDB];
	_ =	sdelay $0x1  }
0x99: {  	s19 =	simm.s32 $_scs_section_size  }
0x9a: {  	s4 =	simm.s32 $_size__tile_overlayer_lowered;
	s5 =	simm.s32 $_tile_overlayer_lowered  }
0x9b: {  	s22 =	simm.s32 $0x1BFF;
	s21 =	sshll.u32 s5, $0x1;
	s2 =	sadd.s32 s19, s18  }
0x9c: {  	s6 =	simm.s32 $0x0;
	s20 =	sshll.u32 s4, $0x1;
	s4 =	sadd.s32 s21, s2  }
0x9d: {  	[timem:s6], [sflag:s22] =	dma.local [hbm:s4], s20  }
0x9e: {  	_ =	swait.ge [sflag:s22], s20  }
0x9f: {  	s3 =	ssub.s32 $0x0, s20;
	[sflag:s22] =	ssyncset.done $0x0  }
0xa0: {  	[sflag:s22] =	ssyncadd.s32 s3;
	_ =	sdelay $0x1  }
0xa1: {  	s23 =	simm.s32 $0x1B8B  }
0xa2: {  	_ =	swait.ge [sflag:s23], $0x1  }
0xa3: {  	[sflag:s23] =	ssyncset.done $0x0  }
0xa4: {  	s25 =	simm.s32 $0x1B8E;
	s24 =	sld [smem:$0x3FFE];
	[sflag:s23] =	ssyncadd.s32 $0xFFFFFFFF  }
0xa5: {  	s26 =	simm.s32 $execute0_lowered;
	[smem:$0x3FD2] =	sst s25  }
0xa6: {  	s4 =	sshll.u32 s26, $0x1;
	_ =	strace $0x80000046;
	[dreg:$0x1] =	wrdreg $0xFFFFFFFF  }
0xa7: {  	s28 =	simm.s32 $_size_execute0_lowered;
	s2 =	sadd.s32 s2, s4;
	[dreg:$0x0] =	wrdreg $0x0  }
0xa8: {  	s4 =	sshll.u32 s28, $0x1;
	[dreg:$0x2] =	wrdreg s2  }
0xa9: {  	[dreg:$0x3] =	wrdreg s4  }
0xaa: {  	[dreg:$0x4] =	wrdreg $0xC0  }
0xab: {  	_ =	task [dreg:s6], $0x5FFFF  }
0xac: {  	[dreg:$0x1] =	wrdreg $0xFFFFFFFF  }
0xad: {  	[dreg:$0x0] =	wrdreg $0x60  }
0xae: {  	[dreg:$0x2] =	wrdreg s24  }
0xaf: {  	[dreg:$0x3] =	wrdreg $0x25800  }
0xb0: {  	[dreg:$0x4] =	wrdreg $0x9  }
0xb1: {  	_ =	task.clear_ibuf [dreg:s6], $0x5FFFF;
	_ =	strace $0x90000046  }
0xb2: {  	s29 =	simm.s32 $0x9;
	_ =	strace $0x80000048  }
0xb3: {  	_ =	swait.ge [sflag:s29], $0x1  }
0xb4: {  	[sflag:s29] =	ssyncadd.s32 $0xFFFFFFFF  }
0xb5: {  	_ =	strace $0x90000048  }
0xb6: {  	_ =	sfence  }
0xb7: {  	s30 =	sld [smem:$0x0];
	_ =	sdelay $0x2  }
0xb8: {  	s31 =	sshll.u32 s1, $0xD;
	s1 =	sshrl.u32 s1, $0x2  }
0xb9: {  	s3 =	sand.u32 $0x4000, s31;
	s1 =	sadd.s32 s1, s30  }
0xba: {  	s0 =	sor.u32 s3, s0;
	s1 =	sshll.u32 s1, $0x11  }
0xbb: {  	s0 =	sor.u32 s1, s0  }
0xbc: {  	s0 =	sadd.s32 $0x8F2B, s0  }
0xbd: {  	[sflag:s0] =	ssyncadd.remote.s32 $0x1  }
0xbe: {  	_ =	sfence.sel $0xFFFF  }
0xbf: {  	[dreg:$0x0] =	wrdreg $0xFFFFFFFF;
	(pc) =	sbr.abs _section_cstart, $3  }
0xc0: {  	[dreg:$0x1] =	wrdreg $0xFFFFFFFF  }
0xc1: {  	_ =	task.clear_ibuf [dreg:s6], $0x2FFFF;
	_ =	strace $0x9FFFFFFF  }
0xc2: {  	(tm) =	ssettm $0x7FFFFFFF  }
0xc3: {  	_ =	shalt  }
tec
execute0_lowered:
.L_overlay_start_1:
0x0: {  	(tag) =	ssettag $0x1  }
0x1: {  	s4 =	rddreg [dreg:$0x0]  }
0x2: {  	s2 =	rddreg [dreg:$0x1]  }
0x3: {  	s0 =	rddreg [dreg:$0x2];
	s3 =	srdreg.scid  }
0x4: {  	s1 =	stileid.u32;
	s15 =	simm.s32 $0x1;
	s16 =	simm.s32 $0x1900  }
0x5: {  	s5 =	sand.u32 $0x1, s3;
	s6 =	sshll.u32 s1, $0x1;
	s7 =	smul.u32 $0xC80, s1  }
0x6: {  	s3 =	simm.s32 $0x0;
	s6 =	sor.u32 s5, s6;
	s8 =	smul.u32 $0xC800, s5  }
0x7: {  	s17 =	simm.s32 $0xC80;
	[smem:$0x7FF] =	sst s3;
	s6 =	smul.u32 $0x6400, s6  }
0x8: {  	s18 =	simm.s32 $0x0;
	s5 =	ssub.s32 $0x2, s5;
	_ =	strace $0x80000047  }
0x9: {  	s9 =	sshrl.u32 s5, $0x1;
	s8 =	sadd.s32 s7, s8;
	s6 =	sshrl.u32 s6, $0x3  }
0xa: {  	s31 =	ssub.s32 s5, s9;
	s8 =	sshrl.u32 s8, $0x3;
	s14 =	sadd.s32 s6, s4  }
0xb: {  	s30 =	sadd.s32 s8, s4;
	s4 =	sadd.s32 s7, s2;
	s7 =	smax.u32 s31, $0x1  }
0xc: {  	s5 =	sadd.s32 $0x1C600, s30;
	s6 =	sadd.s32 $0x3600, s14;
	s8 =	sadd.s32 $0x3790, s14  }
0xd: {  	s9 =	sadd.s32 $0x3920, s14;
	s10 =	sadd.s32 $0x3AB0, s14;
	s11 =	sadd.s32 $0x3C40, s14  }
0xe: {  	v0 =	vimm.f32 $0.0e+00;
	v1 =	vimm.f32 $1.000000000e+00;
	s12 =	sadd.s32 $0x3DD0, s14;
	s13 =	sadd.s32 $0x3F60, s14;
	s14 =	sadd.s32 $0x40F0, s14  }
.LBB2_1:
0xf: {  	s19 =	simm.s32 $0x0  }
.LBB2_2:
0x10: {  	p0 =	sne.s32 s19, $0x31C0  }
.Ltmp0:
0x11: {  	_ = 	snop;
	(pc) =	sbr.rel @p0 .LBB2_2-.Ltmp0, $3  }
0x12: {  	_ =	sdelay $0x1  }
0x13: {  	s20 =	sshra.s32 s19, $0x2  }
0x14: {  	s19 =	sadd.s32 $0x40, s19;
	[tilespmem:s20+$0x0] =	vst v0  }
0x15: {  	s19 =	simm.s32 $0x40;
	s20 =	simm.s32 $0x0  }
.LBB2_4:
0x16: {  	p0 =	sne.s32 s19, $0x31C0;
	[tilespmem:s20+$0xC80] =	vst v1;
	s20 =	smov.u32 s19;
	s19 =	sadd.s32 $0x40, s19  }
.Ltmp1:
0x17: {  	(pc) =	sbr.rel @p0 .LBB2_4-.Ltmp1, $2  }
0x18: {  	_ =	sdelay $0x2  }
0x19: {  	s20 =	sshra.s32 s20, $0x2  }
0x1a: {  	[tilespmem:s20+$0xC80] =	vst v1  }
0x1b: {  	[spmem:s4] =	stream.linear.scatter [tilespmem:s3], [sflag:$0x1], $0xC80, $0x38;
	[tilespmem:$0x3200] =	vst v63  }
0x1c: {  	_ =	swait.ge [sflag:s15], $0xC80  }
0x1d: {  	[sflag:s15] =	ssyncset.done $0x0  }
0x1e: {  	[sflag:s15] =	ssyncadd.s32 $0xFFFFF380  }
0x1f: {  	[bflag:$0x0] =	sbarrier.arrive $0xFFFF  }
0x20: {  	[tilespmem:s16], [sflag:$0x1] =	stream.linear.gather [hbm4b:s6+s3], $0xC80, $0x38;
	[tilespmem:$0x3200] =	vst v63  }
0x21: {  	_ =	swait.ge [sflag:s15], $0xC80  }
0x22: {  	[sflag:s15] =	ssyncset.done $0x0  }
0x23: {  	[sflag:s15] =	ssyncadd.s32 $0xFFFFF380  }
0x24: {  	[spmem:s2] =	stream.indirect.scatter.add.f32 [tilespmem:s17], [sflag:$0x1], $0x1, s16, s17, $0xb8;
	[tilespmem:$0x3200] =	vst v63  }
0x25: {  	_ =	swait.ge [sflag:s15], $0xC80  }
0x26: {  	[sflag:s15] =	ssyncset.done $0x0  }
0x27: {  	[sflag:s15] =	ssyncadd.s32 $0xFFFFF380  }
0x28: {  	[tilespmem:s16], [sflag:$0x1] =	stream.linear.gather [hbm4b:s8+s3], $0xC80, $0x38;
	[tilespmem:$0x3200] =	vst v63  }
0x29: {  	_ =	swait.ge [sflag:s15], $0xC80  }
0x2a: {  	[sflag:s15] =	ssyncset.done $0x0  }
0x2b: {  	[sflag:s15] =	ssyncadd.s32 $0xFFFFF380  }
0x2c: {  	[spmem:s2] =	stream.indirect.scatter.add.f32 [tilespmem:s17], [sflag:$0x1], $0x1, s16, s17, $0xb8;
	[tilespmem:$0x3200] =	vst v63  }
0x2d: {  	_ =	swait.ge [sflag:s15], $0xC80  }
0x2e: {  	[sflag:s15] =	ssyncset.done $0x0  }
0x2f: {  	[sflag:s15] =	ssyncadd.s32 $0xFFFFF380  }
0x30: {  	[tilespmem:s16], [sflag:$0x1] =	stream.linear.gather [hbm4b:s9+s3], $0xC80, $0x38;
	[tilespmem:$0x3200] =	vst v63  }
0x31: {  	_ =	swait.ge [sflag:s15], $0xC80  }
0x32: {  	[sflag:s15] =	ssyncset.done $0x0  }
0x33: {  	[sflag:s15] =	ssyncadd.s32 $0xFFFFF380  }
0x34: {  	[spmem:s2] =	stream.indirect.scatter.add.f32 [tilespmem:s17], [sflag:$0x1], $0x1, s16, s17, $0xb8;
	[tilespmem:$0x3200] =	vst v63  }
0x35: {  	_ =	swait.ge [sflag:s15], $0xC80  }
0x36: {  	[sflag:s15] =	ssyncset.done $0x0  }
0x37: {  	[sflag:s15] =	ssyncadd.s32 $0xFFFFF380  }
0x38: {  	[tilespmem:s16], [sflag:$0x1] =	stream.linear.gather [hbm4b:s10+s3], $0xC80, $0x38;
	[tilespmem:$0x3200] =	vst v63  }
0x39: {  	_ =	swait.ge [sflag:s15], $0xC80  }
0x3a: {  	[sflag:s15] =	ssyncset.done $0x0  }
0x3b: {  	[sflag:s15] =	ssyncadd.s32 $0xFFFFF380  }
0x3c: {  	[spmem:s2] =	stream.indirect.scatter.add.f32 [tilespmem:s17], [sflag:$0x1], $0x1, s16, s17, $0xb8;
	[tilespmem:$0x3200] =	vst v63  }
0x3d: {  	_ =	swait.ge [sflag:s15], $0xC80  }
0x3e: {  	[sflag:s15] =	ssyncset.done $0x0  }
0x3f: {  	[sflag:s15] =	ssyncadd.s32 $0xFFFFF380  }
0x40: {  	[tilespmem:s16], [sflag:$0x1] =	stream.linear.gather [hbm4b:s11+s3], $0xC80, $0x38;
	[tilespmem:$0x3200] =	vst v63  }
0x41: {  	_ =	swait.ge [sflag:s15], $0xC80  }
0x42: {  	[sflag:s15] =	ssyncset.done $0x0  }
0x43: {  	[sflag:s15] =	ssyncadd.s32 $0xFFFFF380  }
0x44: {  	[spmem:s2] =	stream.indirect.scatter.add.f32 [tilespmem:s17], [sflag:$0x1], $0x1, s16, s17, $0xb8;
	[tilespmem:$0x3200] =	vst v63  }
0x45: {  	_ =	swait.ge [sflag:s15], $0xC80  }
0x46: {  	[sflag:s15] =	ssyncset.done $0x0  }
0x47: {  	[sflag:s15] =	ssyncadd.s32 $0xFFFFF380  }
0x48: {  	[tilespmem:s16], [sflag:$0x1] =	stream.linear.gather [hbm4b:s12+s3], $0xC80, $0x38;
	[tilespmem:$0x3200] =	vst v63  }
0x49: {  	_ =	swait.ge [sflag:s15], $0xC80  }
0x4a: {  	[sflag:s15] =	ssyncset.done $0x0  }
0x4b: {  	[sflag:s15] =	ssyncadd.s32 $0xFFFFF380  }
0x4c: {  	[spmem:s2] =	stream.indirect.scatter.add.f32 [tilespmem:s17], [sflag:$0x1], $0x1, s16, s17, $0xb8;
	[tilespmem:$0x3200] =	vst v63  }
0x4d: {  	_ =	swait.ge [sflag:s15], $0xC80  }
0x4e: {  	[sflag:s15] =	ssyncset.done $0x0  }
0x4f: {  	[sflag:s15] =	ssyncadd.s32 $0xFFFFF380  }
0x50: {  	[tilespmem:s16], [sflag:$0x1] =	stream.linear.gather [hbm4b:s13+s3], $0xC80, $0x38;
	[tilespmem:$0x3200] =	vst v63  }
0x51: {  	_ =	swait.ge [sflag:s15], $0xC80  }
0x52: {  	[sflag:s15] =	ssyncset.done $0x0  }
0x53: {  	[sflag:s15] =	ssyncadd.s32 $0xFFFFF380  }
0x54: {  	[spmem:s2] =	stream.indirect.scatter.add.f32 [tilespmem:s17], [sflag:$0x1], $0x1, s16, s17, $0xb8;
	[tilespmem:$0x3200] =	vst v63  }
0x55: {  	_ =	swait.ge [sflag:s15], $0xC80  }
0x56: {  	[sflag:s15] =	ssyncset.done $0x0  }
0x57: {  	[sflag:s15] =	ssyncadd.s32 $0xFFFFF380  }
0x58: {  	[tilespmem:s16], [sflag:$0x1] =	stream.linear.gather [hbm4b:s14+s3], $0xC80, $0x38;
	[tilespmem:$0x3200] =	vst v63  }
0x59: {  	_ =	swait.ge [sflag:s15], $0xC80  }
0x5a: {  	[sflag:s15] =	ssyncset.done $0x0  }
0x5b: {  	[sflag:s15] =	ssyncadd.s32 $0xFFFFF380  }
0x5c: {  	[spmem:s2] =	stream.indirect.scatter.add.f32 [tilespmem:s17], [sflag:$0x1], $0x1, s16, s17, $0xb8;
	[tilespmem:$0x3200] =	vst v63  }
0x5d: {  	_ =	swait.ge [sflag:s15], $0xC80  }
0x5e: {  	[sflag:s15] =	ssyncset.done $0x0  }
0x5f: {  	[sflag:s15] =	ssyncadd.s32 $0xFFFFF380  }
0x60: {  	[bflag:$0x0] =	sbarrier.arrive $0xFFFF  }
0x61: {  	[tilespmem:s3], [sflag:$0x1] =	stream.linear.gather [spmem:s4], $0xC80, $0x38;
	[tilespmem:$0x3200] =	vst v63  }
0x62: {  	s18 =	sadd.s32 $0x1, s18;
	_ =	swait.ge [sflag:s15], $0xC80  }
0x63: {  	p0 =	sne.s32 s18, s7;
	[sflag:s15] =	ssyncset.done $0x0  }
.Ltmp2:
0x64: {  	[sflag:s15] =	ssyncadd.s32 $0xFFFFF380;
	(pc) =	sbr.rel @p0 .LBB2_1-.Ltmp2, $4  }
0x65: {  	[hbm4b:s5+s3] =	stream.linear.scatter [tilespmem:s3], [sflag:$0x1], $0xC80, $0x38;
	[tilespmem:$0x3200] =	vst v63  }
0x66: {  	_ =	swait.ge [sflag:s15], $0xC80  }
0x67: {  	[sflag:s15] =	ssyncset.done $0x0  }
0x68: {  	[sflag:s15] =	ssyncadd.s32 $0xFFFFF380  }
0x69: {  	_ =	sfence.sel $0x180000  }
0x6a: {  	[bflag:$0x0] =	sbarrier.arrive $0xFFFF  }
0x6b: {  	p0 =	sne.s32 s1, $0x0;
	_ =	strace $0x90000047  }
0x6c: {  	s0 =	sadd.s32 @!p0 $0x100000, s0;
	[bflag:$0x2] =	sbarrier.arrive $0xFFFF  }
0x6d: {  	[sflag:s0] =	ssyncadd.tile.s32 @!p0 $0x1;
	_ =	shalt  }
.Lfunc_end2:
_tile_overlayer_lowered:
.L_overlay_start_2:
0x6e: {  	(tag) =	ssettag $0x2  }
0x6f: {  	s0 =	rddreg [dreg:$0x0];
	s2 =	stileid.u32  }
0x70: {  	s1 =	rddreg [dreg:$0x1];
	p0 =	sne.s32 s2, $0x0  }
0x71: {  	s3 =	rddreg [dreg:$0x2];
	[bflag:$0x3] =	sbarrier.arrive $0xFFFF;
	s2 =	simm.s32 @!p0 $0x1C01  }
0x72: {  	[timem:s3], [sflag:s2] =	dma.local @!p0 [hbm:s0], s1  }
0x73: {  	s0 =	simm.s32 @!p0 $0x1  }
0x74: {  	_ =	swait.ge @!p0 [sflag:s0], s1  }
0x75: {  	s1 =	ssub.s32 @!p0 $0x0, s1;
	[sflag:s0] =	ssyncset.done @!p0 $0x0  }
0x76: {  	[sflag:s0] =	ssyncadd.s32 @!p0 s1  }
0x77: {  	[bflag:$0x3] =	sbarrier.arrive $0xFFFF  }
0x78: {  	_ =	shalt  }

</sc_bundles>
